<compile_context>
chip_gen: v7x
topology: tpu7x:2x2x1
jax: 0.10.2.dev20260603
libtpu: 0.0.44.dev20260713+nightly
codegen_flags: <defaults>
</compile_context>

<pallas_src>
import jax
import jax.numpy as jnp
from jax import lax
from jax.experimental import pallas as pl
from jax.experimental.pallas import tpu as pltpu
from jax.experimental.pallas import tpu_sc as plsc

N = 10000
E = 160000
D = 256
DH = 128
NC = 2
NS = 16
EB = 80
EPT = E // NS
STEPS = EPT // EB
NGP = (STEPS - 1) // 2
ROWS_PT = 624
TAIL0 = ROWS_PT * NS
TAILR = N - TAIL0
EB_D = 40
EPT_D = E // (NC * NS)
STEPS_D = EPT_D // EB_D
NGP_D = (STEPS_D - 1) // 2
ZR = 48

_f32 = jnp.float32



def _mm_split_body(x_ref, w_ref, o_ref):
    r = jnp.dot(x_ref[...], w_ref[...], preferred_element_type=_f32)
    o_ref[0] = r[:, :DH]
    o_ref[1] = r[:, DH:]


def _mm_split(x, w, mb):
    m, k = x.shape
    return pl.pallas_call(
        _mm_split_body,
        grid=(m // mb,),
        in_specs=[pl.BlockSpec((mb, k), lambda i: (i, 0)),
                  pl.BlockSpec((k, D), lambda i: (0, 0))],
        out_specs=pl.BlockSpec((NC, mb, DH), lambda i: (0, i, 0)),
        out_shape=jax.ShapeDtypeStruct((NC, m, DH), _f32),
    )(x, w)


def _post_body(h_ref, agg_ref, deg_ref, ws_ref, wa_ref, o_ref):
    deg = deg_ref[0, :, 0:1] + deg_ref[1, :, 0:1]
    inv = 1.0 / jnp.maximum(deg, 1.0)
    agg = jnp.concatenate([agg_ref[0], agg_ref[1]], axis=1) * inv
    r = jnp.dot(h_ref[...], ws_ref[...], preferred_element_type=_f32)
    r = r + jnp.dot(agg, wa_ref[...], preferred_element_type=_f32)
    o_ref[...] = jnp.maximum(r, 0.0)


def _post(h, agg2, deg2, ws, wa, mb=1000):
    return pl.pallas_call(
        _post_body,
        grid=(N // mb,),
        in_specs=[pl.BlockSpec((mb, D), lambda i: (i, 0)),
                  pl.BlockSpec((NC, mb, DH), lambda i: (0, i, 0)),
                  pl.BlockSpec((NC, mb, DH), lambda i: (0, i, 0)),
                  pl.BlockSpec((D, D), lambda i: (0, 0)),
                  pl.BlockSpec((D, D), lambda i: (0, 0))],
        out_specs=pl.BlockSpec((mb, D), lambda i: (i, 0)),
        out_shape=jax.ShapeDtypeStruct((N, D), _f32),
    )(h, agg2, deg2, ws, wa)


def _mm_body(x_ref, w_ref, o_ref):
    o_ref[...] = jnp.dot(x_ref[...], w_ref[...], preferred_element_type=_f32)


def _mm(x, w, mb=1000):
    m, k = x.shape
    return pl.pallas_call(
        _mm_body,
        grid=(m // mb,),
        in_specs=[pl.BlockSpec((mb, k), lambda i: (i, 0)),
                  pl.BlockSpec((k, D), lambda i: (0, 0))],
        out_specs=pl.BlockSpec((mb, D), lambda i: (i, 0)),
        out_shape=jax.ShapeDtypeStruct((m, D), _f32),
    )(x, w)



def _edge_pass_body(a_hbm, e_hbm, src2_hbm, dst_hbm, agg_out, deg_out,
                    idx_s0, idx_s1, idx_d0, idx_d1, idx_sc0, idx_sc1,
                    idx_dd0, idx_dd1, iscd0, iscd1,
                    eb0, eb1, sb0, sb1, zrow, agg_sh,
                    sl0, sl1, sg0, sg1, ssc0, ssc1):
    c = lax.axis_index("c")
    s = lax.axis_index("s")
    slot = ((idx_s0, idx_d0, idx_sc0, eb0, sb0, sl0, sg0, ssc0),
            (idx_s1, idx_d1, idx_sc1, eb1, sb1, sl1, sg1, ssc1))
    dslot = ((idx_dd0, iscd0, sl0, ssc0), (idx_dd1, iscd1, sl1, ssc1))

    def _fill(i, _):
        r = i // 8
        g = i % 8
        zrow[r, pl.ds(g * 16, 16)] = jnp.zeros((16,), _f32)
        return 0
    lax.fori_loop(0, ZR * 8, _fill, 0)

    row0 = s * ROWS_PT

    def _zero_acc():
        for k in range(ROWS_PT // ZR):
            pltpu.sync_copy(zrow, agg_sh.at[pl.ds(row0 + k * ZR, ZR)])

        @pl.when(s == NS - 1)
        def _():
            pltpu.sync_copy(zrow.at[pl.ds(0, TAILR)],
                            agg_sh.at[pl.ds(TAIL0, TAILR)])

    _zero_acc()
    plsc.subcore_barrier()

    def issue_loads(p, b):
        ids, idd, _, ebf, _, sl, _, _ = slot[p]
        base = s * EPT + b * EB
        pltpu.async_copy(src2_hbm.at[pl.ds(c * E + base, EB)], ids, sl)
        pltpu.async_copy(dst_hbm.at[pl.ds(base, EB)], idd, sl)
        pltpu.async_copy(e_hbm.at[pl.ds(c * E + base, EB)], ebf, sl)

    def wait_loads(p):
        ids, idd, _, ebf, _, sl, _, _ = slot[p]
        pltpu.make_async_copy(src2_hbm.at[pl.ds(0, EB)], ids, sl).wait()
        pltpu.make_async_copy(dst_hbm.at[pl.ds(0, EB)], idd, sl).wait()
        pltpu.make_async_copy(e_hbm.at[pl.ds(0, EB)], ebf, sl).wait()

    def issue_gather(p):
        ids, _, _, _, sbf, _, sg, _ = slot[p]
        pltpu.async_copy(a_hbm.at[ids], sbf, sg)

    def wait_gather(p):
        ids, _, _, _, sbf, _, sg, _ = slot[p]
        pltpu.make_async_copy(a_hbm.at[ids], sbf, sg).wait()

    def wait_scatter(p):
        _, _, isc, _, sbf, _, _, ssc = slot[p]
        pltpu.make_async_copy(sbf, agg_sh.at[isc], ssc).wait()

    def do_step(p):
        ids, idd, isc, ebf, sbf, sl, sg, ssc = slot[p]
        wait_gather(p)

        def _relu_row(r, _):
            for gg in range(DH // 16):
                d = pl.ds(gg * 16, 16)
                sbf[r, d] = jnp.maximum(ebf[r, d] + sbf[r, d], 0.0)
            return 0
        lax.fori_loop(0, EB, _relu_row, 0)
        for off in range(0, EB, 16):
            isc[pl.ds(off, 16)] = idd[pl.ds(off, 16)]
        pltpu.async_copy(sbf, agg_sh.at[isc], ssc, add=True)

    issue_loads(0, 0)
    issue_loads(1, 1)
    wait_loads(0)
    issue_gather(0)

    def _pair(g, _):
        for p in (0, 1):
            q = 1 - p
            b = 2 * g + p
            do_step(p)
            if p == 0:
                issue_loads(p, b + 2)
            else:
                @pl.when(g < NGP - 1)
                def _():
                    issue_loads(p, b + 2)
            wait_loads(q)
            if p == 0:
                @pl.when(g >= 1)
                def _():
                    wait_scatter(q)
            else:
                wait_scatter(q)
            issue_gather(q)
        return 0

    lax.fori_loop(0, NGP, _pair, 0)

    do_step(0)
    wait_scatter(0)
    wait_scatter(1)
    plsc.subcore_barrier()

    pltpu.sync_copy(agg_sh.at[pl.ds(row0, ROWS_PT)],
                    agg_out.at[pl.ds(c * N + row0, ROWS_PT)])

    @pl.when(s == NS - 1)
    def _():
        pltpu.sync_copy(agg_sh.at[pl.ds(TAIL0, TAILR)],
                        agg_out.at[pl.ds(c * N + TAIL0, TAILR)])
    plsc.subcore_barrier()

    if True:
        _zero_acc()

        def _fill2(i, _):
            r = i // 8
            g = i % 8
            sb0[r, pl.ds(g * 16, 16)] = jnp.ones((16,), _f32)
            return 0
        lax.fori_loop(0, EB_D * 8, _fill2, 0)
    plsc.subcore_barrier()

    if True:
        ones_src = sb0.at[pl.ds(0, EB_D)]

        def dissue(p, b):
            idd, _, sl, _ = dslot[p]
            base = (c * NS + s) * EPT_D + b * EB_D
            pltpu.async_copy(dst_hbm.at[pl.ds(base, EB_D)], idd, sl)

        def dwait(p):
            idd, _, sl, _ = dslot[p]
            pltpu.make_async_copy(dst_hbm.at[pl.ds(0, EB_D)], idd, sl).wait()

        def dcopy_idx(p):
            idd, isc, _, _ = dslot[p]
            for off in (0, 16, EB_D - 16):
                isc[pl.ds(off, 16)] = idd[pl.ds(off, 16)]

        dissue(0, 0)
        dissue(1, 1)

        def _dpair(g, _):
            for p in (0, 1):
                b = 2 * g + p
                _, isc, _, ssc = dslot[p]
                dwait(p)

                @pl.when(g >= 1)
                def _():
                    pltpu.make_async_copy(ones_src, agg_sh.at[isc], ssc).wait()
                dcopy_idx(p)
                pltpu.async_copy(ones_src, agg_sh.at[isc], ssc, add=True)
                if p == 0:
                    dissue(p, b + 2)
                else:
                    @pl.when(g < NGP_D - 1)
                    def _():
                        dissue(p, b + 2)
            return 0

        lax.fori_loop(0, NGP_D, _dpair, 0)

        dwait(0)
        pltpu.make_async_copy(ones_src, agg_sh.at[dslot[0][1]], dslot[0][3]).wait()
        dcopy_idx(0)
        pltpu.async_copy(ones_src, agg_sh.at[dslot[0][1]], dslot[0][3], add=True)
        pltpu.make_async_copy(ones_src, agg_sh.at[dslot[0][1]], dslot[0][3]).wait()
        pltpu.make_async_copy(ones_src, agg_sh.at[dslot[1][1]], dslot[1][3]).wait()
    plsc.subcore_barrier()

    pltpu.sync_copy(agg_sh.at[pl.ds(row0, ROWS_PT)],
                    deg_out.at[pl.ds(c * N + row0, ROWS_PT)])

    @pl.when(s == NS - 1)
    def _():
        pltpu.sync_copy(agg_sh.at[pl.ds(TAIL0, TAILR)],
                        deg_out.at[pl.ds(c * N + TAIL0, TAILR)])


def _edge_pass(a2, e2, src2, dst):
    mesh = plsc.VectorSubcoreMesh(core_axis_name="c", subcore_axis_name="s",
                                  num_cores=NC, num_subcores=NS)
    f = pl.kernel(
        _edge_pass_body,
        out_type=[jax.ShapeDtypeStruct((NC * N, DH), _f32),
                  jax.ShapeDtypeStruct((NC * N, DH), _f32)],
        mesh=mesh,
        scratch_types=[
            pltpu.VMEM((EB,), jnp.int32),
            pltpu.VMEM((EB,), jnp.int32),
            pltpu.VMEM((EB,), jnp.int32),
            pltpu.VMEM((EB,), jnp.int32),
            pltpu.VMEM((EB,), jnp.int32),
            pltpu.VMEM((EB,), jnp.int32),
            pltpu.VMEM((EB_D,), jnp.int32),
            pltpu.VMEM((EB_D,), jnp.int32),
            pltpu.VMEM((EB_D,), jnp.int32),
            pltpu.VMEM((EB_D,), jnp.int32),
            pltpu.VMEM((EB, DH), _f32),
            pltpu.VMEM((EB, DH), _f32),
            pltpu.VMEM((EB, DH), _f32),
            pltpu.VMEM((EB, DH), _f32),
            pltpu.VMEM((ZR, DH), _f32),
            pltpu.VMEM_SHARED((N, DH), _f32),
            pltpu.SemaphoreType.DMA,
            pltpu.SemaphoreType.DMA,
            pltpu.SemaphoreType.DMA,
            pltpu.SemaphoreType.DMA,
            pltpu.SemaphoreType.DMA,
            pltpu.SemaphoreType.DMA,
        ],
    )
    return f(a2, e2, src2, dst)



def kernel(x, edge_index, edge_attr,
           W_msg0, W_edge0, W_self0, W_agg0,
           W_msg1, W_edge1, W_self1, W_agg1,
           W_out):
    src = edge_index[0]
    dst = edge_index[1]
    src2 = jnp.concatenate([src, src + N])

    Wm = jnp.stack([W_msg0, W_msg1])
    We = jnp.stack([W_edge0, W_edge1])
    Ws = jnp.stack([W_self0, W_self1])
    Wa = jnp.stack([W_agg0, W_agg1])

    def layer(h, ws):
        wm, we, wself, wagg = ws
        e = _mm_split(edge_attr, we, 2000).reshape(NC * E, DH)
        a = _mm_split(h, wm, 1000).reshape(NC * N, DH)
        agg, deg2 = _edge_pass(a, e, src2, dst)
        h2 = _post(h, agg.reshape(NC, N, DH), deg2.reshape(NC, N, DH),
                   wself, wagg)
        return h2, 0

    h_final, _ = lax.scan(layer, x, (Wm, We, Ws, Wa))
    return _mm(h_final, W_out)

# --- scband reference (transcript-rebuilt; emitter-appended) ---
"""Pipeline reference for scband-model-21569325760600 (READ-ONLY COPY).

The authoritative reference and input builder live on the scoring server;
editing this copy changes nothing except your own understanding.
"""

import jax, jax.numpy as jnp
import numpy as np

N_NODES = 10000
N_EDGES = 160000
D_FEAT = 256
D_EDGE = 16
D_HID = 256
D_OUT = 256


def setup_inputs(seed: int = 0) -> dict:
    key = jax.random.key(seed)
    ks = jax.random.split(key, 16)
    s_feat = 1.0 / np.sqrt(D_FEAT)
    s_edge = 1.0 / np.sqrt(D_EDGE)
    s_hid = 1.0 / np.sqrt(D_HID)
    inp = {
        "x": jax.random.normal(ks[0], (N_NODES, D_FEAT), dtype=jnp.float32),
        "edge_index": jax.random.randint(ks[1], (2, N_EDGES), 0, N_NODES, dtype=jnp.int32),
        "edge_attr": jax.random.normal(ks[2], (N_EDGES, D_EDGE), dtype=jnp.float32),
        "W_msg0": jax.random.normal(ks[3], (D_FEAT, D_HID), dtype=jnp.float32) * s_feat,
        "W_edge0": jax.random.normal(ks[4], (D_EDGE, D_HID), dtype=jnp.float32) * s_edge,
        "W_self0": jax.random.normal(ks[5], (D_FEAT, D_HID), dtype=jnp.float32) * s_feat,
        "W_agg0": jax.random.normal(ks[6], (D_HID, D_HID), dtype=jnp.float32) * s_hid,
        "W_msg1": jax.random.normal(ks[7], (D_HID, D_HID), dtype=jnp.float32) * s_hid,
        "W_edge1": jax.random.normal(ks[8], (D_EDGE, D_HID), dtype=jnp.float32) * s_edge,
        "W_self1": jax.random.normal(ks[9], (D_HID, D_HID), dtype=jnp.float32) * s_hid,
        "W_agg1": jax.random.normal(ks[10], (D_HID, D_HID), dtype=jnp.float32) * s_hid,
        "W_out": jax.random.normal(ks[11], (D_HID, D_OUT), dtype=jnp.float32) * s_hid,
    }
    return inp


def reference(x, edge_index, edge_attr,
              W_msg0, W_edge0, W_self0, W_agg0,
              W_msg1, W_edge1, W_self1, W_agg1,
              W_out):
    src = edge_index[0]
    dst = edge_index[1]
    n = x.shape[0]
    deg = jax.ops.segment_sum(jnp.ones((src.shape[0], 1), dtype=x.dtype), dst, num_segments=n)
    deg = jnp.maximum(deg, 1.0)
    h = x
    for (Wm, We, Ws, Wa) in ((W_msg0, W_edge0, W_self0, W_agg0),
                              (W_msg1, W_edge1, W_self1, W_agg1)):
        # gather source node features along edges (SparseCore gather)
        h_src = jnp.take(h, src, axis=0)
        msg = jax.nn.relu(h_src @ Wm + edge_attr @ We)
        # scatter-add messages to destination nodes (SparseCore scatter)
        agg = jax.ops.segment_sum(msg, dst, num_segments=n) / deg
        h = jax.nn.relu(h @ Ws + agg @ Wa)
    return h @ W_out

if __name__ == "__main__":
    import jax
    _d = setup_inputs()
    print(jax.jit(kernel)(*tuple(_d.values())))

</pallas_src>

<mosaic_0001>
#map = affine_map<(d0, d1) -> (0, 0)>
#map1 = affine_map<(d0, d1) -> (0)>
module attributes {stable_mosaic.version = 14 : i64} {
  func.func @_edge_pass_body(%arg0: i32, %arg1: i32, %arg2: memref<20000x128xf32, #tpu.memory_space<hbm>>, %arg3: memref<320000x128xf32, #tpu.memory_space<hbm>>, %arg4: memref<320000xi32, #tpu.memory_space<hbm>>, %arg5: memref<160000xi32, #tpu.memory_space<hbm>>, %arg6: memref<20000x128xf32, #tpu.memory_space<hbm>>, %arg7: memref<20000x128xf32, #tpu.memory_space<hbm>>, %arg8: memref<80xi32, #tpu.memory_space<vmem>>, %arg9: memref<80xi32, #tpu.memory_space<vmem>>, %arg10: memref<80xi32, #tpu.memory_space<vmem>>, %arg11: memref<80xi32, #tpu.memory_space<vmem>>, %arg12: memref<80xi32, #tpu.memory_space<vmem>>, %arg13: memref<80xi32, #tpu.memory_space<vmem>>, %arg14: memref<40xi32, #tpu.memory_space<vmem>>, %arg15: memref<40xi32, #tpu.memory_space<vmem>>, %arg16: memref<40xi32, #tpu.memory_space<vmem>>, %arg17: memref<40xi32, #tpu.memory_space<vmem>>, %arg18: memref<80x128xf32, #tpu.memory_space<vmem>>, %arg19: memref<80x128xf32, #tpu.memory_space<vmem>>, %arg20: memref<80x128xf32, #tpu.memory_space<vmem>>, %arg21: memref<80x128xf32, #tpu.memory_space<vmem>>, %arg22: memref<48x128xf32, #tpu.memory_space<vmem>>, %arg23: memref<10000x128xf32, #tpu.memory_space<vmem_shared>>, %arg24: memref<!tpu.dma_semaphore, #tpu.memory_space<semaphore_mem>>, %arg25: memref<!tpu.dma_semaphore, #tpu.memory_space<semaphore_mem>>, %arg26: memref<!tpu.dma_semaphore, #tpu.memory_space<semaphore_mem>>, %arg27: memref<!tpu.dma_semaphore, #tpu.memory_space<semaphore_mem>>, %arg28: memref<!tpu.dma_semaphore, #tpu.memory_space<semaphore_mem>>, %arg29: memref<!tpu.dma_semaphore, #tpu.memory_space<semaphore_mem>>) attributes {dimension_semantics = [#tpu.dimension_semantics<core_parallel>, #tpu.dimension_semantics<subcore_parallel>], iteration_bounds = array<i64: 2, 16>, scalar_prefetch = 0 : i64, scratch_operands = 22 : i64, tpu.core_type = #tpu.core_type<sc_vector_subcore>, window_params = [{transform_indices = #map}, {transform_indices = #map}, {transform_indices = #map1}, {transform_indices = #map1}, {transform_indices = #map}, {transform_indices = #map}]} {
    %scan3A = arith.constant 0 : i32
    %scan3A_0 = arith.constant 0 : i32
    %scan3A_1 = arith.constant 384 : i32
    %scan3A_2 = arith.addi %scan3A_0, %scan3A_1 : i32
    %scan3A_3 = arith.constant 1 : i32
    %scan3A_4 = scf.for %scan3A_276 = %scan3A_0 to %scan3A_2 step %scan3A_3 iter_args(%scan3A_277 = %scan3A) -> (i32)  : i32 {
      %jit3A = arith.constant 8 : i32
      %div3A = arith.divsi %scan3A_276, %jit3A : i32
      %sign3A = arith.constant 0 : i32
      %sign3A_278 = arith.cmpi sgt, %scan3A_276, %sign3A : i32
      %sign3A_279 = arith.extui %sign3A_278 : i1 to i32
      %sign3A_280 = arith.constant 0 : i32
      %sign3A_281 = arith.cmpi slt, %scan3A_276, %sign3A_280 : i32
      %sign3A_282 = arith.extui %sign3A_281 : i1 to i32
      %sign3A_283 = arith.subi %sign3A_279, %sign3A_282 : i32
      %sign3A_284 = arith.constant 0 : i32
      %sign3A_285 = arith.cmpi sgt, %jit3A, %sign3A_284 : i32
      %sign3A_286 = arith.extui %sign3A_285 : i1 to i32
      %sign3A_287 = arith.constant 0 : i32
      %sign3A_288 = arith.cmpi slt, %jit3A, %sign3A_287 : i32
      %sign3A_289 = arith.extui %sign3A_288 : i1 to i32
      %sign3A_290 = arith.subi %sign3A_286, %sign3A_289 : i32
      %ne3A = arith.cmpi ne, %sign3A_283, %sign3A_290 : i32
      %rem3A = arith.remsi %scan3A_276, %jit3A : i32
      %ne3A_291 = arith.constant 0 : i32
      %ne3A_292 = arith.cmpi ne, %rem3A, %ne3A_291 : i32
      %and3A = arith.andi %ne3A, %ne3A_292 : i1
      %sub3A = arith.constant 1 : i32
      %sub3A_293 = arith.subi %div3A, %sub3A : i32
      %select_n3A = arith.select %and3A, %sub3A_293, %div3A : i32
      %jit3A_294 = arith.constant 8 : i32
      %eq3A_295 = arith.constant 0 : i32
      %eq3A_296 = arith.cmpi eq, %jit3A_294, %eq3A_295 : i32
      %jit3A_297 = arith.constant 1 : i32
      %select_n3A_298 = arith.select %eq3A_296, %jit3A_297, %jit3A_294 : i32
      %rem3A_299 = arith.remsi %scan3A_276, %select_n3A_298 : i32
      %ne3A_300 = arith.constant 0 : i32
      %ne3A_301 = arith.cmpi ne, %rem3A_299, %ne3A_300 : i32
      %lt3A = arith.constant 0 : i32
      %lt3A_302 = arith.cmpi slt, %rem3A_299, %lt3A : i32
      %lt3A_303 = arith.constant 0 : i32
      %lt3A_304 = arith.cmpi slt, %select_n3A_298, %lt3A_303 : i32
      %ne3A_305 = arith.xori %lt3A_302, %lt3A_304 : i1
      %and3A_306 = arith.andi %ne3A_305, %ne3A_301 : i1
      %add3A_307 = arith.addi %rem3A_299, %select_n3A_298 : i32
      %select_n3A_308 = arith.select %and3A_306, %add3A_307, %rem3A_299 : i32
      %broadcast_in_dim3A = arith.constant 0.000000e+00 : f32
      %broadcast_in_dim3A_309 = vector.broadcast %broadcast_in_dim3A : f32 to vector<16xf32>
      %mul3A_310 = arith.constant 16 : i32
      %mul3A_311 = arith.muli %select_n3A_308, %mul3A_310 : i32
      %swap3A_312 = arith.index_cast %select_n3A : i32 to index
      %swap3A_313 = arith.index_cast %mul3A_311 : i32 to index
      %swap3A_314 = tpu.vector_load %arg22[%swap3A_312, %swap3A_313] {strides = array<i32>} : memref<48x128xf32, #tpu.memory_space<vmem>>, vector<1x16xf32>,
      %swap3A_315 = vector.shape_cast %swap3A_314 : vector<1x16xf32> to vector<16xf32>
      %swap3A_316 = vector.shape_cast %broadcast_in_dim3A_309 : vector<16xf32> to vector<1x16xf32>
      tpu.vector_store %arg22[%swap3A_312, %swap3A_313], %swap3A_316 {strides = array<i32>} : memref<48x128xf32, #tpu.memory_space<vmem>>, vector<1x16xf32>,
      %scan3A_317 = arith.constant 0 : i32
      scf.yield %scan3A_317 : i32
    }
    %scan3A_5 = arith.constant 384 : i32
    %mul3A = arith.constant 624 : i32
    %mul3A_6 = arith.muli %arg1, %mul3A : i32
    %add3A = arith.constant 0 : i32
    %add3A_7 = arith.addi %mul3A_6, %add3A : i32
    "tpu.region"() ({
      %run_scoped3A = tpu.sem_alloc : memref<!tpu.dma_semaphore, #tpu.memory_space<semaphore_mem>>
      %dma_start3A_276 = arith.constant 0 : i32
      %dma_start3A_277 = tpu.memref_slice %arg23[%add3A_7, %dma_start3A_276] : memref<10000x128xf32, #tpu.memory_space<vmem_shared>> -> memref<48x128xf32, #tpu.memory_space<vmem_shared>>
      %dma_start3A_278 = arith.constant 0 : i32
      %dma_start3A_279 = tpu.memref_slice %arg23[%add3A_7, %dma_start3A_278] : memref<10000x128xf32, #tpu.memory_space<vmem_shared>> -> memref<48x128xf32, #tpu.memory_space<vmem_shared>>
      tpu.enqueue_dma source(%arg22 : memref<48x128xf32, #tpu.memory_space<vmem>>) target(%dma_start3A_279 : memref<48x128xf32, #tpu.memory_space<vmem_shared>>) target_semaphore(%run_scoped3A : memref<!tpu.dma_semaphore, #tpu.memory_space<semaphore_mem>>)
      %dma_wait3A_280 = arith.constant 0 : i32
      %dma_wait3A_281 = tpu.memref_slice %arg23[%add3A_7, %dma_wait3A_280] : memref<10000x128xf32, #tpu.memory_space<vmem_shared>> -> memref<48x128xf32, #tpu.memory_space<vmem_shared>>
      %dma_wait3A_282 = arith.constant 0 : i32
      %dma_wait3A_283 = tpu.memref_slice %arg23[%add3A_7, %dma_wait3A_282] : memref<10000x128xf32, #tpu.memory_space<vmem_shared>> -> memref<48x128xf32, #tpu.memory_space<vmem_shared>>
      tpu.wait_dma2 semaphore(%run_scoped3A : memref<!tpu.dma_semaphore, #tpu.memory_space<semaphore_mem>>) src(%arg22 : memref<48x128xf32, #tpu.memory_space<vmem>>) dst(%dma_wait3A_283 : memref<48x128xf32, #tpu.memory_space<vmem_shared>>)
      tpu.yield
    }) : () -> ()
    %add3A_8 = arith.constant 48 : i32
    %add3A_9 = arith.addi %mul3A_6, %add3A_8 : i32
    "tpu.region"() ({
      %run_scoped3A = tpu.sem_alloc : memref<!tpu.dma_semaphore, #tpu.memory_space<semaphore_mem>>
      %dma_start3A_276 = arith.constant 0 : i32
      %dma_start3A_277 = tpu.memref_slice %arg23[%add3A_9, %dma_start3A_276] : memref<10000x128xf32, #tpu.memory_space<vmem_shared>> -> memref<48x128xf32, #tpu.memory_space<vmem_shared>>
      %dma_start3A_278 = arith.constant 0 : i32
      %dma_start3A_279 = tpu.memref_slice %arg23[%add3A_9, %dma_start3A_278] : memref<10000x128xf32, #tpu.memory_space<vmem_shared>> -> memref<48x128xf32, #tpu.memory_space<vmem_shared>>
      tpu.enqueue_dma source(%arg22 : memref<48x128xf32, #tpu.memory_space<vmem>>) target(%dma_start3A_279 : memref<48x128xf32, #tpu.memory_space<vmem_shared>>) target_semaphore(%run_scoped3A : memref<!tpu.dma_semaphore, #tpu.memory_space<semaphore_mem>>)
      %dma_wait3A_280 = arith.constant 0 : i32
      %dma_wait3A_281 = tpu.memref_slice %arg23[%add3A_9, %dma_wait3A_280] : memref<10000x128xf32, #tpu.memory_space<vmem_shared>> -> memref<48x128xf32, #tpu.memory_space<vmem_shared>>
      %dma_wait3A_282 = arith.constant 0 : i32
      %dma_wait3A_283 = tpu.memref_slice %arg23[%add3A_9, %dma_wait3A_282] : memref<10000x128xf32, #tpu.memory_space<vmem_shared>> -> memref<48x128xf32, #tpu.memory_space<vmem_shared>>
      tpu.wait_dma2 semaphore(%run_scoped3A : memref<!tpu.dma_semaphore, #tpu.memory_space<semaphore_mem>>) src(%arg22 : memref<48x128xf32, #tpu.memory_space<vmem>>) dst(%dma_wait3A_283 : memref<48x128xf32, #tpu.memory_space<vmem_shared>>)
      tpu.yield
    }) : () -> ()
    %add3A_10 = arith.constant 96 : i32
    %add3A_11 = arith.addi %mul3A_6, %add3A_10 : i32
    "tpu.region"() ({
      %run_scoped3A = tpu.sem_alloc : memref<!tpu.dma_semaphore, #tpu.memory_space<semaphore_mem>>
      %dma_start3A_276 = arith.constant 0 : i32
      %dma_start3A_277 = tpu.memref_slice %arg23[%add3A_11, %dma_start3A_276] : memref<10000x128xf32, #tpu.memory_space<vmem_shared>> -> memref<48x128xf32, #tpu.memory_space<vmem_shared>>
      %dma_start3A_278 = arith.constant 0 : i32
      %dma_start3A_279 = tpu.memref_slice %arg23[%add3A_11, %dma_start3A_278] : memref<10000x128xf32, #tpu.memory_space<vmem_shared>> -> memref<48x128xf32, #tpu.memory_space<vmem_shared>>
      tpu.enqueue_dma source(%arg22 : memref<48x128xf32, #tpu.memory_space<vmem>>) target(%dma_start3A_279 : memref<48x128xf32, #tpu.memory_space<vmem_shared>>) target_semaphore(%run_scoped3A : memref<!tpu.dma_semaphore, #tpu.memory_space<semaphore_mem>>)
      %dma_wait3A_280 = arith.constant 0 : i32
      %dma_wait3A_281 = tpu.memref_slice %arg23[%add3A_11, %dma_wait3A_280] : memref<10000x128xf32, #tpu.memory_space<vmem_shared>> -> memref<48x128xf32, #tpu.memory_space<vmem_shared>>
      %dma_wait3A_282 = arith.constant 0 : i32
      %dma_wait3A_283 = tpu.memref_slice %arg23[%add3A_11, %dma_wait3A_282] : memref<10000x128xf32, #tpu.memory_space<vmem_shared>> -> memref<48x128xf32, #tpu.memory_space<vmem_shared>>
      tpu.wait_dma2 semaphore(%run_scoped3A : memref<!tpu.dma_semaphore, #tpu.memory_space<semaphore_mem>>) src(%arg22 : memref<48x128xf32, #tpu.memory_space<vmem>>) dst(%dma_wait3A_283 : memref<48x128xf32, #tpu.memory_space<vmem_shared>>)
      tpu.yield
    }) : () -> ()
    %add3A_12 = arith.constant 144 : i32
    %add3A_13 = arith.addi %mul3A_6, %add3A_12 : i32
    "tpu.region"() ({
      %run_scoped3A = tpu.sem_alloc : memref<!tpu.dma_semaphore, #tpu.memory_space<semaphore_mem>>
      %dma_start3A_276 = arith.constant 0 : i32
      %dma_start3A_277 = tpu.memref_slice %arg23[%add3A_13, %dma_start3A_276] : memref<10000x128xf32, #tpu.memory_space<vmem_shared>> -> memref<48x128xf32, #tpu.memory_space<vmem_shared>>
      %dma_start3A_278 = arith.constant 0 : i32
      %dma_start3A_279 = tpu.memref_slice %arg23[%add3A_13, %dma_start3A_278] : memref<10000x128xf32, #tpu.memory_space<vmem_shared>> -> memref<48x128xf32, #tpu.memory_space<vmem_shared>>
      tpu.enqueue_dma source(%arg22 : memref<48x128xf32, #tpu.memory_space<vmem>>) target(%dma_start3A_279 : memref<48x128xf32, #tpu.memory_space<vmem_shared>>) target_semaphore(%run_scoped3A : memref<!tpu.dma_semaphore, #tpu.memory_space<semaphore_mem>>)
      %dma_wait3A_280 = arith.constant 0 : i32
      %dma_wait3A_281 = tpu.memref_slice %arg23[%add3A_13, %dma_wait3A_280] : memref<10000x128xf32, #tpu.memory_space<vmem_shared>> -> memref<48x128xf32, #tpu.memory_space<vmem_shared>>
      %dma_wait3A_282 = arith.constant 0 : i32
      %dma_wait3A_283 = tpu.memref_slice %arg23[%add3A_13, %dma_wait3A_282] : memref<10000x128xf32, #tpu.memory_space<vmem_shared>> -> memref<48x128xf32, #tpu.memory_space<vmem_shared>>
      tpu.wait_dma2 semaphore(%run_scoped3A : memref<!tpu.dma_semaphore, #tpu.memory_space<semaphore_mem>>) src(%arg22 : memref<48x128xf32, #tpu.memory_space<vmem>>) dst(%dma_wait3A_283 : memref<48x128xf32, #tpu.memory_space<vmem_shared>>)
      tpu.yield
    }) : () -> ()
    %add3A_14 = arith.constant 192 : i32
    %add3A_15 = arith.addi %mul3A_6, %add3A_14 : i32
    "tpu.region"() ({
      %run_scoped3A = tpu.sem_alloc : memref<!tpu.dma_semaphore, #tpu.memory_space<semaphore_mem>>
      %dma_start3A_276 = arith.constant 0 : i32
      %dma_start3A_277 = tpu.memref_slice %arg23[%add3A_15, %dma_start3A_276] : memref<10000x128xf32, #tpu.memory_space<vmem_shared>> -> memref<48x128xf32, #tpu.memory_space<vmem_shared>>
      %dma_start3A_278 = arith.constant 0 : i32
      %dma_start3A_279 = tpu.memref_slice %arg23[%add3A_15, %dma_start3A_278] : memref<10000x128xf32, #tpu.memory_space<vmem_shared>> -> memref<48x128xf32, #tpu.memory_space<vmem_shared>>
      tpu.enqueue_dma source(%arg22 : memref<48x128xf32, #tpu.memory_space<vmem>>) target(%dma_start3A_279 : memref<48x128xf32, #tpu.memory_space<vmem_shared>>) target_semaphore(%run_scoped3A : memref<!tpu.dma_semaphore, #tpu.memory_space<semaphore_mem>>)
      %dma_wait3A_280 = arith.constant 0 : i32
      %dma_wait3A_281 = tpu.memref_slice %arg23[%add3A_15, %dma_wait3A_280] : memref<10000x128xf32, #tpu.memory_space<vmem_shared>> -> memref<48x128xf32, #tpu.memory_space<vmem_shared>>
      %dma_wait3A_282 = arith.constant 0 : i32
      %dma_wait3A_283 = tpu.memref_slice %arg23[%add3A_15, %dma_wait3A_282] : memref<10000x128xf32, #tpu.memory_space<vmem_shared>> -> memref<48x128xf32, #tpu.memory_space<vmem_shared>>
      tpu.wait_dma2 semaphore(%run_scoped3A : memref<!tpu.dma_semaphore, #tpu.memory_space<semaphore_mem>>) src(%arg22 : memref<48x128xf32, #tpu.memory_space<vmem>>) dst(%dma_wait3A_283 : memref<48x128xf32, #tpu.memory_space<vmem_shared>>)
      tpu.yield
    }) : () -> ()
    %add3A_16 = arith.constant 240 : i32
    %add3A_17 = arith.addi %mul3A_6, %add3A_16 : i32
    "tpu.region"() ({
      %run_scoped3A = tpu.sem_alloc : memref<!tpu.dma_semaphore, #tpu.memory_space<semaphore_mem>>
      %dma_start3A_276 = arith.constant 0 : i32
      %dma_start3A_277 = tpu.memref_slice %arg23[%add3A_17, %dma_start3A_276] : memref<10000x128xf32, #tpu.memory_space<vmem_shared>> -> memref<48x128xf32, #tpu.memory_space<vmem_shared>>
      %dma_start3A_278 = arith.constant 0 : i32
      %dma_start3A_279 = tpu.memref_slice %arg23[%add3A_17, %dma_start3A_278] : memref<10000x128xf32, #tpu.memory_space<vmem_shared>> -> memref<48x128xf32, #tpu.memory_space<vmem_shared>>
      tpu.enqueue_dma source(%arg22 : memref<48x128xf32, #tpu.memory_space<vmem>>) target(%dma_start3A_279 : memref<48x128xf32, #tpu.memory_space<vmem_shared>>) target_semaphore(%run_scoped3A : memref<!tpu.dma_semaphore, #tpu.memory_space<semaphore_mem>>)
      %dma_wait3A_280 = arith.constant 0 : i32
      %dma_wait3A_281 = tpu.memref_slice %arg23[%add3A_17, %dma_wait3A_280] : memref<10000x128xf32, #tpu.memory_space<vmem_shared>> -> memref<48x128xf32, #tpu.memory_space<vmem_shared>>
      %dma_wait3A_282 = arith.constant 0 : i32
      %dma_wait3A_283 = tpu.memref_slice %arg23[%add3A_17, %dma_wait3A_282] : memref<10000x128xf32, #tpu.memory_space<vmem_shared>> -> memref<48x128xf32, #tpu.memory_space<vmem_shared>>
      tpu.wait_dma2 semaphore(%run_scoped3A : memref<!tpu.dma_semaphore, #tpu.memory_space<semaphore_mem>>) src(%arg22 : memref<48x128xf32, #tpu.memory_space<vmem>>) dst(%dma_wait3A_283 : memref<48x128xf32, #tpu.memory_space<vmem_shared>>)
      tpu.yield
    }) : () -> ()
    %add3A_18 = arith.constant 288 : i32
    %add3A_19 = arith.addi %mul3A_6, %add3A_18 : i32
    "tpu.region"() ({
      %run_scoped3A = tpu.sem_alloc : memref<!tpu.dma_semaphore, #tpu.memory_space<semaphore_mem>>
      %dma_start3A_276 = arith.constant 0 : i32
      %dma_start3A_277 = tpu.memref_slice %arg23[%add3A_19, %dma_start3A_276] : memref<10000x128xf32, #tpu.memory_space<vmem_shared>> -> memref<48x128xf32, #tpu.memory_space<vmem_shared>>
      %dma_start3A_278 = arith.constant 0 : i32
      %dma_start3A_279 = tpu.memref_slice %arg23[%add3A_19, %dma_start3A_278] : memref<10000x128xf32, #tpu.memory_space<vmem_shared>> -> memref<48x128xf32, #tpu.memory_space<vmem_shared>>
      tpu.enqueue_dma source(%arg22 : memref<48x128xf32, #tpu.memory_space<vmem>>) target(%dma_start3A_279 : memref<48x128xf32, #tpu.memory_space<vmem_shared>>) target_semaphore(%run_scoped3A : memref<!tpu.dma_semaphore, #tpu.memory_space<semaphore_mem>>)
      %dma_wait3A_280 = arith.constant 0 : i32
      %dma_wait3A_281 = tpu.memref_slice %arg23[%add3A_19, %dma_wait3A_280] : memref<10000x128xf32, #tpu.memory_space<vmem_shared>> -> memref<48x128xf32, #tpu.memory_space<vmem_shared>>
      %dma_wait3A_282 = arith.constant 0 : i32
      %dma_wait3A_283 = tpu.memref_slice %arg23[%add3A_19, %dma_wait3A_282] : memref<10000x128xf32, #tpu.memory_space<vmem_shared>> -> memref<48x128xf32, #tpu.memory_space<vmem_shared>>
      tpu.wait_dma2 semaphore(%run_scoped3A : memref<!tpu.dma_semaphore, #tpu.memory_space<semaphore_mem>>) src(%arg22 : memref<48x128xf32, #tpu.memory_space<vmem>>) dst(%dma_wait3A_283 : memref<48x128xf32, #tpu.memory_space<vmem_shared>>)
      tpu.yield
    }) : () -> ()
    %add3A_20 = arith.constant 336 : i32
    %add3A_21 = arith.addi %mul3A_6, %add3A_20 : i32
    "tpu.region"() ({
      %run_scoped3A = tpu.sem_alloc : memref<!tpu.dma_semaphore, #tpu.memory_space<semaphore_mem>>
      %dma_start3A_276 = arith.constant 0 : i32
      %dma_start3A_277 = tpu.memref_slice %arg23[%add3A_21, %dma_start3A_276] : memref<10000x128xf32, #tpu.memory_space<vmem_shared>> -> memref<48x128xf32, #tpu.memory_space<vmem_shared>>
      %dma_start3A_278 = arith.constant 0 : i32
      %dma_start3A_279 = tpu.memref_slice %arg23[%add3A_21, %dma_start3A_278] : memref<10000x128xf32, #tpu.memory_space<vmem_shared>> -> memref<48x128xf32, #tpu.memory_space<vmem_shared>>
      tpu.enqueue_dma source(%arg22 : memref<48x128xf32, #tpu.memory_space<vmem>>) target(%dma_start3A_279 : memref<48x128xf32, #tpu.memory_space<vmem_shared>>) target_semaphore(%run_scoped3A : memref<!tpu.dma_semaphore, #tpu.memory_space<semaphore_mem>>)
      %dma_wait3A_280 = arith.constant 0 : i32
      %dma_wait3A_281 = tpu.memref_slice %arg23[%add3A_21, %dma_wait3A_280] : memref<10000x128xf32, #tpu.memory_space<vmem_shared>> -> memref<48x128xf32, #tpu.memory_space<vmem_shared>>
      %dma_wait3A_282 = arith.constant 0 : i32
      %dma_wait3A_283 = tpu.memref_slice %arg23[%add3A_21, %dma_wait3A_282] : memref<10000x128xf32, #tpu.memory_space<vmem_shared>> -> memref<48x128xf32, #tpu.memory_space<vmem_shared>>
      tpu.wait_dma2 semaphore(%run_scoped3A : memref<!tpu.dma_semaphore, #tpu.memory_space<semaphore_mem>>) src(%arg22 : memref<48x128xf32, #tpu.memory_space<vmem>>) dst(%dma_wait3A_283 : memref<48x128xf32, #tpu.memory_space<vmem_shared>>)
      tpu.yield
    }) : () -> ()
    %add3A_22 = arith.constant 384 : i32
    %add3A_23 = arith.addi %mul3A_6, %add3A_22 : i32
    "tpu.region"() ({
      %run_scoped3A = tpu.sem_alloc : memref<!tpu.dma_semaphore, #tpu.memory_space<semaphore_mem>>
      %dma_start3A_276 = arith.constant 0 : i32
      %dma_start3A_277 = tpu.memref_slice %arg23[%add3A_23, %dma_start3A_276] : memref<10000x128xf32, #tpu.memory_space<vmem_shared>> -> memref<48x128xf32, #tpu.memory_space<vmem_shared>>
      %dma_start3A_278 = arith.constant 0 : i32
      %dma_start3A_279 = tpu.memref_slice %arg23[%add3A_23, %dma_start3A_278] : memref<10000x128xf32, #tpu.memory_space<vmem_shared>> -> memref<48x128xf32, #tpu.memory_space<vmem_shared>>
      tpu.enqueue_dma source(%arg22 : memref<48x128xf32, #tpu.memory_space<vmem>>) target(%dma_start3A_279 : memref<48x128xf32, #tpu.memory_space<vmem_shared>>) target_semaphore(%run_scoped3A : memref<!tpu.dma_semaphore, #tpu.memory_space<semaphore_mem>>)
      %dma_wait3A_280 = arith.constant 0 : i32
      %dma_wait3A_281 = tpu.memref_slice %arg23[%add3A_23, %dma_wait3A_280] : memref<10000x128xf32, #tpu.memory_space<vmem_shared>> -> memref<48x128xf32, #tpu.memory_space<vmem_shared>>
      %dma_wait3A_282 = arith.constant 0 : i32
      %dma_wait3A_283 = tpu.memref_slice %arg23[%add3A_23, %dma_wait3A_282] : memref<10000x128xf32, #tpu.memory_space<vmem_shared>> -> memref<48x128xf32, #tpu.memory_space<vmem_shared>>
      tpu.wait_dma2 semaphore(%run_scoped3A : memref<!tpu.dma_semaphore, #tpu.memory_space<semaphore_mem>>) src(%arg22 : memref<48x128xf32, #tpu.memory_space<vmem>>) dst(%dma_wait3A_283 : memref<48x128xf32, #tpu.memory_space<vmem_shared>>)
      tpu.yield
    }) : () -> ()
    %add3A_24 = arith.constant 432 : i32
    %add3A_25 = arith.addi %mul3A_6, %add3A_24 : i32
    "tpu.region"() ({
      %run_scoped3A = tpu.sem_alloc : memref<!tpu.dma_semaphore, #tpu.memory_space<semaphore_mem>>
      %dma_start3A_276 = arith.constant 0 : i32
      %dma_start3A_277 = tpu.memref_slice %arg23[%add3A_25, %dma_start3A_276] : memref<10000x128xf32, #tpu.memory_space<vmem_shared>> -> memref<48x128xf32, #tpu.memory_space<vmem_shared>>
      %dma_start3A_278 = arith.constant 0 : i32
      %dma_start3A_279 = tpu.memref_slice %arg23[%add3A_25, %dma_start3A_278] : memref<10000x128xf32, #tpu.memory_space<vmem_shared>> -> memref<48x128xf32, #tpu.memory_space<vmem_shared>>
      tpu.enqueue_dma source(%arg22 : memref<48x128xf32, #tpu.memory_space<vmem>>) target(%dma_start3A_279 : memref<48x128xf32, #tpu.memory_space<vmem_shared>>) target_semaphore(%run_scoped3A : memref<!tpu.dma_semaphore, #tpu.memory_space<semaphore_mem>>)
      %dma_wait3A_280 = arith.constant 0 : i32
      %dma_wait3A_281 = tpu.memref_slice %arg23[%add3A_25, %dma_wait3A_280] : memref<10000x128xf32, #tpu.memory_space<vmem_shared>> -> memref<48x128xf32, #tpu.memory_space<vmem_shared>>
      %dma_wait3A_282 = arith.constant 0 : i32
      %dma_wait3A_283 = tpu.memref_slice %arg23[%add3A_25, %dma_wait3A_282] : memref<10000x128xf32, #tpu.memory_space<vmem_shared>> -> memref<48x128xf32, #tpu.memory_space<vmem_shared>>
      tpu.wait_dma2 semaphore(%run_scoped3A : memref<!tpu.dma_semaphore, #tpu.memory_space<semaphore_mem>>) src(%arg22 : memref<48x128xf32, #tpu.memory_space<vmem>>) dst(%dma_wait3A_283 : memref<48x128xf32, #tpu.memory_space<vmem_shared>>)
      tpu.yield
    }) : () -> ()
    %add3A_26 = arith.constant 480 : i32
    %add3A_27 = arith.addi %mul3A_6, %add3A_26 : i32
    "tpu.region"() ({
      %run_scoped3A = tpu.sem_alloc : memref<!tpu.dma_semaphore, #tpu.memory_space<semaphore_mem>>
      %dma_start3A_276 = arith.constant 0 : i32
      %dma_start3A_277 = tpu.memref_slice %arg23[%add3A_27, %dma_start3A_276] : memref<10000x128xf32, #tpu.memory_space<vmem_shared>> -> memref<48x128xf32, #tpu.memory_space<vmem_shared>>
      %dma_start3A_278 = arith.constant 0 : i32
      %dma_start3A_279 = tpu.memref_slice %arg23[%add3A_27, %dma_start3A_278] : memref<10000x128xf32, #tpu.memory_space<vmem_shared>> -> memref<48x128xf32, #tpu.memory_space<vmem_shared>>
      tpu.enqueue_dma source(%arg22 : memref<48x128xf32, #tpu.memory_space<vmem>>) target(%dma_start3A_279 : memref<48x128xf32, #tpu.memory_space<vmem_shared>>) target_semaphore(%run_scoped3A : memref<!tpu.dma_semaphore, #tpu.memory_space<semaphore_mem>>)
      %dma_wait3A_280 = arith.constant 0 : i32
      %dma_wait3A_281 = tpu.memref_slice %arg23[%add3A_27, %dma_wait3A_280] : memref<10000x128xf32, #tpu.memory_space<vmem_shared>> -> memref<48x128xf32, #tpu.memory_space<vmem_shared>>
      %dma_wait3A_282 = arith.constant 0 : i32
      %dma_wait3A_283 = tpu.memref_slice %arg23[%add3A_27, %dma_wait3A_282] : memref<10000x128xf32, #tpu.memory_space<vmem_shared>> -> memref<48x128xf32, #tpu.memory_space<vmem_shared>>
      tpu.wait_dma2 semaphore(%run_scoped3A : memref<!tpu.dma_semaphore, #tpu.memory_space<semaphore_mem>>) src(%arg22 : memref<48x128xf32, #tpu.memory_space<vmem>>) dst(%dma_wait3A_283 : memref<48x128xf32, #tpu.memory_space<vmem_shared>>)
      tpu.yield
    }) : () -> ()
    %add3A_28 = arith.constant 528 : i32
    %add3A_29 = arith.addi %mul3A_6, %add3A_28 : i32
    "tpu.region"() ({
      %run_scoped3A = tpu.sem_alloc : memref<!tpu.dma_semaphore, #tpu.memory_space<semaphore_mem>>
      %dma_start3A_276 = arith.constant 0 : i32
      %dma_start3A_277 = tpu.memref_slice %arg23[%add3A_29, %dma_start3A_276] : memref<10000x128xf32, #tpu.memory_space<vmem_shared>> -> memref<48x128xf32, #tpu.memory_space<vmem_shared>>
      %dma_start3A_278 = arith.constant 0 : i32
      %dma_start3A_279 = tpu.memref_slice %arg23[%add3A_29, %dma_start3A_278] : memref<10000x128xf32, #tpu.memory_space<vmem_shared>> -> memref<48x128xf32, #tpu.memory_space<vmem_shared>>
      tpu.enqueue_dma source(%arg22 : memref<48x128xf32, #tpu.memory_space<vmem>>) target(%dma_start3A_279 : memref<48x128xf32, #tpu.memory_space<vmem_shared>>) target_semaphore(%run_scoped3A : memref<!tpu.dma_semaphore, #tpu.memory_space<semaphore_mem>>)
      %dma_wait3A_280 = arith.constant 0 : i32
      %dma_wait3A_281 = tpu.memref_slice %arg23[%add3A_29, %dma_wait3A_280] : memref<10000x128xf32, #tpu.memory_space<vmem_shared>> -> memref<48x128xf32, #tpu.memory_space<vmem_shared>>
      %dma_wait3A_282 = arith.constant 0 : i32
      %dma_wait3A_283 = tpu.memref_slice %arg23[%add3A_29, %dma_wait3A_282] : memref<10000x128xf32, #tpu.memory_space<vmem_shared>> -> memref<48x128xf32, #tpu.memory_space<vmem_shared>>
      tpu.wait_dma2 semaphore(%run_scoped3A : memref<!tpu.dma_semaphore, #tpu.memory_space<semaphore_mem>>) src(%arg22 : memref<48x128xf32, #tpu.memory_space<vmem>>) dst(%dma_wait3A_283 : memref<48x128xf32, #tpu.memory_space<vmem_shared>>)
      tpu.yield
    }) : () -> ()
    %add3A_30 = arith.constant 576 : i32
    %add3A_31 = arith.addi %mul3A_6, %add3A_30 : i32
    "tpu.region"() ({
      %run_scoped3A = tpu.sem_alloc : memref<!tpu.dma_semaphore, #tpu.memory_space<semaphore_mem>>
      %dma_start3A_276 = arith.constant 0 : i32
      %dma_start3A_277 = tpu.memref_slice %arg23[%add3A_31, %dma_start3A_276] : memref<10000x128xf32, #tpu.memory_space<vmem_shared>> -> memref<48x128xf32, #tpu.memory_space<vmem_shared>>
      %dma_start3A_278 = arith.constant 0 : i32
      %dma_start3A_279 = tpu.memref_slice %arg23[%add3A_31, %dma_start3A_278] : memref<10000x128xf32, #tpu.memory_space<vmem_shared>> -> memref<48x128xf32, #tpu.memory_space<vmem_shared>>
      tpu.enqueue_dma source(%arg22 : memref<48x128xf32, #tpu.memory_space<vmem>>) target(%dma_start3A_279 : memref<48x128xf32, #tpu.memory_space<vmem_shared>>) target_semaphore(%run_scoped3A : memref<!tpu.dma_semaphore, #tpu.memory_space<semaphore_mem>>)
      %dma_wait3A_280 = arith.constant 0 : i32
      %dma_wait3A_281 = tpu.memref_slice %arg23[%add3A_31, %dma_wait3A_280] : memref<10000x128xf32, #tpu.memory_space<vmem_shared>> -> memref<48x128xf32, #tpu.memory_space<vmem_shared>>
      %dma_wait3A_282 = arith.constant 0 : i32
      %dma_wait3A_283 = tpu.memref_slice %arg23[%add3A_31, %dma_wait3A_282] : memref<10000x128xf32, #tpu.memory_space<vmem_shared>> -> memref<48x128xf32, #tpu.memory_space<vmem_shared>>
      tpu.wait_dma2 semaphore(%run_scoped3A : memref<!tpu.dma_semaphore, #tpu.memory_space<semaphore_mem>>) src(%arg22 : memref<48x128xf32, #tpu.memory_space<vmem>>) dst(%dma_wait3A_283 : memref<48x128xf32, #tpu.memory_space<vmem_shared>>)
      tpu.yield
    }) : () -> ()
    %eq3A = arith.constant 15 : i32
    %eq3A_32 = arith.cmpi eq, %arg1, %eq3A : i32
    %convert_element_type3A = arith.extui %eq3A_32 : i1 to i32
    %cond3A = arith.constant 0 : i32
    %cond3A_33 = arith.cmpi ne, %convert_element_type3A, %cond3A : i32
    scf.if %cond3A_33 {
      "tpu.region"() ({
        %run_scoped3A = tpu.sem_alloc : memref<!tpu.dma_semaphore, #tpu.memory_space<semaphore_mem>>
        %dma_start3A_276 = arith.constant 0 : i32
        %dma_start3A_277 = arith.constant 0 : i32
        %dma_start3A_278 = tpu.memref_slice %arg22[%dma_start3A_276, %dma_start3A_277] : memref<48x128xf32, #tpu.memory_space<vmem>> -> memref<16x128xf32, #tpu.memory_space<vmem>>
        %dma_start3A_279 = arith.constant 9984 : i32
        %dma_start3A_280 = arith.constant 0 : i32
        %dma_start3A_281 = tpu.memref_slice %arg23[%dma_start3A_279, %dma_start3A_280] : memref<10000x128xf32, #tpu.memory_space<vmem_shared>> -> memref<16x128xf32, #tpu.memory_space<vmem_shared>>
        %dma_start3A_282 = arith.constant 9984 : i32
        %dma_start3A_283 = arith.constant 0 : i32
        %dma_start3A_284 = tpu.memref_slice %arg23[%dma_start3A_282, %dma_start3A_283] : memref<10000x128xf32, #tpu.memory_space<vmem_shared>> -> memref<16x128xf32, #tpu.memory_space<vmem_shared>>
        %dma_start3A_285 = arith.constant 0 : i32
        %dma_start3A_286 = arith.constant 0 : i32
        %dma_start3A_287 = tpu.memref_slice %arg22[%dma_start3A_285, %dma_start3A_286] : memref<48x128xf32, #tpu.memory_space<vmem>> -> memref<16x128xf32, #tpu.memory_space<vmem>>
        tpu.enqueue_dma source(%dma_start3A_287 : memref<16x128xf32, #tpu.memory_space<vmem>>) target(%dma_start3A_284 : memref<16x128xf32, #tpu.memory_space<vmem_shared>>) target_semaphore(%run_scoped3A : memref<!tpu.dma_semaphore, #tpu.memory_space<semaphore_mem>>)
        %dma_wait3A_288 = arith.constant 0 : i32
        %dma_wait3A_289 = arith.constant 0 : i32
        %dma_wait3A_290 = tpu.memref_slice %arg22[%dma_wait3A_288, %dma_wait3A_289] : memref<48x128xf32, #tpu.memory_space<vmem>> -> memref<16x128xf32, #tpu.memory_space<vmem>>
        %dma_wait3A_291 = arith.constant 9984 : i32
        %dma_wait3A_292 = arith.constant 0 : i32
        %dma_wait3A_293 = tpu.memref_slice %arg23[%dma_wait3A_291, %dma_wait3A_292] : memref<10000x128xf32, #tpu.memory_space<vmem_shared>> -> memref<16x128xf32, #tpu.memory_space<vmem_shared>>
        %dma_wait3A_294 = arith.constant 9984 : i32
        %dma_wait3A_295 = arith.constant 0 : i32
        %dma_wait3A_296 = tpu.memref_slice %arg23[%dma_wait3A_294, %dma_wait3A_295] : memref<10000x128xf32, #tpu.memory_space<vmem_shared>> -> memref<16x128xf32, #tpu.memory_space<vmem_shared>>
        %dma_wait3A_297 = arith.constant 0 : i32
        %dma_wait3A_298 = arith.constant 0 : i32
        %dma_wait3A_299 = tpu.memref_slice %arg22[%dma_wait3A_297, %dma_wait3A_298] : memref<48x128xf32, #tpu.memory_space<vmem>> -> memref<16x128xf32, #tpu.memory_space<vmem>>
        tpu.wait_dma2 semaphore(%run_scoped3A : memref<!tpu.dma_semaphore, #tpu.memory_space<semaphore_mem>>) src(%dma_wait3A_299 : memref<16x128xf32, #tpu.memory_space<vmem>>) dst(%dma_wait3A_296 : memref<16x128xf32, #tpu.memory_space<vmem_shared>>)
        tpu.yield
      }) : () -> ()
    } else {
    }
    %barrier3A = arith.constant 0 : index
    tpu.barrier barrier_id(%barrier3A)
    %mul3A_34 = arith.constant 10000 : i32
    %mul3A_35 = arith.muli %arg1, %mul3A_34 : i32
    %add3A_36 = arith.constant 0 : i32
    %add3A_37 = arith.addi %mul3A_35, %add3A_36 : i32
    %mul3A_38 = arith.constant 160000 : i32
    %mul3A_39 = arith.muli %arg0, %mul3A_38 : i32
    %add3A_40 = arith.addi %mul3A_39, %add3A_37 : i32
    %dma_start3A = tpu.memref_slice %arg4[%add3A_40] : memref<320000xi32, #tpu.memory_space<hbm>> -> memref<80xi32, #tpu.memory_space<hbm>>
    %dma_start3A_41 = tpu.memref_slice %arg4[%add3A_40] : memref<320000xi32, #tpu.memory_space<hbm>> -> memref<80xi32, #tpu.memory_space<hbm>>
    tpu.enqueue_dma source(%dma_start3A_41 : memref<80xi32, #tpu.memory_space<hbm>>) target(%arg8 : memref<80xi32, #tpu.memory_space<vmem>>) target_semaphore(%arg24 : memref<!tpu.dma_semaphore, #tpu.memory_space<semaphore_mem>>)
    %dma_start3A_42 = tpu.memref_slice %arg5[%add3A_37] : memref<160000xi32, #tpu.memory_space<hbm>> -> memref<80xi32, #tpu.memory_space<hbm>>
    %dma_start3A_43 = tpu.memref_slice %arg5[%add3A_37] : memref<160000xi32, #tpu.memory_space<hbm>> -> memref<80xi32, #tpu.memory_space<hbm>>
    tpu.enqueue_dma source(%dma_start3A_43 : memref<80xi32, #tpu.memory_space<hbm>>) target(%arg10 : memref<80xi32, #tpu.memory_space<vmem>>) target_semaphore(%arg24 : memref<!tpu.dma_semaphore, #tpu.memory_space<semaphore_mem>>)
    %mul3A_44 = arith.constant 160000 : i32
    %mul3A_45 = arith.muli %arg0, %mul3A_44 : i32
    %add3A_46 = arith.addi %mul3A_45, %add3A_37 : i32
    %dma_start3A_47 = arith.constant 0 : i32
    %dma_start3A_48 = tpu.memref_slice %arg3[%add3A_46, %dma_start3A_47] : memref<320000x128xf32, #tpu.memory_space<hbm>> -> memref<80x128xf32, #tpu.memory_space<hbm>>
    %dma_start3A_49 = arith.constant 0 : i32
    %dma_start3A_50 = tpu.memref_slice %arg3[%add3A_46, %dma_start3A_49] : memref<320000x128xf32, #tpu.memory_space<hbm>> -> memref<80x128xf32, #tpu.memory_space<hbm>>
    tpu.enqueue_dma source(%dma_start3A_50 : memref<80x128xf32, #tpu.memory_space<hbm>>) target(%arg18 : memref<80x128xf32, #tpu.memory_space<vmem>>) target_semaphore(%arg24 : memref<!tpu.dma_semaphore, #tpu.memory_space<semaphore_mem>>)
    %mul3A_51 = arith.constant 10000 : i32
    %mul3A_52 = arith.muli %arg1, %mul3A_51 : i32
    %add3A_53 = arith.constant 80 : i32
    %add3A_54 = arith.addi %mul3A_52, %add3A_53 : i32
    %mul3A_55 = arith.constant 160000 : i32
    %mul3A_56 = arith.muli %arg0, %mul3A_55 : i32
    %add3A_57 = arith.addi %mul3A_56, %add3A_54 : i32
    %dma_start3A_58 = tpu.memref_slice %arg4[%add3A_57] : memref<320000xi32, #tpu.memory_space<hbm>> -> memref<80xi32, #tpu.memory_space<hbm>>
    %dma_start3A_59 = tpu.memref_slice %arg4[%add3A_57] : memref<320000xi32, #tpu.memory_space<hbm>> -> memref<80xi32, #tpu.memory_space<hbm>>
    tpu.enqueue_dma source(%dma_start3A_59 : memref<80xi32, #tpu.memory_space<hbm>>) target(%arg9 : memref<80xi32, #tpu.memory_space<vmem>>) target_semaphore(%arg25 : memref<!tpu.dma_semaphore, #tpu.memory_space<semaphore_mem>>)
    %dma_start3A_60 = tpu.memref_slice %arg5[%add3A_54] : memref<160000xi32, #tpu.memory_space<hbm>> -> memref<80xi32, #tpu.memory_space<hbm>>
    %dma_start3A_61 = tpu.memref_slice %arg5[%add3A_54] : memref<160000xi32, #tpu.memory_space<hbm>> -> memref<80xi32, #tpu.memory_space<hbm>>
    tpu.enqueue_dma source(%dma_start3A_61 : memref<80xi32, #tpu.memory_space<hbm>>) target(%arg11 : memref<80xi32, #tpu.memory_space<vmem>>) target_semaphore(%arg25 : memref<!tpu.dma_semaphore, #tpu.memory_space<semaphore_mem>>)
    %mul3A_62 = arith.constant 160000 : i32
    %mul3A_63 = arith.muli %arg0, %mul3A_62 : i32
    %add3A_64 = arith.addi %mul3A_63, %add3A_54 : i32
    %dma_start3A_65 = arith.constant 0 : i32
    %dma_start3A_66 = tpu.memref_slice %arg3[%add3A_64, %dma_start3A_65] : memref<320000x128xf32, #tpu.memory_space<hbm>> -> memref<80x128xf32, #tpu.memory_space<hbm>>
    %dma_start3A_67 = arith.constant 0 : i32
    %dma_start3A_68 = tpu.memref_slice %arg3[%add3A_64, %dma_start3A_67] : memref<320000x128xf32, #tpu.memory_space<hbm>> -> memref<80x128xf32, #tpu.memory_space<hbm>>
    tpu.enqueue_dma source(%dma_start3A_68 : memref<80x128xf32, #tpu.memory_space<hbm>>) target(%arg19 : memref<80x128xf32, #tpu.memory_space<vmem>>) target_semaphore(%arg25 : memref<!tpu.dma_semaphore, #tpu.memory_space<semaphore_mem>>)
    %dma_wait3A = arith.constant 0 : i32
    %dma_wait3A_69 = tpu.memref_slice %arg4[%dma_wait3A] : memref<320000xi32, #tpu.memory_space<hbm>> -> memref<80xi32, #tpu.memory_space<hbm>>
    %dma_wait3A_70 = arith.constant 0 : i32
    %dma_wait3A_71 = tpu.memref_slice %arg4[%dma_wait3A_70] : memref<320000xi32, #tpu.memory_space<hbm>> -> memref<80xi32, #tpu.memory_space<hbm>>
    tpu.wait_dma2 semaphore(%arg24 : memref<!tpu.dma_semaphore, #tpu.memory_space<semaphore_mem>>) src(%dma_wait3A_71 : memref<80xi32, #tpu.memory_space<hbm>>) dst(%arg8 : memref<80xi32, #tpu.memory_space<vmem>>)
    %dma_wait3A_72 = arith.constant 0 : i32
    %dma_wait3A_73 = tpu.memref_slice %arg5[%dma_wait3A_72] : memref<160000xi32, #tpu.memory_space<hbm>> -> memref<80xi32, #tpu.memory_space<hbm>>
    %dma_wait3A_74 = arith.constant 0 : i32
    %dma_wait3A_75 = tpu.memref_slice %arg5[%dma_wait3A_74] : memref<160000xi32, #tpu.memory_space<hbm>> -> memref<80xi32, #tpu.memory_space<hbm>>
    tpu.wait_dma2 semaphore(%arg24 : memref<!tpu.dma_semaphore, #tpu.memory_space<semaphore_mem>>) src(%dma_wait3A_75 : memref<80xi32, #tpu.memory_space<hbm>>) dst(%arg10 : memref<80xi32, #tpu.memory_space<vmem>>)
    %dma_wait3A_76 = arith.constant 0 : i32
    %dma_wait3A_77 = arith.constant 0 : i32
    %dma_wait3A_78 = tpu.memref_slice %arg3[%dma_wait3A_76, %dma_wait3A_77] : memref<320000x128xf32, #tpu.memory_space<hbm>> -> memref<80x128xf32, #tpu.memory_space<hbm>>
    %dma_wait3A_79 = arith.constant 0 : i32
    %dma_wait3A_80 = arith.constant 0 : i32
    %dma_wait3A_81 = tpu.memref_slice %arg3[%dma_wait3A_79, %dma_wait3A_80] : memref<320000x128xf32, #tpu.memory_space<hbm>> -> memref<80x128xf32, #tpu.memory_space<hbm>>
    tpu.wait_dma2 semaphore(%arg24 : memref<!tpu.dma_semaphore, #tpu.memory_space<semaphore_mem>>) src(%dma_wait3A_81 : memref<80x128xf32, #tpu.memory_space<hbm>>) dst(%arg18 : memref<80x128xf32, #tpu.memory_space<vmem>>)
    %dma_start3A_82 = arith.constant 0 : i32
    %dma_start3A_83 = arith.constant 0 : i32
    %dma_start3A_84 = tpu.memref_slice %arg2[%dma_start3A_82, %dma_start3A_83] : memref<20000x128xf32, #tpu.memory_space<hbm>> -> memref<20000x128xf32, #tpu.memory_space<hbm>>
    tpu.enqueue_indirect_dma source(%dma_start3A_84 : memref<20000x128xf32, #tpu.memory_space<hbm>>) target(%arg20 : memref<80x128xf32, #tpu.memory_space<vmem>>) offsets(%arg8 : memref<80xi32, #tpu.memory_space<vmem>>) semaphore(%arg26 : memref<!tpu.dma_semaphore, #tpu.memory_space<semaphore_mem>>)
    %scan3A_85 = arith.constant 0 : i32
    %scan3A_86 = arith.constant 0 : i32
    %scan3A_87 = arith.constant 62 : i32
    %scan3A_88 = arith.addi %scan3A_86, %scan3A_87 : i32
    %scan3A_89 = arith.constant 1 : i32
    %scan3A_90 = scf.for %scan3A_276 = %scan3A_86 to %scan3A_88 step %scan3A_89 iter_args(%scan3A_277 = %scan3A_85) -> (i32)  : i32 {
      %mul3A_278 = arith.constant 2 : i32
      %mul3A_279 = arith.muli %mul3A_278, %scan3A_276 : i32
      %add3A_280 = arith.constant 0 : i32
      %add3A_281 = arith.addi %mul3A_279, %add3A_280 : i32
      %dma_wait3A_282 = arith.constant 0 : i32
      %dma_wait3A_283 = arith.constant 0 : i32
      %dma_wait3A_284 = tpu.memref_slice %arg2[%dma_wait3A_282, %dma_wait3A_283] : memref<20000x128xf32, #tpu.memory_space<hbm>> -> memref<20000x128xf32, #tpu.memory_space<hbm>>
      tpu.wait_indirect_dma semaphore(%arg26 : memref<!tpu.dma_semaphore, #tpu.memory_space<semaphore_mem>>) src(%dma_wait3A_284 : memref<20000x128xf32, #tpu.memory_space<hbm>>) dst(%arg20 : memref<80x128xf32, #tpu.memory_space<vmem>>)
      %scan3A_285 = arith.constant 0 : i32
      %scan3A_286 = arith.constant 0 : i32
      %scan3A_287 = arith.constant 80 : i32
      %scan3A_288 = arith.addi %scan3A_286, %scan3A_287 : i32
      %scan3A_289 = arith.constant 1 : i32
      %scan3A_290 = scf.for %scan3A_449 = %scan3A_286 to %scan3A_288 step %scan3A_289 iter_args(%scan3A_450 = %scan3A_285) -> (i32)  : i32 {
        %get3A_451 = arith.index_cast %scan3A_449 : i32 to index
        %get3A_452 = arith.constant 0 : index
        %get3A_453 = tpu.vector_load %arg18[%get3A_451, %get3A_452] {strides = array<i32>} : memref<80x128xf32, #tpu.memory_space<vmem>>, vector<1x16xf32>,
        %get3A_454 = vector.shape_cast %get3A_453 : vector<1x16xf32> to vector<16xf32>
        %get3A_455 = arith.index_cast %scan3A_449 : i32 to index
        %get3A_456 = arith.constant 0 : index
        %get3A_457 = tpu.vector_load %arg20[%get3A_455, %get3A_456] {strides = array<i32>} : memref<80x128xf32, #tpu.memory_space<vmem>>, vector<1x16xf32>,
        %get3A_458 = vector.shape_cast %get3A_457 : vector<1x16xf32> to vector<16xf32>
        %add3A_459 = arith.addf %get3A_454, %get3A_458 : vector<16xf32>
        %max3A = arith.constant 0.000000e+00 : f32
        %max3A_460 = vector.broadcast %max3A : f32 to vector<16xf32>
        %max3A_461 = arith.maximumf %add3A_459, %max3A_460 : vector<16xf32>
        %swap3A_462 = arith.index_cast %scan3A_449 : i32 to index
        %swap3A_463 = arith.constant 0 : index
        %swap3A_464 = tpu.vector_load %arg20[%swap3A_462, %swap3A_463] {strides = array<i32>} : memref<80x128xf32, #tpu.memory_space<vmem>>, vector<1x16xf32>,
        %swap3A_465 = vector.shape_cast %swap3A_464 : vector<1x16xf32> to vector<16xf32>
        %swap3A_466 = vector.shape_cast %max3A_461 : vector<16xf32> to vector<1x16xf32>
        tpu.vector_store %arg20[%swap3A_462, %swap3A_463], %swap3A_466 {strides = array<i32>} : memref<80x128xf32, #tpu.memory_space<vmem>>, vector<1x16xf32>,
        %get3A_467 = arith.index_cast %scan3A_449 : i32 to index
        %get3A_468 = arith.constant 16 : index
        %get3A_469 = tpu.vector_load %arg18[%get3A_467, %get3A_468] {strides = array<i32>} : memref<80x128xf32, #tpu.memory_space<vmem>>, vector<1x16xf32>,
        %get3A_470 = vector.shape_cast %get3A_469 : vector<1x16xf32> to vector<16xf32>
        %get3A_471 = arith.index_cast %scan3A_449 : i32 to index
        %get3A_472 = arith.constant 16 : index
        %get3A_473 = tpu.vector_load %arg20[%get3A_471, %get3A_472] {strides = array<i32>} : memref<80x128xf32, #tpu.memory_space<vmem>>, vector<1x16xf32>,
        %get3A_474 = vector.shape_cast %get3A_473 : vector<1x16xf32> to vector<16xf32>
        %add3A_475 = arith.addf %get3A_470, %get3A_474 : vector<16xf32>
        %max3A_476 = arith.constant 0.000000e+00 : f32
        %max3A_477 = vector.broadcast %max3A_476 : f32 to vector<16xf32>
        %max3A_478 = arith.maximumf %add3A_475, %max3A_477 : vector<16xf32>
        %swap3A_479 = arith.index_cast %scan3A_449 : i32 to index
        %swap3A_480 = arith.constant 16 : index
        %swap3A_481 = tpu.vector_load %arg20[%swap3A_479, %swap3A_480] {strides = array<i32>} : memref<80x128xf32, #tpu.memory_space<vmem>>, vector<1x16xf32>,
        %swap3A_482 = vector.shape_cast %swap3A_481 : vector<1x16xf32> to vector<16xf32>
        %swap3A_483 = vector.shape_cast %max3A_478 : vector<16xf32> to vector<1x16xf32>
        tpu.vector_store %arg20[%swap3A_479, %swap3A_480], %swap3A_483 {strides = array<i32>} : memref<80x128xf32, #tpu.memory_space<vmem>>, vector<1x16xf32>,
        %get3A_484 = arith.index_cast %scan3A_449 : i32 to index
        %get3A_485 = arith.constant 32 : index
        %get3A_486 = tpu.vector_load %arg18[%get3A_484, %get3A_485] {strides = array<i32>} : memref<80x128xf32, #tpu.memory_space<vmem>>, vector<1x16xf32>,
        %get3A_487 = vector.shape_cast %get3A_486 : vector<1x16xf32> to vector<16xf32>
        %get3A_488 = arith.index_cast %scan3A_449 : i32 to index
        %get3A_489 = arith.constant 32 : index
        %get3A_490 = tpu.vector_load %arg20[%get3A_488, %get3A_489] {strides = array<i32>} : memref<80x128xf32, #tpu.memory_space<vmem>>, vector<1x16xf32>,
        %get3A_491 = vector.shape_cast %get3A_490 : vector<1x16xf32> to vector<16xf32>
        %add3A_492 = arith.addf %get3A_487, %get3A_491 : vector<16xf32>
        %max3A_493 = arith.constant 0.000000e+00 : f32
        %max3A_494 = vector.broadcast %max3A_493 : f32 to vector<16xf32>
        %max3A_495 = arith.maximumf %add3A_492, %max3A_494 : vector<16xf32>
        %swap3A_496 = arith.index_cast %scan3A_449 : i32 to index
        %swap3A_497 = arith.constant 32 : index
        %swap3A_498 = tpu.vector_load %arg20[%swap3A_496, %swap3A_497] {strides = array<i32>} : memref<80x128xf32, #tpu.memory_space<vmem>>, vector<1x16xf32>,
        %swap3A_499 = vector.shape_cast %swap3A_498 : vector<1x16xf32> to vector<16xf32>
        %swap3A_500 = vector.shape_cast %max3A_495 : vector<16xf32> to vector<1x16xf32>
        tpu.vector_store %arg20[%swap3A_496, %swap3A_497], %swap3A_500 {strides = array<i32>} : memref<80x128xf32, #tpu.memory_space<vmem>>, vector<1x16xf32>,
        %get3A_501 = arith.index_cast %scan3A_449 : i32 to index
        %get3A_502 = arith.constant 48 : index
        %get3A_503 = tpu.vector_load %arg18[%get3A_501, %get3A_502] {strides = array<i32>} : memref<80x128xf32, #tpu.memory_space<vmem>>, vector<1x16xf32>,
        %get3A_504 = vector.shape_cast %get3A_503 : vector<1x16xf32> to vector<16xf32>
        %get3A_505 = arith.index_cast %scan3A_449 : i32 to index
        %get3A_506 = arith.constant 48 : index
        %get3A_507 = tpu.vector_load %arg20[%get3A_505, %get3A_506] {strides = array<i32>} : memref<80x128xf32, #tpu.memory_space<vmem>>, vector<1x16xf32>,
        %get3A_508 = vector.shape_cast %get3A_507 : vector<1x16xf32> to vector<16xf32>
        %add3A_509 = arith.addf %get3A_504, %get3A_508 : vector<16xf32>
        %max3A_510 = arith.constant 0.000000e+00 : f32
        %max3A_511 = vector.broadcast %max3A_510 : f32 to vector<16xf32>
        %max3A_512 = arith.maximumf %add3A_509, %max3A_511 : vector<16xf32>
        %swap3A_513 = arith.index_cast %scan3A_449 : i32 to index
        %swap3A_514 = arith.constant 48 : index
        %swap3A_515 = tpu.vector_load %arg20[%swap3A_513, %swap3A_514] {strides = array<i32>} : memref<80x128xf32, #tpu.memory_space<vmem>>, vector<1x16xf32>,
        %swap3A_516 = vector.shape_cast %swap3A_515 : vector<1x16xf32> to vector<16xf32>
        %swap3A_517 = vector.shape_cast %max3A_512 : vector<16xf32> to vector<1x16xf32>
        tpu.vector_store %arg20[%swap3A_513, %swap3A_514], %swap3A_517 {strides = array<i32>} : memref<80x128xf32, #tpu.memory_space<vmem>>, vector<1x16xf32>,
        %get3A_518 = arith.index_cast %scan3A_449 : i32 to index
        %get3A_519 = arith.constant 64 : index
        %get3A_520 = tpu.vector_load %arg18[%get3A_518, %get3A_519] {strides = array<i32>} : memref<80x128xf32, #tpu.memory_space<vmem>>, vector<1x16xf32>,
        %get3A_521 = vector.shape_cast %get3A_520 : vector<1x16xf32> to vector<16xf32>
        %get3A_522 = arith.index_cast %scan3A_449 : i32 to index
        %get3A_523 = arith.constant 64 : index
        %get3A_524 = tpu.vector_load %arg20[%get3A_522, %get3A_523] {strides = array<i32>} : memref<80x128xf32, #tpu.memory_space<vmem>>, vector<1x16xf32>,
        %get3A_525 = vector.shape_cast %get3A_524 : vector<1x16xf32> to vector<16xf32>
        %add3A_526 = arith.addf %get3A_521, %get3A_525 : vector<16xf32>
        %max3A_527 = arith.constant 0.000000e+00 : f32
        %max3A_528 = vector.broadcast %max3A_527 : f32 to vector<16xf32>
        %max3A_529 = arith.maximumf %add3A_526, %max3A_528 : vector<16xf32>
        %swap3A_530 = arith.index_cast %scan3A_449 : i32 to index
        %swap3A_531 = arith.constant 64 : index
        %swap3A_532 = tpu.vector_load %arg20[%swap3A_530, %swap3A_531] {strides = array<i32>} : memref<80x128xf32, #tpu.memory_space<vmem>>, vector<1x16xf32>,
        %swap3A_533 = vector.shape_cast %swap3A_532 : vector<1x16xf32> to vector<16xf32>
        %swap3A_534 = vector.shape_cast %max3A_529 : vector<16xf32> to vector<1x16xf32>
        tpu.vector_store %arg20[%swap3A_530, %swap3A_531], %swap3A_534 {strides = array<i32>} : memref<80x128xf32, #tpu.memory_space<vmem>>, vector<1x16xf32>,
        %get3A_535 = arith.index_cast %scan3A_449 : i32 to index
        %get3A_536 = arith.constant 80 : index
        %get3A_537 = tpu.vector_load %arg18[%get3A_535, %get3A_536] {strides = array<i32>} : memref<80x128xf32, #tpu.memory_space<vmem>>, vector<1x16xf32>,
        %get3A_538 = vector.shape_cast %get3A_537 : vector<1x16xf32> to vector<16xf32>
        %get3A_539 = arith.index_cast %scan3A_449 : i32 to index
        %get3A_540 = arith.constant 80 : index
        %get3A_541 = tpu.vector_load %arg20[%get3A_539, %get3A_540] {strides = array<i32>} : memref<80x128xf32, #tpu.memory_space<vmem>>, vector<1x16xf32>,
        %get3A_542 = vector.shape_cast %get3A_541 : vector<1x16xf32> to vector<16xf32>
        %add3A_543 = arith.addf %get3A_538, %get3A_542 : vector<16xf32>
        %max3A_544 = arith.constant 0.000000e+00 : f32
        %max3A_545 = vector.broadcast %max3A_544 : f32 to vector<16xf32>
        %max3A_546 = arith.maximumf %add3A_543, %max3A_545 : vector<16xf32>
        %swap3A_547 = arith.index_cast %scan3A_449 : i32 to index
        %swap3A_548 = arith.constant 80 : index
        %swap3A_549 = tpu.vector_load %arg20[%swap3A_547, %swap3A_548] {strides = array<i32>} : memref<80x128xf32, #tpu.memory_space<vmem>>, vector<1x16xf32>,
        %swap3A_550 = vector.shape_cast %swap3A_549 : vector<1x16xf32> to vector<16xf32>
        %swap3A_551 = vector.shape_cast %max3A_546 : vector<16xf32> to vector<1x16xf32>
        tpu.vector_store %arg20[%swap3A_547, %swap3A_548], %swap3A_551 {strides = array<i32>} : memref<80x128xf32, #tpu.memory_space<vmem>>, vector<1x16xf32>,
        %get3A_552 = arith.index_cast %scan3A_449 : i32 to index
        %get3A_553 = arith.constant 96 : index
        %get3A_554 = tpu.vector_load %arg18[%get3A_552, %get3A_553] {strides = array<i32>} : memref<80x128xf32, #tpu.memory_space<vmem>>, vector<1x16xf32>,
        %get3A_555 = vector.shape_cast %get3A_554 : vector<1x16xf32> to vector<16xf32>
        %get3A_556 = arith.index_cast %scan3A_449 : i32 to index
        %get3A_557 = arith.constant 96 : index
        %get3A_558 = tpu.vector_load %arg20[%get3A_556, %get3A_557] {strides = array<i32>} : memref<80x128xf32, #tpu.memory_space<vmem>>, vector<1x16xf32>,
        %get3A_559 = vector.shape_cast %get3A_558 : vector<1x16xf32> to vector<16xf32>
        %add3A_560 = arith.addf %get3A_555, %get3A_559 : vector<16xf32>
        %max3A_561 = arith.constant 0.000000e+00 : f32
        %max3A_562 = vector.broadcast %max3A_561 : f32 to vector<16xf32>
        %max3A_563 = arith.maximumf %add3A_560, %max3A_562 : vector<16xf32>
        %swap3A_564 = arith.index_cast %scan3A_449 : i32 to index
        %swap3A_565 = arith.constant 96 : index
        %swap3A_566 = tpu.vector_load %arg20[%swap3A_564, %swap3A_565] {strides = array<i32>} : memref<80x128xf32, #tpu.memory_space<vmem>>, vector<1x16xf32>,
        %swap3A_567 = vector.shape_cast %swap3A_566 : vector<1x16xf32> to vector<16xf32>
        %swap3A_568 = vector.shape_cast %max3A_563 : vector<16xf32> to vector<1x16xf32>
        tpu.vector_store %arg20[%swap3A_564, %swap3A_565], %swap3A_568 {strides = array<i32>} : memref<80x128xf32, #tpu.memory_space<vmem>>, vector<1x16xf32>,
        %get3A_569 = arith.index_cast %scan3A_449 : i32 to index
        %get3A_570 = arith.constant 112 : index
        %get3A_571 = tpu.vector_load %arg18[%get3A_569, %get3A_570] {strides = array<i32>} : memref<80x128xf32, #tpu.memory_space<vmem>>, vector<1x16xf32>,
        %get3A_572 = vector.shape_cast %get3A_571 : vector<1x16xf32> to vector<16xf32>
        %get3A_573 = arith.index_cast %scan3A_449 : i32 to index
        %get3A_574 = arith.constant 112 : index
        %get3A_575 = tpu.vector_load %arg20[%get3A_573, %get3A_574] {strides = array<i32>} : memref<80x128xf32, #tpu.memory_space<vmem>>, vector<1x16xf32>,
        %get3A_576 = vector.shape_cast %get3A_575 : vector<1x16xf32> to vector<16xf32>
        %add3A_577 = arith.addf %get3A_572, %get3A_576 : vector<16xf32>
        %max3A_578 = arith.constant 0.000000e+00 : f32
        %max3A_579 = vector.broadcast %max3A_578 : f32 to vector<16xf32>
        %max3A_580 = arith.maximumf %add3A_577, %max3A_579 : vector<16xf32>
        %swap3A_581 = arith.index_cast %scan3A_449 : i32 to index
        %swap3A_582 = arith.constant 112 : index
        %swap3A_583 = tpu.vector_load %arg20[%swap3A_581, %swap3A_582] {strides = array<i32>} : memref<80x128xf32, #tpu.memory_space<vmem>>, vector<1x16xf32>,
        %swap3A_584 = vector.shape_cast %swap3A_583 : vector<1x16xf32> to vector<16xf32>
        %swap3A_585 = vector.shape_cast %max3A_580 : vector<16xf32> to vector<1x16xf32>
        tpu.vector_store %arg20[%swap3A_581, %swap3A_582], %swap3A_585 {strides = array<i32>} : memref<80x128xf32, #tpu.memory_space<vmem>>, vector<1x16xf32>,
        %scan3A_586 = arith.constant 0 : i32
        scf.yield %scan3A_586 : i32
      }
      %scan3A_291 = arith.constant 80 : i32
      %get3A_292 = arith.constant 0 : index
      %get3A_293 = tpu.vector_load %arg10[%get3A_292] {strides = array<i32>} : memref<80xi32, #tpu.memory_space<vmem>>, vector<16xi32>,
      %get3A_294 = vector.shape_cast %get3A_293 : vector<16xi32> to vector<16xi32>
      %swap3A_295 = arith.constant 0 : index
      %swap3A_296 = tpu.vector_load %arg12[%swap3A_295] {strides = array<i32>} : memref<80xi32, #tpu.memory_space<vmem>>, vector<16xi32>,
      %swap3A_297 = vector.shape_cast %swap3A_296 : vector<16xi32> to vector<16xi32>
      %swap3A_298 = vector.shape_cast %get3A_294 : vector<16xi32> to vector<16xi32>
      tpu.vector_store %arg12[%swap3A_295], %swap3A_298 {strides = array<i32>} : memref<80xi32, #tpu.memory_space<vmem>>, vector<16xi32>,
      %get3A_299 = arith.constant 16 : index
      %get3A_300 = tpu.vector_load %arg10[%get3A_299] {strides = array<i32>} : memref<80xi32, #tpu.memory_space<vmem>>, vector<16xi32>,
      %get3A_301 = vector.shape_cast %get3A_300 : vector<16xi32> to vector<16xi32>
      %swap3A_302 = arith.constant 16 : index
      %swap3A_303 = tpu.vector_load %arg12[%swap3A_302] {strides = array<i32>} : memref<80xi32, #tpu.memory_space<vmem>>, vector<16xi32>,
      %swap3A_304 = vector.shape_cast %swap3A_303 : vector<16xi32> to vector<16xi32>
      %swap3A_305 = vector.shape_cast %get3A_301 : vector<16xi32> to vector<16xi32>
      tpu.vector_store %arg12[%swap3A_302], %swap3A_305 {strides = array<i32>} : memref<80xi32, #tpu.memory_space<vmem>>, vector<16xi32>,
      %get3A_306 = arith.constant 32 : index
      %get3A_307 = tpu.vector_load %arg10[%get3A_306] {strides = array<i32>} : memref<80xi32, #tpu.memory_space<vmem>>, vector<16xi32>,
      %get3A_308 = vector.shape_cast %get3A_307 : vector<16xi32> to vector<16xi32>
      %swap3A_309 = arith.constant 32 : index
      %swap3A_310 = tpu.vector_load %arg12[%swap3A_309] {strides = array<i32>} : memref<80xi32, #tpu.memory_space<vmem>>, vector<16xi32>,
      %swap3A_311 = vector.shape_cast %swap3A_310 : vector<16xi32> to vector<16xi32>
      %swap3A_312 = vector.shape_cast %get3A_308 : vector<16xi32> to vector<16xi32>
      tpu.vector_store %arg12[%swap3A_309], %swap3A_312 {strides = array<i32>} : memref<80xi32, #tpu.memory_space<vmem>>, vector<16xi32>,
      %get3A_313 = arith.constant 48 : index
      %get3A_314 = tpu.vector_load %arg10[%get3A_313] {strides = array<i32>} : memref<80xi32, #tpu.memory_space<vmem>>, vector<16xi32>,
      %get3A_315 = vector.shape_cast %get3A_314 : vector<16xi32> to vector<16xi32>
      %swap3A_316 = arith.constant 48 : index
      %swap3A_317 = tpu.vector_load %arg12[%swap3A_316] {strides = array<i32>} : memref<80xi32, #tpu.memory_space<vmem>>, vector<16xi32>,
      %swap3A_318 = vector.shape_cast %swap3A_317 : vector<16xi32> to vector<16xi32>
      %swap3A_319 = vector.shape_cast %get3A_315 : vector<16xi32> to vector<16xi32>
      tpu.vector_store %arg12[%swap3A_316], %swap3A_319 {strides = array<i32>} : memref<80xi32, #tpu.memory_space<vmem>>, vector<16xi32>,
      %get3A_320 = arith.constant 64 : index
      %get3A_321 = tpu.vector_load %arg10[%get3A_320] {strides = array<i32>} : memref<80xi32, #tpu.memory_space<vmem>>, vector<16xi32>,
      %get3A_322 = vector.shape_cast %get3A_321 : vector<16xi32> to vector<16xi32>
      %swap3A_323 = arith.constant 64 : index
      %swap3A_324 = tpu.vector_load %arg12[%swap3A_323] {strides = array<i32>} : memref<80xi32, #tpu.memory_space<vmem>>, vector<16xi32>,
      %swap3A_325 = vector.shape_cast %swap3A_324 : vector<16xi32> to vector<16xi32>
      %swap3A_326 = vector.shape_cast %get3A_322 : vector<16xi32> to vector<16xi32>
      tpu.vector_store %arg12[%swap3A_323], %swap3A_326 {strides = array<i32>} : memref<80xi32, #tpu.memory_space<vmem>>, vector<16xi32>,
      %dma_start3A_327 = arith.constant 0 : i32
      %dma_start3A_328 = arith.constant 0 : i32
      %dma_start3A_329 = tpu.memref_slice %arg23[%dma_start3A_327, %dma_start3A_328] : memref<10000x128xf32, #tpu.memory_space<vmem_shared>> -> memref<10000x128xf32, #tpu.memory_space<vmem_shared>>
      tpu.enqueue_indirect_dma source(%arg20 : memref<80x128xf32, #tpu.memory_space<vmem>>) target(%dma_start3A_329 : memref<10000x128xf32, #tpu.memory_space<vmem_shared>>) offsets(%arg12 : memref<80xi32, #tpu.memory_space<vmem>>) semaphore(%arg28 : memref<!tpu.dma_semaphore, #tpu.memory_space<semaphore_mem>>) {add = true}
      %add3A_330 = arith.constant 2 : i32
      %add3A_331 = arith.addi %add3A_281, %add3A_330 : i32
      %mul3A_332 = arith.constant 10000 : i32
      %mul3A_333 = arith.muli %arg1, %mul3A_332 : i32
      %mul3A_334 = arith.constant 80 : i32
      %mul3A_335 = arith.muli %add3A_331, %mul3A_334 : i32
      %add3A_336 = arith.addi %mul3A_333, %mul3A_335 : i32
      %mul3A_337 = arith.constant 160000 : i32
      %mul3A_338 = arith.muli %arg0, %mul3A_337 : i32
      %add3A_339 = arith.addi %mul3A_338, %add3A_336 : i32
      %dma_start3A_340 = tpu.memref_slice %arg4[%add3A_339] : memref<320000xi32, #tpu.memory_space<hbm>> -> memref<80xi32, #tpu.memory_space<hbm>>
      %dma_start3A_341 = tpu.memref_slice %arg4[%add3A_339] : memref<320000xi32, #tpu.memory_space<hbm>> -> memref<80xi32, #tpu.memory_space<hbm>>
      tpu.enqueue_dma source(%dma_start3A_341 : memref<80xi32, #tpu.memory_space<hbm>>) target(%arg8 : memref<80xi32, #tpu.memory_space<vmem>>) target_semaphore(%arg24 : memref<!tpu.dma_semaphore, #tpu.memory_space<semaphore_mem>>)
      %dma_start3A_342 = tpu.memref_slice %arg5[%add3A_336] : memref<160000xi32, #tpu.memory_space<hbm>> -> memref<80xi32, #tpu.memory_space<hbm>>
      %dma_start3A_343 = tpu.memref_slice %arg5[%add3A_336] : memref<160000xi32, #tpu.memory_space<hbm>> -> memref<80xi32, #tpu.memory_space<hbm>>
      tpu.enqueue_dma source(%dma_start3A_343 : memref<80xi32, #tpu.memory_space<hbm>>) target(%arg10 : memref<80xi32, #tpu.memory_space<vmem>>) target_semaphore(%arg24 : memref<!tpu.dma_semaphore, #tpu.memory_space<semaphore_mem>>)
      %mul3A_344 = arith.constant 160000 : i32
      %mul3A_345 = arith.muli %arg0, %mul3A_344 : i32
      %add3A_346 = arith.addi %mul3A_345, %add3A_336 : i32
      %dma_start3A_347 = arith.constant 0 : i32
      %dma_start3A_348 = tpu.memref_slice %arg3[%add3A_346, %dma_start3A_347] : memref<320000x128xf32, #tpu.memory_space<hbm>> -> memref<80x128xf32, #tpu.memory_space<hbm>>
      %dma_start3A_349 = arith.constant 0 : i32
      %dma_start3A_350 = tpu.memref_slice %arg3[%add3A_346, %dma_start3A_349] : memref<320000x128xf32, #tpu.memory_space<hbm>> -> memref<80x128xf32, #tpu.memory_space<hbm>>
      tpu.enqueue_dma source(%dma_start3A_350 : memref<80x128xf32, #tpu.memory_space<hbm>>) target(%arg18 : memref<80x128xf32, #tpu.memory_space<vmem>>) target_semaphore(%arg24 : memref<!tpu.dma_semaphore, #tpu.memory_space<semaphore_mem>>)
      %dma_wait3A_351 = arith.constant 0 : i32
      %dma_wait3A_352 = tpu.memref_slice %arg4[%dma_wait3A_351] : memref<320000xi32, #tpu.memory_space<hbm>> -> memref<80xi32, #tpu.memory_space<hbm>>
      %dma_wait3A_353 = arith.constant 0 : i32
      %dma_wait3A_354 = tpu.memref_slice %arg4[%dma_wait3A_353] : memref<320000xi32, #tpu.memory_space<hbm>> -> memref<80xi32, #tpu.memory_space<hbm>>
      tpu.wait_dma2 semaphore(%arg25 : memref<!tpu.dma_semaphore, #tpu.memory_space<semaphore_mem>>) src(%dma_wait3A_354 : memref<80xi32, #tpu.memory_space<hbm>>) dst(%arg9 : memref<80xi32, #tpu.memory_space<vmem>>)
      %dma_wait3A_355 = arith.constant 0 : i32
      %dma_wait3A_356 = tpu.memref_slice %arg5[%dma_wait3A_355] : memref<160000xi32, #tpu.memory_space<hbm>> -> memref<80xi32, #tpu.memory_space<hbm>>
      %dma_wait3A_357 = arith.constant 0 : i32
      %dma_wait3A_358 = tpu.memref_slice %arg5[%dma_wait3A_357] : memref<160000xi32, #tpu.memory_space<hbm>> -> memref<80xi32, #tpu.memory_space<hbm>>
      tpu.wait_dma2 semaphore(%arg25 : memref<!tpu.dma_semaphore, #tpu.memory_space<semaphore_mem>>) src(%dma_wait3A_358 : memref<80xi32, #tpu.memory_space<hbm>>) dst(%arg11 : memref<80xi32, #tpu.memory_space<vmem>>)
      %dma_wait3A_359 = arith.constant 0 : i32
      %dma_wait3A_360 = arith.constant 0 : i32
      %dma_wait3A_361 = tpu.memref_slice %arg3[%dma_wait3A_359, %dma_wait3A_360] : memref<320000x128xf32, #tpu.memory_space<hbm>> -> memref<80x128xf32, #tpu.memory_space<hbm>>
      %dma_wait3A_362 = arith.constant 0 : i32
      %dma_wait3A_363 = arith.constant 0 : i32
      %dma_wait3A_364 = tpu.memref_slice %arg3[%dma_wait3A_362, %dma_wait3A_363] : memref<320000x128xf32, #tpu.memory_space<hbm>> -> memref<80x128xf32, #tpu.memory_space<hbm>>
      tpu.wait_dma2 semaphore(%arg25 : memref<!tpu.dma_semaphore, #tpu.memory_space<semaphore_mem>>) src(%dma_wait3A_364 : memref<80x128xf32, #tpu.memory_space<hbm>>) dst(%arg19 : memref<80x128xf32, #tpu.memory_space<vmem>>)
      %ge3A = arith.constant 1 : i32
      %ge3A_365 = arith.cmpi sge, %scan3A_276, %ge3A : i32
      %convert_element_type3A_366 = arith.extui %ge3A_365 : i1 to i32
      %cond3A_367 = arith.constant 0 : i32
      %cond3A_368 = arith.cmpi ne, %convert_element_type3A_366, %cond3A_367 : i32
      scf.if %cond3A_368 {
        %dma_wait3A_449 = arith.constant 0 : i32
        %dma_wait3A_450 = arith.constant 0 : i32
        %dma_wait3A_451 = tpu.memref_slice %arg23[%dma_wait3A_449, %dma_wait3A_450] : memref<10000x128xf32, #tpu.memory_space<vmem_shared>> -> memref<10000x128xf32, #tpu.memory_space<vmem_shared>>
        tpu.wait_indirect_dma semaphore(%arg29 : memref<!tpu.dma_semaphore, #tpu.memory_space<semaphore_mem>>) src(%arg21 : memref<80x128xf32, #tpu.memory_space<vmem>>) dst(%dma_wait3A_451 : memref<10000x128xf32, #tpu.memory_space<vmem_shared>>)
      } else {
      }
      %dma_start3A_369 = arith.constant 0 : i32
      %dma_start3A_370 = arith.constant 0 : i32
      %dma_start3A_371 = tpu.memref_slice %arg2[%dma_start3A_369, %dma_start3A_370] : memref<20000x128xf32, #tpu.memory_space<hbm>> -> memref<20000x128xf32, #tpu.memory_space<hbm>>
      tpu.enqueue_indirect_dma source(%dma_start3A_371 : memref<20000x128xf32, #tpu.memory_space<hbm>>) target(%arg21 : memref<80x128xf32, #tpu.memory_space<vmem>>) offsets(%arg9 : memref<80xi32, #tpu.memory_space<vmem>>) semaphore(%arg27 : memref<!tpu.dma_semaphore, #tpu.memory_space<semaphore_mem>>)
      %mul3A_372 = arith.constant 2 : i32
      %mul3A_373 = arith.muli %mul3A_372, %scan3A_276 : i32
      %add3A_374 = arith.constant 1 : i32
      %add3A_375 = arith.addi %mul3A_373, %add3A_374 : i32
      %dma_wait3A_376 = arith.constant 0 : i32
      %dma_wait3A_377 = arith.constant 0 : i32
      %dma_wait3A_378 = tpu.memref_slice %arg2[%dma_wait3A_376, %dma_wait3A_377] : memref<20000x128xf32, #tpu.memory_space<hbm>> -> memref<20000x128xf32, #tpu.memory_space<hbm>>
      tpu.wait_indirect_dma semaphore(%arg27 : memref<!tpu.dma_semaphore, #tpu.memory_space<semaphore_mem>>) src(%dma_wait3A_378 : memref<20000x128xf32, #tpu.memory_space<hbm>>) dst(%arg21 : memref<80x128xf32, #tpu.memory_space<vmem>>)
      %scan3A_379 = arith.constant 0 : i32
      %scan3A_380 = arith.constant 0 : i32
      %scan3A_381 = arith.constant 80 : i32
      %scan3A_382 = arith.addi %scan3A_380, %scan3A_381 : i32
      %scan3A_383 = arith.constant 1 : i32
      %scan3A_384 = scf.for %scan3A_449 = %scan3A_380 to %scan3A_382 step %scan3A_383 iter_args(%scan3A_450 = %scan3A_379) -> (i32)  : i32 {
        %get3A_451 = arith.index_cast %scan3A_449 : i32 to index
        %get3A_452 = arith.constant 0 : index
        %get3A_453 = tpu.vector_load %arg19[%get3A_451, %get3A_452] {strides = array<i32>} : memref<80x128xf32, #tpu.memory_space<vmem>>, vector<1x16xf32>,
        %get3A_454 = vector.shape_cast %get3A_453 : vector<1x16xf32> to vector<16xf32>
        %get3A_455 = arith.index_cast %scan3A_449 : i32 to index
        %get3A_456 = arith.constant 0 : index
        %get3A_457 = tpu.vector_load %arg21[%get3A_455, %get3A_456] {strides = array<i32>} : memref<80x128xf32, #tpu.memory_space<vmem>>, vector<1x16xf32>,
        %get3A_458 = vector.shape_cast %get3A_457 : vector<1x16xf32> to vector<16xf32>
        %add3A_459 = arith.addf %get3A_454, %get3A_458 : vector<16xf32>
        %max3A = arith.constant 0.000000e+00 : f32
        %max3A_460 = vector.broadcast %max3A : f32 to vector<16xf32>
        %max3A_461 = arith.maximumf %add3A_459, %max3A_460 : vector<16xf32>
        %swap3A_462 = arith.index_cast %scan3A_449 : i32 to index
        %swap3A_463 = arith.constant 0 : index
        %swap3A_464 = tpu.vector_load %arg21[%swap3A_462, %swap3A_463] {strides = array<i32>} : memref<80x128xf32, #tpu.memory_space<vmem>>, vector<1x16xf32>,
        %swap3A_465 = vector.shape_cast %swap3A_464 : vector<1x16xf32> to vector<16xf32>
        %swap3A_466 = vector.shape_cast %max3A_461 : vector<16xf32> to vector<1x16xf32>
        tpu.vector_store %arg21[%swap3A_462, %swap3A_463], %swap3A_466 {strides = array<i32>} : memref<80x128xf32, #tpu.memory_space<vmem>>, vector<1x16xf32>,
        %get3A_467 = arith.index_cast %scan3A_449 : i32 to index
        %get3A_468 = arith.constant 16 : index
        %get3A_469 = tpu.vector_load %arg19[%get3A_467, %get3A_468] {strides = array<i32>} : memref<80x128xf32, #tpu.memory_space<vmem>>, vector<1x16xf32>,
        %get3A_470 = vector.shape_cast %get3A_469 : vector<1x16xf32> to vector<16xf32>
        %get3A_471 = arith.index_cast %scan3A_449 : i32 to index
        %get3A_472 = arith.constant 16 : index
        %get3A_473 = tpu.vector_load %arg21[%get3A_471, %get3A_472] {strides = array<i32>} : memref<80x128xf32, #tpu.memory_space<vmem>>, vector<1x16xf32>,
        %get3A_474 = vector.shape_cast %get3A_473 : vector<1x16xf32> to vector<16xf32>
        %add3A_475 = arith.addf %get3A_470, %get3A_474 : vector<16xf32>
        %max3A_476 = arith.constant 0.000000e+00 : f32
        %max3A_477 = vector.broadcast %max3A_476 : f32 to vector<16xf32>
        %max3A_478 = arith.maximumf %add3A_475, %max3A_477 : vector<16xf32>
        %swap3A_479 = arith.index_cast %scan3A_449 : i32 to index
        %swap3A_480 = arith.constant 16 : index
        %swap3A_481 = tpu.vector_load %arg21[%swap3A_479, %swap3A_480] {strides = array<i32>} : memref<80x128xf32, #tpu.memory_space<vmem>>, vector<1x16xf32>,
        %swap3A_482 = vector.shape_cast %swap3A_481 : vector<1x16xf32> to vector<16xf32>
        %swap3A_483 = vector.shape_cast %max3A_478 : vector<16xf32> to vector<1x16xf32>
        tpu.vector_store %arg21[%swap3A_479, %swap3A_480], %swap3A_483 {strides = array<i32>} : memref<80x128xf32, #tpu.memory_space<vmem>>, vector<1x16xf32>,
        %get3A_484 = arith.index_cast %scan3A_449 : i32 to index
        %get3A_485 = arith.constant 32 : index
        %get3A_486 = tpu.vector_load %arg19[%get3A_484, %get3A_485] {strides = array<i32>} : memref<80x128xf32, #tpu.memory_space<vmem>>, vector<1x16xf32>,
        %get3A_487 = vector.shape_cast %get3A_486 : vector<1x16xf32> to vector<16xf32>
        %get3A_488 = arith.index_cast %scan3A_449 : i32 to index
        %get3A_489 = arith.constant 32 : index
        %get3A_490 = tpu.vector_load %arg21[%get3A_488, %get3A_489] {strides = array<i32>} : memref<80x128xf32, #tpu.memory_space<vmem>>, vector<1x16xf32>,
        %get3A_491 = vector.shape_cast %get3A_490 : vector<1x16xf32> to vector<16xf32>
        %add3A_492 = arith.addf %get3A_487, %get3A_491 : vector<16xf32>
        %max3A_493 = arith.constant 0.000000e+00 : f32
        %max3A_494 = vector.broadcast %max3A_493 : f32 to vector<16xf32>
        %max3A_495 = arith.maximumf %add3A_492, %max3A_494 : vector<16xf32>
        %swap3A_496 = arith.index_cast %scan3A_449 : i32 to index
        %swap3A_497 = arith.constant 32 : index
        %swap3A_498 = tpu.vector_load %arg21[%swap3A_496, %swap3A_497] {strides = array<i32>} : memref<80x128xf32, #tpu.memory_space<vmem>>, vector<1x16xf32>,
        %swap3A_499 = vector.shape_cast %swap3A_498 : vector<1x16xf32> to vector<16xf32>
        %swap3A_500 = vector.shape_cast %max3A_495 : vector<16xf32> to vector<1x16xf32>
        tpu.vector_store %arg21[%swap3A_496, %swap3A_497], %swap3A_500 {strides = array<i32>} : memref<80x128xf32, #tpu.memory_space<vmem>>, vector<1x16xf32>,
        %get3A_501 = arith.index_cast %scan3A_449 : i32 to index
        %get3A_502 = arith.constant 48 : index
        %get3A_503 = tpu.vector_load %arg19[%get3A_501, %get3A_502] {strides = array<i32>} : memref<80x128xf32, #tpu.memory_space<vmem>>, vector<1x16xf32>,
        %get3A_504 = vector.shape_cast %get3A_503 : vector<1x16xf32> to vector<16xf32>
        %get3A_505 = arith.index_cast %scan3A_449 : i32 to index
        %get3A_506 = arith.constant 48 : index
        %get3A_507 = tpu.vector_load %arg21[%get3A_505, %get3A_506] {strides = array<i32>} : memref<80x128xf32, #tpu.memory_space<vmem>>, vector<1x16xf32>,
        %get3A_508 = vector.shape_cast %get3A_507 : vector<1x16xf32> to vector<16xf32>
        %add3A_509 = arith.addf %get3A_504, %get3A_508 : vector<16xf32>
        %max3A_510 = arith.constant 0.000000e+00 : f32
        %max3A_511 = vector.broadcast %max3A_510 : f32 to vector<16xf32>
        %max3A_512 = arith.maximumf %add3A_509, %max3A_511 : vector<16xf32>
        %swap3A_513 = arith.index_cast %scan3A_449 : i32 to index
        %swap3A_514 = arith.constant 48 : index
        %swap3A_515 = tpu.vector_load %arg21[%swap3A_513, %swap3A_514] {strides = array<i32>} : memref<80x128xf32, #tpu.memory_space<vmem>>, vector<1x16xf32>,
        %swap3A_516 = vector.shape_cast %swap3A_515 : vector<1x16xf32> to vector<16xf32>
        %swap3A_517 = vector.shape_cast %max3A_512 : vector<16xf32> to vector<1x16xf32>
        tpu.vector_store %arg21[%swap3A_513, %swap3A_514], %swap3A_517 {strides = array<i32>} : memref<80x128xf32, #tpu.memory_space<vmem>>, vector<1x16xf32>,
        %get3A_518 = arith.index_cast %scan3A_449 : i32 to index
        %get3A_519 = arith.constant 64 : index
        %get3A_520 = tpu.vector_load %arg19[%get3A_518, %get3A_519] {strides = array<i32>} : memref<80x128xf32, #tpu.memory_space<vmem>>, vector<1x16xf32>,
        %get3A_521 = vector.shape_cast %get3A_520 : vector<1x16xf32> to vector<16xf32>
        %get3A_522 = arith.index_cast %scan3A_449 : i32 to index
        %get3A_523 = arith.constant 64 : index
        %get3A_524 = tpu.vector_load %arg21[%get3A_522, %get3A_523] {strides = array<i32>} : memref<80x128xf32, #tpu.memory_space<vmem>>, vector<1x16xf32>,
        %get3A_525 = vector.shape_cast %get3A_524 : vector<1x16xf32> to vector<16xf32>
        %add3A_526 = arith.addf %get3A_521, %get3A_525 : vector<16xf32>
        %max3A_527 = arith.constant 0.000000e+00 : f32
        %max3A_528 = vector.broadcast %max3A_527 : f32 to vector<16xf32>
        %max3A_529 = arith.maximumf %add3A_526, %max3A_528 : vector<16xf32>
        %swap3A_530 = arith.index_cast %scan3A_449 : i32 to index
        %swap3A_531 = arith.constant 64 : index
        %swap3A_532 = tpu.vector_load %arg21[%swap3A_530, %swap3A_531] {strides = array<i32>} : memref<80x128xf32, #tpu.memory_space<vmem>>, vector<1x16xf32>,
        %swap3A_533 = vector.shape_cast %swap3A_532 : vector<1x16xf32> to vector<16xf32>
        %swap3A_534 = vector.shape_cast %max3A_529 : vector<16xf32> to vector<1x16xf32>
        tpu.vector_store %arg21[%swap3A_530, %swap3A_531], %swap3A_534 {strides = array<i32>} : memref<80x128xf32, #tpu.memory_space<vmem>>, vector<1x16xf32>,
        %get3A_535 = arith.index_cast %scan3A_449 : i32 to index
        %get3A_536 = arith.constant 80 : index
        %get3A_537 = tpu.vector_load %arg19[%get3A_535, %get3A_536] {strides = array<i32>} : memref<80x128xf32, #tpu.memory_space<vmem>>, vector<1x16xf32>,
        %get3A_538 = vector.shape_cast %get3A_537 : vector<1x16xf32> to vector<16xf32>
        %get3A_539 = arith.index_cast %scan3A_449 : i32 to index
        %get3A_540 = arith.constant 80 : index
        %get3A_541 = tpu.vector_load %arg21[%get3A_539, %get3A_540] {strides = array<i32>} : memref<80x128xf32, #tpu.memory_space<vmem>>, vector<1x16xf32>,
        %get3A_542 = vector.shape_cast %get3A_541 : vector<1x16xf32> to vector<16xf32>
        %add3A_543 = arith.addf %get3A_538, %get3A_542 : vector<16xf32>
        %max3A_544 = arith.constant 0.000000e+00 : f32
        %max3A_545 = vector.broadcast %max3A_544 : f32 to vector<16xf32>
        %max3A_546 = arith.maximumf %add3A_543, %max3A_545 : vector<16xf32>
        %swap3A_547 = arith.index_cast %scan3A_449 : i32 to index
        %swap3A_548 = arith.constant 80 : index
        %swap3A_549 = tpu.vector_load %arg21[%swap3A_547, %swap3A_548] {strides = array<i32>} : memref<80x128xf32, #tpu.memory_space<vmem>>, vector<1x16xf32>,
        %swap3A_550 = vector.shape_cast %swap3A_549 : vector<1x16xf32> to vector<16xf32>
        %swap3A_551 = vector.shape_cast %max3A_546 : vector<16xf32> to vector<1x16xf32>
        tpu.vector_store %arg21[%swap3A_547, %swap3A_548], %swap3A_551 {strides = array<i32>} : memref<80x128xf32, #tpu.memory_space<vmem>>, vector<1x16xf32>,
        %get3A_552 = arith.index_cast %scan3A_449 : i32 to index
        %get3A_553 = arith.constant 96 : index
        %get3A_554 = tpu.vector_load %arg19[%get3A_552, %get3A_553] {strides = array<i32>} : memref<80x128xf32, #tpu.memory_space<vmem>>, vector<1x16xf32>,
        %get3A_555 = vector.shape_cast %get3A_554 : vector<1x16xf32> to vector<16xf32>
        %get3A_556 = arith.index_cast %scan3A_449 : i32 to index
        %get3A_557 = arith.constant 96 : index
        %get3A_558 = tpu.vector_load %arg21[%get3A_556, %get3A_557] {strides = array<i32>} : memref<80x128xf32, #tpu.memory_space<vmem>>, vector<1x16xf32>,
        %get3A_559 = vector.shape_cast %get3A_558 : vector<1x16xf32> to vector<16xf32>
        %add3A_560 = arith.addf %get3A_555, %get3A_559 : vector<16xf32>
        %max3A_561 = arith.constant 0.000000e+00 : f32
        %max3A_562 = vector.broadcast %max3A_561 : f32 to vector<16xf32>
        %max3A_563 = arith.maximumf %add3A_560, %max3A_562 : vector<16xf32>
        %swap3A_564 = arith.index_cast %scan3A_449 : i32 to index
        %swap3A_565 = arith.constant 96 : index
        %swap3A_566 = tpu.vector_load %arg21[%swap3A_564, %swap3A_565] {strides = array<i32>} : memref<80x128xf32, #tpu.memory_space<vmem>>, vector<1x16xf32>,
        %swap3A_567 = vector.shape_cast %swap3A_566 : vector<1x16xf32> to vector<16xf32>
        %swap3A_568 = vector.shape_cast %max3A_563 : vector<16xf32> to vector<1x16xf32>
        tpu.vector_store %arg21[%swap3A_564, %swap3A_565], %swap3A_568 {strides = array<i32>} : memref<80x128xf32, #tpu.memory_space<vmem>>, vector<1x16xf32>,
        %get3A_569 = arith.index_cast %scan3A_449 : i32 to index
        %get3A_570 = arith.constant 112 : index
        %get3A_571 = tpu.vector_load %arg19[%get3A_569, %get3A_570] {strides = array<i32>} : memref<80x128xf32, #tpu.memory_space<vmem>>, vector<1x16xf32>,
        %get3A_572 = vector.shape_cast %get3A_571 : vector<1x16xf32> to vector<16xf32>
        %get3A_573 = arith.index_cast %scan3A_449 : i32 to index
        %get3A_574 = arith.constant 112 : index
        %get3A_575 = tpu.vector_load %arg21[%get3A_573, %get3A_574] {strides = array<i32>} : memref<80x128xf32, #tpu.memory_space<vmem>>, vector<1x16xf32>,
        %get3A_576 = vector.shape_cast %get3A_575 : vector<1x16xf32> to vector<16xf32>
        %add3A_577 = arith.addf %get3A_572, %get3A_576 : vector<16xf32>
        %max3A_578 = arith.constant 0.000000e+00 : f32
        %max3A_579 = vector.broadcast %max3A_578 : f32 to vector<16xf32>
        %max3A_580 = arith.maximumf %add3A_577, %max3A_579 : vector<16xf32>
        %swap3A_581 = arith.index_cast %scan3A_449 : i32 to index
        %swap3A_582 = arith.constant 112 : index
        %swap3A_583 = tpu.vector_load %arg21[%swap3A_581, %swap3A_582] {strides = array<i32>} : memref<80x128xf32, #tpu.memory_space<vmem>>, vector<1x16xf32>,
        %swap3A_584 = vector.shape_cast %swap3A_583 : vector<1x16xf32> to vector<16xf32>
        %swap3A_585 = vector.shape_cast %max3A_580 : vector<16xf32> to vector<1x16xf32>
        tpu.vector_store %arg21[%swap3A_581, %swap3A_582], %swap3A_585 {strides = array<i32>} : memref<80x128xf32, #tpu.memory_space<vmem>>, vector<1x16xf32>,
        %scan3A_586 = arith.constant 0 : i32
        scf.yield %scan3A_586 : i32
      }
      %scan3A_385 = arith.constant 80 : i32
      %get3A_386 = arith.constant 0 : index
      %get3A_387 = tpu.vector_load %arg11[%get3A_386] {strides = array<i32>} : memref<80xi32, #tpu.memory_space<vmem>>, vector<16xi32>,
      %get3A_388 = vector.shape_cast %get3A_387 : vector<16xi32> to vector<16xi32>
      %swap3A_389 = arith.constant 0 : index
      %swap3A_390 = tpu.vector_load %arg13[%swap3A_389] {strides = array<i32>} : memref<80xi32, #tpu.memory_space<vmem>>, vector<16xi32>,
      %swap3A_391 = vector.shape_cast %swap3A_390 : vector<16xi32> to vector<16xi32>
      %swap3A_392 = vector.shape_cast %get3A_388 : vector<16xi32> to vector<16xi32>
      tpu.vector_store %arg13[%swap3A_389], %swap3A_392 {strides = array<i32>} : memref<80xi32, #tpu.memory_space<vmem>>, vector<16xi32>,
      %get3A_393 = arith.constant 16 : index
      %get3A_394 = tpu.vector_load %arg11[%get3A_393] {strides = array<i32>} : memref<80xi32, #tpu.memory_space<vmem>>, vector<16xi32>,
      %get3A_395 = vector.shape_cast %get3A_394 : vector<16xi32> to vector<16xi32>
      %swap3A_396 = arith.constant 16 : index
      %swap3A_397 = tpu.vector_load %arg13[%swap3A_396] {strides = array<i32>} : memref<80xi32, #tpu.memory_space<vmem>>, vector<16xi32>,
      %swap3A_398 = vector.shape_cast %swap3A_397 : vector<16xi32> to vector<16xi32>
      %swap3A_399 = vector.shape_cast %get3A_395 : vector<16xi32> to vector<16xi32>
      tpu.vector_store %arg13[%swap3A_396], %swap3A_399 {strides = array<i32>} : memref<80xi32, #tpu.memory_space<vmem>>, vector<16xi32>,
      %get3A_400 = arith.constant 32 : index
      %get3A_401 = tpu.vector_load %arg11[%get3A_400] {strides = array<i32>} : memref<80xi32, #tpu.memory_space<vmem>>, vector<16xi32>,
      %get3A_402 = vector.shape_cast %get3A_401 : vector<16xi32> to vector<16xi32>
      %swap3A_403 = arith.constant 32 : index
      %swap3A_404 = tpu.vector_load %arg13[%swap3A_403] {strides = array<i32>} : memref<80xi32, #tpu.memory_space<vmem>>, vector<16xi32>,
      %swap3A_405 = vector.shape_cast %swap3A_404 : vector<16xi32> to vector<16xi32>
      %swap3A_406 = vector.shape_cast %get3A_402 : vector<16xi32> to vector<16xi32>
      tpu.vector_store %arg13[%swap3A_403], %swap3A_406 {strides = array<i32>} : memref<80xi32, #tpu.memory_space<vmem>>, vector<16xi32>,
      %get3A_407 = arith.constant 48 : index
      %get3A_408 = tpu.vector_load %arg11[%get3A_407] {strides = array<i32>} : memref<80xi32, #tpu.memory_space<vmem>>, vector<16xi32>,
      %get3A_409 = vector.shape_cast %get3A_408 : vector<16xi32> to vector<16xi32>
      %swap3A_410 = arith.constant 48 : index
      %swap3A_411 = tpu.vector_load %arg13[%swap3A_410] {strides = array<i32>} : memref<80xi32, #tpu.memory_space<vmem>>, vector<16xi32>,
      %swap3A_412 = vector.shape_cast %swap3A_411 : vector<16xi32> to vector<16xi32>
      %swap3A_413 = vector.shape_cast %get3A_409 : vector<16xi32> to vector<16xi32>
      tpu.vector_store %arg13[%swap3A_410], %swap3A_413 {strides = array<i32>} : memref<80xi32, #tpu.memory_space<vmem>>, vector<16xi32>,
      %get3A_414 = arith.constant 64 : index
      %get3A_415 = tpu.vector_load %arg11[%get3A_414] {strides = array<i32>} : memref<80xi32, #tpu.memory_space<vmem>>, vector<16xi32>,
      %get3A_416 = vector.shape_cast %get3A_415 : vector<16xi32> to vector<16xi32>
      %swap3A_417 = arith.constant 64 : index
      %swap3A_418 = tpu.vector_load %arg13[%swap3A_417] {strides = array<i32>} : memref<80xi32, #tpu.memory_space<vmem>>, vector<16xi32>,
      %swap3A_419 = vector.shape_cast %swap3A_418 : vector<16xi32> to vector<16xi32>
      %swap3A_420 = vector.shape_cast %get3A_416 : vector<16xi32> to vector<16xi32>
      tpu.vector_store %arg13[%swap3A_417], %swap3A_420 {strides = array<i32>} : memref<80xi32, #tpu.memory_space<vmem>>, vector<16xi32>,
      %dma_start3A_421 = arith.constant 0 : i32
      %dma_start3A_422 = arith.constant 0 : i32
      %dma_start3A_423 = tpu.memref_slice %arg23[%dma_start3A_421, %dma_start3A_422] : memref<10000x128xf32, #tpu.memory_space<vmem_shared>> -> memref<10000x128xf32, #tpu.memory_space<vmem_shared>>
      tpu.enqueue_indirect_dma source(%arg21 : memref<80x128xf32, #tpu.memory_space<vmem>>) target(%dma_start3A_423 : memref<10000x128xf32, #tpu.memory_space<vmem_shared>>) offsets(%arg13 : memref<80xi32, #tpu.memory_space<vmem>>) semaphore(%arg29 : memref<!tpu.dma_semaphore, #tpu.memory_space<semaphore_mem>>) {add = true}
      %lt3A = arith.constant 61 : i32
      %lt3A_424 = arith.cmpi slt, %scan3A_276, %lt3A : i32
      %convert_element_type3A_425 = arith.extui %lt3A_424 : i1 to i32
      %cond3A_426 = arith.constant 0 : i32
      %cond3A_427 = arith.cmpi ne, %convert_element_type3A_425, %cond3A_426 : i32
      scf.if %cond3A_427 {
        %add3A_449 = arith.constant 2 : i32
        %add3A_450 = arith.addi %add3A_375, %add3A_449 : i32
        %mul3A_451 = arith.constant 10000 : i32
        %mul3A_452 = arith.muli %arg1, %mul3A_451 : i32
        %mul3A_453 = arith.constant 80 : i32
        %mul3A_454 = arith.muli %add3A_450, %mul3A_453 : i32
        %add3A_455 = arith.addi %mul3A_452, %mul3A_454 : i32
        %mul3A_456 = arith.constant 160000 : i32
        %mul3A_457 = arith.muli %arg0, %mul3A_456 : i32
        %add3A_458 = arith.addi %mul3A_457, %add3A_455 : i32
        %dma_start3A_459 = tpu.memref_slice %arg4[%add3A_458] : memref<320000xi32, #tpu.memory_space<hbm>> -> memref<80xi32, #tpu.memory_space<hbm>>
        %dma_start3A_460 = tpu.memref_slice %arg4[%add3A_458] : memref<320000xi32, #tpu.memory_space<hbm>> -> memref<80xi32, #tpu.memory_space<hbm>>
        tpu.enqueue_dma source(%dma_start3A_460 : memref<80xi32, #tpu.memory_space<hbm>>) target(%arg9 : memref<80xi32, #tpu.memory_space<vmem>>) target_semaphore(%arg25 : memref<!tpu.dma_semaphore, #tpu.memory_space<semaphore_mem>>)
        %dma_start3A_461 = tpu.memref_slice %arg5[%add3A_455] : memref<160000xi32, #tpu.memory_space<hbm>> -> memref<80xi32, #tpu.memory_space<hbm>>
        %dma_start3A_462 = tpu.memref_slice %arg5[%add3A_455] : memref<160000xi32, #tpu.memory_space<hbm>> -> memref<80xi32, #tpu.memory_space<hbm>>
        tpu.enqueue_dma source(%dma_start3A_462 : memref<80xi32, #tpu.memory_space<hbm>>) target(%arg11 : memref<80xi32, #tpu.memory_space<vmem>>) target_semaphore(%arg25 : memref<!tpu.dma_semaphore, #tpu.memory_space<semaphore_mem>>)
        %mul3A_463 = arith.constant 160000 : i32
        %mul3A_464 = arith.muli %arg0, %mul3A_463 : i32
        %add3A_465 = arith.addi %mul3A_464, %add3A_455 : i32
        %dma_start3A_466 = arith.constant 0 : i32
        %dma_start3A_467 = tpu.memref_slice %arg3[%add3A_465, %dma_start3A_466] : memref<320000x128xf32, #tpu.memory_space<hbm>> -> memref<80x128xf32, #tpu.memory_space<hbm>>
        %dma_start3A_468 = arith.constant 0 : i32
        %dma_start3A_469 = tpu.memref_slice %arg3[%add3A_465, %dma_start3A_468] : memref<320000x128xf32, #tpu.memory_space<hbm>> -> memref<80x128xf32, #tpu.memory_space<hbm>>
        tpu.enqueue_dma source(%dma_start3A_469 : memref<80x128xf32, #tpu.memory_space<hbm>>) target(%arg19 : memref<80x128xf32, #tpu.memory_space<vmem>>) target_semaphore(%arg25 : memref<!tpu.dma_semaphore, #tpu.memory_space<semaphore_mem>>)
      } else {
      }
      %dma_wait3A_428 = arith.constant 0 : i32
      %dma_wait3A_429 = tpu.memref_slice %arg4[%dma_wait3A_428] : memref<320000xi32, #tpu.memory_space<hbm>> -> memref<80xi32, #tpu.memory_space<hbm>>
      %dma_wait3A_430 = arith.constant 0 : i32
      %dma_wait3A_431 = tpu.memref_slice %arg4[%dma_wait3A_430] : memref<320000xi32, #tpu.memory_space<hbm>> -> memref<80xi32, #tpu.memory_space<hbm>>
      tpu.wait_dma2 semaphore(%arg24 : memref<!tpu.dma_semaphore, #tpu.memory_space<semaphore_mem>>) src(%dma_wait3A_431 : memref<80xi32, #tpu.memory_space<hbm>>) dst(%arg8 : memref<80xi32, #tpu.memory_space<vmem>>)
      %dma_wait3A_432 = arith.constant 0 : i32
      %dma_wait3A_433 = tpu.memref_slice %arg5[%dma_wait3A_432] : memref<160000xi32, #tpu.memory_space<hbm>> -> memref<80xi32, #tpu.memory_space<hbm>>
      %dma_wait3A_434 = arith.constant 0 : i32
      %dma_wait3A_435 = tpu.memref_slice %arg5[%dma_wait3A_434] : memref<160000xi32, #tpu.memory_space<hbm>> -> memref<80xi32, #tpu.memory_space<hbm>>
      tpu.wait_dma2 semaphore(%arg24 : memref<!tpu.dma_semaphore, #tpu.memory_space<semaphore_mem>>) src(%dma_wait3A_435 : memref<80xi32, #tpu.memory_space<hbm>>) dst(%arg10 : memref<80xi32, #tpu.memory_space<vmem>>)
      %dma_wait3A_436 = arith.constant 0 : i32
      %dma_wait3A_437 = arith.constant 0 : i32
      %dma_wait3A_438 = tpu.memref_slice %arg3[%dma_wait3A_436, %dma_wait3A_437] : memref<320000x128xf32, #tpu.memory_space<hbm>> -> memref<80x128xf32, #tpu.memory_space<hbm>>
      %dma_wait3A_439 = arith.constant 0 : i32
      %dma_wait3A_440 = arith.constant 0 : i32
      %dma_wait3A_441 = tpu.memref_slice %arg3[%dma_wait3A_439, %dma_wait3A_440] : memref<320000x128xf32, #tpu.memory_space<hbm>> -> memref<80x128xf32, #tpu.memory_space<hbm>>
      tpu.wait_dma2 semaphore(%arg24 : memref<!tpu.dma_semaphore, #tpu.memory_space<semaphore_mem>>) src(%dma_wait3A_441 : memref<80x128xf32, #tpu.memory_space<hbm>>) dst(%arg18 : memref<80x128xf32, #tpu.memory_space<vmem>>)
      %dma_wait3A_442 = arith.constant 0 : i32
      %dma_wait3A_443 = arith.constant 0 : i32
      %dma_wait3A_444 = tpu.memref_slice %arg23[%dma_wait3A_442, %dma_wait3A_443] : memref<10000x128xf32, #tpu.memory_space<vmem_shared>> -> memref<10000x128xf32, #tpu.memory_space<vmem_shared>>
      tpu.wait_indirect_dma semaphore(%arg28 : memref<!tpu.dma_semaphore, #tpu.memory_space<semaphore_mem>>) src(%arg20 : memref<80x128xf32, #tpu.memory_space<vmem>>) dst(%dma_wait3A_444 : memref<10000x128xf32, #tpu.memory_space<vmem_shared>>)
      %dma_start3A_445 = arith.constant 0 : i32
      %dma_start3A_446 = arith.constant 0 : i32
      %dma_start3A_447 = tpu.memref_slice %arg2[%dma_start3A_445, %dma_start3A_446] : memref<20000x128xf32, #tpu.memory_space<hbm>> -> memref<20000x128xf32, #tpu.memory_space<hbm>>
      tpu.enqueue_indirect_dma source(%dma_start3A_447 : memref<20000x128xf32, #tpu.memory_space<hbm>>) target(%arg20 : memref<80x128xf32, #tpu.memory_space<vmem>>) offsets(%arg8 : memref<80xi32, #tpu.memory_space<vmem>>) semaphore(%arg26 : memref<!tpu.dma_semaphore, #tpu.memory_space<semaphore_mem>>)
      %scan3A_448 = arith.constant 0 : i32
      scf.yield %scan3A_448 : i32
    }
    %scan3A_91 = arith.constant 62 : i32
    %dma_wait3A_92 = arith.constant 0 : i32
    %dma_wait3A_93 = arith.constant 0 : i32
    %dma_wait3A_94 = tpu.memref_slice %arg2[%dma_wait3A_92, %dma_wait3A_93] : memref<20000x128xf32, #tpu.memory_space<hbm>> -> memref<20000x128xf32, #tpu.memory_space<hbm>>
    tpu.wait_indirect_dma semaphore(%arg26 : memref<!tpu.dma_semaphore, #tpu.memory_space<semaphore_mem>>) src(%dma_wait3A_94 : memref<20000x128xf32, #tpu.memory_space<hbm>>) dst(%arg20 : memref<80x128xf32, #tpu.memory_space<vmem>>)
    %scan3A_95 = arith.constant 0 : i32
    %scan3A_96 = arith.constant 0 : i32
    %scan3A_97 = arith.constant 80 : i32
    %scan3A_98 = arith.addi %scan3A_96, %scan3A_97 : i32
    %scan3A_99 = arith.constant 1 : i32
    %scan3A_100 = scf.for %scan3A_276 = %scan3A_96 to %scan3A_98 step %scan3A_99 iter_args(%scan3A_277 = %scan3A_95) -> (i32)  : i32 {
      %get3A_278 = arith.index_cast %scan3A_276 : i32 to index
      %get3A_279 = arith.constant 0 : index
      %get3A_280 = tpu.vector_load %arg18[%get3A_278, %get3A_279] {strides = array<i32>} : memref<80x128xf32, #tpu.memory_space<vmem>>, vector<1x16xf32>,
      %get3A_281 = vector.shape_cast %get3A_280 : vector<1x16xf32> to vector<16xf32>
      %get3A_282 = arith.index_cast %scan3A_276 : i32 to index
      %get3A_283 = arith.constant 0 : index
      %get3A_284 = tpu.vector_load %arg20[%get3A_282, %get3A_283] {strides = array<i32>} : memref<80x128xf32, #tpu.memory_space<vmem>>, vector<1x16xf32>,
      %get3A_285 = vector.shape_cast %get3A_284 : vector<1x16xf32> to vector<16xf32>
      %add3A_286 = arith.addf %get3A_281, %get3A_285 : vector<16xf32>
      %max3A = arith.constant 0.000000e+00 : f32
      %max3A_287 = vector.broadcast %max3A : f32 to vector<16xf32>
      %max3A_288 = arith.maximumf %add3A_286, %max3A_287 : vector<16xf32>
      %swap3A_289 = arith.index_cast %scan3A_276 : i32 to index
      %swap3A_290 = arith.constant 0 : index
      %swap3A_291 = tpu.vector_load %arg20[%swap3A_289, %swap3A_290] {strides = array<i32>} : memref<80x128xf32, #tpu.memory_space<vmem>>, vector<1x16xf32>,
      %swap3A_292 = vector.shape_cast %swap3A_291 : vector<1x16xf32> to vector<16xf32>
      %swap3A_293 = vector.shape_cast %max3A_288 : vector<16xf32> to vector<1x16xf32>
      tpu.vector_store %arg20[%swap3A_289, %swap3A_290], %swap3A_293 {strides = array<i32>} : memref<80x128xf32, #tpu.memory_space<vmem>>, vector<1x16xf32>,
      %get3A_294 = arith.index_cast %scan3A_276 : i32 to index
      %get3A_295 = arith.constant 16 : index
      %get3A_296 = tpu.vector_load %arg18[%get3A_294, %get3A_295] {strides = array<i32>} : memref<80x128xf32, #tpu.memory_space<vmem>>, vector<1x16xf32>,
      %get3A_297 = vector.shape_cast %get3A_296 : vector<1x16xf32> to vector<16xf32>
      %get3A_298 = arith.index_cast %scan3A_276 : i32 to index
      %get3A_299 = arith.constant 16 : index
      %get3A_300 = tpu.vector_load %arg20[%get3A_298, %get3A_299] {strides = array<i32>} : memref<80x128xf32, #tpu.memory_space<vmem>>, vector<1x16xf32>,
      %get3A_301 = vector.shape_cast %get3A_300 : vector<1x16xf32> to vector<16xf32>
      %add3A_302 = arith.addf %get3A_297, %get3A_301 : vector<16xf32>
      %max3A_303 = arith.constant 0.000000e+00 : f32
      %max3A_304 = vector.broadcast %max3A_303 : f32 to vector<16xf32>
      %max3A_305 = arith.maximumf %add3A_302, %max3A_304 : vector<16xf32>
      %swap3A_306 = arith.index_cast %scan3A_276 : i32 to index
      %swap3A_307 = arith.constant 16 : index
      %swap3A_308 = tpu.vector_load %arg20[%swap3A_306, %swap3A_307] {strides = array<i32>} : memref<80x128xf32, #tpu.memory_space<vmem>>, vector<1x16xf32>,
      %swap3A_309 = vector.shape_cast %swap3A_308 : vector<1x16xf32> to vector<16xf32>
      %swap3A_310 = vector.shape_cast %max3A_305 : vector<16xf32> to vector<1x16xf32>
      tpu.vector_store %arg20[%swap3A_306, %swap3A_307], %swap3A_310 {strides = array<i32>} : memref<80x128xf32, #tpu.memory_space<vmem>>, vector<1x16xf32>,
      %get3A_311 = arith.index_cast %scan3A_276 : i32 to index
      %get3A_312 = arith.constant 32 : index
      %get3A_313 = tpu.vector_load %arg18[%get3A_311, %get3A_312] {strides = array<i32>} : memref<80x128xf32, #tpu.memory_space<vmem>>, vector<1x16xf32>,
      %get3A_314 = vector.shape_cast %get3A_313 : vector<1x16xf32> to vector<16xf32>
      %get3A_315 = arith.index_cast %scan3A_276 : i32 to index
      %get3A_316 = arith.constant 32 : index
      %get3A_317 = tpu.vector_load %arg20[%get3A_315, %get3A_316] {strides = array<i32>} : memref<80x128xf32, #tpu.memory_space<vmem>>, vector<1x16xf32>,
      %get3A_318 = vector.shape_cast %get3A_317 : vector<1x16xf32> to vector<16xf32>
      %add3A_319 = arith.addf %get3A_314, %get3A_318 : vector<16xf32>
      %max3A_320 = arith.constant 0.000000e+00 : f32
      %max3A_321 = vector.broadcast %max3A_320 : f32 to vector<16xf32>
      %max3A_322 = arith.maximumf %add3A_319, %max3A_321 : vector<16xf32>
      %swap3A_323 = arith.index_cast %scan3A_276 : i32 to index
      %swap3A_324 = arith.constant 32 : index
      %swap3A_325 = tpu.vector_load %arg20[%swap3A_323, %swap3A_324] {strides = array<i32>} : memref<80x128xf32, #tpu.memory_space<vmem>>, vector<1x16xf32>,
      %swap3A_326 = vector.shape_cast %swap3A_325 : vector<1x16xf32> to vector<16xf32>
      %swap3A_327 = vector.shape_cast %max3A_322 : vector<16xf32> to vector<1x16xf32>
      tpu.vector_store %arg20[%swap3A_323, %swap3A_324], %swap3A_327 {strides = array<i32>} : memref<80x128xf32, #tpu.memory_space<vmem>>, vector<1x16xf32>,
      %get3A_328 = arith.index_cast %scan3A_276 : i32 to index
      %get3A_329 = arith.constant 48 : index
      %get3A_330 = tpu.vector_load %arg18[%get3A_328, %get3A_329] {strides = array<i32>} : memref<80x128xf32, #tpu.memory_space<vmem>>, vector<1x16xf32>,
      %get3A_331 = vector.shape_cast %get3A_330 : vector<1x16xf32> to vector<16xf32>
      %get3A_332 = arith.index_cast %scan3A_276 : i32 to index
      %get3A_333 = arith.constant 48 : index
      %get3A_334 = tpu.vector_load %arg20[%get3A_332, %get3A_333] {strides = array<i32>} : memref<80x128xf32, #tpu.memory_space<vmem>>, vector<1x16xf32>,
      %get3A_335 = vector.shape_cast %get3A_334 : vector<1x16xf32> to vector<16xf32>
      %add3A_336 = arith.addf %get3A_331, %get3A_335 : vector<16xf32>
      %max3A_337 = arith.constant 0.000000e+00 : f32
      %max3A_338 = vector.broadcast %max3A_337 : f32 to vector<16xf32>
      %max3A_339 = arith.maximumf %add3A_336, %max3A_338 : vector<16xf32>
      %swap3A_340 = arith.index_cast %scan3A_276 : i32 to index
      %swap3A_341 = arith.constant 48 : index
      %swap3A_342 = tpu.vector_load %arg20[%swap3A_340, %swap3A_341] {strides = array<i32>} : memref<80x128xf32, #tpu.memory_space<vmem>>, vector<1x16xf32>,
      %swap3A_343 = vector.shape_cast %swap3A_342 : vector<1x16xf32> to vector<16xf32>
      %swap3A_344 = vector.shape_cast %max3A_339 : vector<16xf32> to vector<1x16xf32>
      tpu.vector_store %arg20[%swap3A_340, %swap3A_341], %swap3A_344 {strides = array<i32>} : memref<80x128xf32, #tpu.memory_space<vmem>>, vector<1x16xf32>,
      %get3A_345 = arith.index_cast %scan3A_276 : i32 to index
      %get3A_346 = arith.constant 64 : index
      %get3A_347 = tpu.vector_load %arg18[%get3A_345, %get3A_346] {strides = array<i32>} : memref<80x128xf32, #tpu.memory_space<vmem>>, vector<1x16xf32>,
      %get3A_348 = vector.shape_cast %get3A_347 : vector<1x16xf32> to vector<16xf32>
      %get3A_349 = arith.index_cast %scan3A_276 : i32 to index
      %get3A_350 = arith.constant 64 : index
      %get3A_351 = tpu.vector_load %arg20[%get3A_349, %get3A_350] {strides = array<i32>} : memref<80x128xf32, #tpu.memory_space<vmem>>, vector<1x16xf32>,
      %get3A_352 = vector.shape_cast %get3A_351 : vector<1x16xf32> to vector<16xf32>
      %add3A_353 = arith.addf %get3A_348, %get3A_352 : vector<16xf32>
      %max3A_354 = arith.constant 0.000000e+00 : f32
      %max3A_355 = vector.broadcast %max3A_354 : f32 to vector<16xf32>
      %max3A_356 = arith.maximumf %add3A_353, %max3A_355 : vector<16xf32>
      %swap3A_357 = arith.index_cast %scan3A_276 : i32 to index
      %swap3A_358 = arith.constant 64 : index
      %swap3A_359 = tpu.vector_load %arg20[%swap3A_357, %swap3A_358] {strides = array<i32>} : memref<80x128xf32, #tpu.memory_space<vmem>>, vector<1x16xf32>,
      %swap3A_360 = vector.shape_cast %swap3A_359 : vector<1x16xf32> to vector<16xf32>
      %swap3A_361 = vector.shape_cast %max3A_356 : vector<16xf32> to vector<1x16xf32>
      tpu.vector_store %arg20[%swap3A_357, %swap3A_358], %swap3A_361 {strides = array<i32>} : memref<80x128xf32, #tpu.memory_space<vmem>>, vector<1x16xf32>,
      %get3A_362 = arith.index_cast %scan3A_276 : i32 to index
      %get3A_363 = arith.constant 80 : index
      %get3A_364 = tpu.vector_load %arg18[%get3A_362, %get3A_363] {strides = array<i32>} : memref<80x128xf32, #tpu.memory_space<vmem>>, vector<1x16xf32>,
      %get3A_365 = vector.shape_cast %get3A_364 : vector<1x16xf32> to vector<16xf32>
      %get3A_366 = arith.index_cast %scan3A_276 : i32 to index
      %get3A_367 = arith.constant 80 : index
      %get3A_368 = tpu.vector_load %arg20[%get3A_366, %get3A_367] {strides = array<i32>} : memref<80x128xf32, #tpu.memory_space<vmem>>, vector<1x16xf32>,
      %get3A_369 = vector.shape_cast %get3A_368 : vector<1x16xf32> to vector<16xf32>
      %add3A_370 = arith.addf %get3A_365, %get3A_369 : vector<16xf32>
      %max3A_371 = arith.constant 0.000000e+00 : f32
      %max3A_372 = vector.broadcast %max3A_371 : f32 to vector<16xf32>
      %max3A_373 = arith.maximumf %add3A_370, %max3A_372 : vector<16xf32>
      %swap3A_374 = arith.index_cast %scan3A_276 : i32 to index
      %swap3A_375 = arith.constant 80 : index
      %swap3A_376 = tpu.vector_load %arg20[%swap3A_374, %swap3A_375] {strides = array<i32>} : memref<80x128xf32, #tpu.memory_space<vmem>>, vector<1x16xf32>,
      %swap3A_377 = vector.shape_cast %swap3A_376 : vector<1x16xf32> to vector<16xf32>
      %swap3A_378 = vector.shape_cast %max3A_373 : vector<16xf32> to vector<1x16xf32>
      tpu.vector_store %arg20[%swap3A_374, %swap3A_375], %swap3A_378 {strides = array<i32>} : memref<80x128xf32, #tpu.memory_space<vmem>>, vector<1x16xf32>,
      %get3A_379 = arith.index_cast %scan3A_276 : i32 to index
      %get3A_380 = arith.constant 96 : index
      %get3A_381 = tpu.vector_load %arg18[%get3A_379, %get3A_380] {strides = array<i32>} : memref<80x128xf32, #tpu.memory_space<vmem>>, vector<1x16xf32>,
      %get3A_382 = vector.shape_cast %get3A_381 : vector<1x16xf32> to vector<16xf32>
      %get3A_383 = arith.index_cast %scan3A_276 : i32 to index
      %get3A_384 = arith.constant 96 : index
      %get3A_385 = tpu.vector_load %arg20[%get3A_383, %get3A_384] {strides = array<i32>} : memref<80x128xf32, #tpu.memory_space<vmem>>, vector<1x16xf32>,
      %get3A_386 = vector.shape_cast %get3A_385 : vector<1x16xf32> to vector<16xf32>
      %add3A_387 = arith.addf %get3A_382, %get3A_386 : vector<16xf32>
      %max3A_388 = arith.constant 0.000000e+00 : f32
      %max3A_389 = vector.broadcast %max3A_388 : f32 to vector<16xf32>
      %max3A_390 = arith.maximumf %add3A_387, %max3A_389 : vector<16xf32>
      %swap3A_391 = arith.index_cast %scan3A_276 : i32 to index
      %swap3A_392 = arith.constant 96 : index
      %swap3A_393 = tpu.vector_load %arg20[%swap3A_391, %swap3A_392] {strides = array<i32>} : memref<80x128xf32, #tpu.memory_space<vmem>>, vector<1x16xf32>,
      %swap3A_394 = vector.shape_cast %swap3A_393 : vector<1x16xf32> to vector<16xf32>
      %swap3A_395 = vector.shape_cast %max3A_390 : vector<16xf32> to vector<1x16xf32>
      tpu.vector_store %arg20[%swap3A_391, %swap3A_392], %swap3A_395 {strides = array<i32>} : memref<80x128xf32, #tpu.memory_space<vmem>>, vector<1x16xf32>,
      %get3A_396 = arith.index_cast %scan3A_276 : i32 to index
      %get3A_397 = arith.constant 112 : index
      %get3A_398 = tpu.vector_load %arg18[%get3A_396, %get3A_397] {strides = array<i32>} : memref<80x128xf32, #tpu.memory_space<vmem>>, vector<1x16xf32>,
      %get3A_399 = vector.shape_cast %get3A_398 : vector<1x16xf32> to vector<16xf32>
      %get3A_400 = arith.index_cast %scan3A_276 : i32 to index
      %get3A_401 = arith.constant 112 : index
      %get3A_402 = tpu.vector_load %arg20[%get3A_400, %get3A_401] {strides = array<i32>} : memref<80x128xf32, #tpu.memory_space<vmem>>, vector<1x16xf32>,
      %get3A_403 = vector.shape_cast %get3A_402 : vector<1x16xf32> to vector<16xf32>
      %add3A_404 = arith.addf %get3A_399, %get3A_403 : vector<16xf32>
      %max3A_405 = arith.constant 0.000000e+00 : f32
      %max3A_406 = vector.broadcast %max3A_405 : f32 to vector<16xf32>
      %max3A_407 = arith.maximumf %add3A_404, %max3A_406 : vector<16xf32>
      %swap3A_408 = arith.index_cast %scan3A_276 : i32 to index
      %swap3A_409 = arith.constant 112 : index
      %swap3A_410 = tpu.vector_load %arg20[%swap3A_408, %swap3A_409] {strides = array<i32>} : memref<80x128xf32, #tpu.memory_space<vmem>>, vector<1x16xf32>,
      %swap3A_411 = vector.shape_cast %swap3A_410 : vector<1x16xf32> to vector<16xf32>
      %swap3A_412 = vector.shape_cast %max3A_407 : vector<16xf32> to vector<1x16xf32>
      tpu.vector_store %arg20[%swap3A_408, %swap3A_409], %swap3A_412 {strides = array<i32>} : memref<80x128xf32, #tpu.memory_space<vmem>>, vector<1x16xf32>,
      %scan3A_413 = arith.constant 0 : i32
      scf.yield %scan3A_413 : i32
    }
    %scan3A_101 = arith.constant 80 : i32
    %get3A = arith.constant 0 : index
    %get3A_102 = tpu.vector_load %arg10[%get3A] {strides = array<i32>} : memref<80xi32, #tpu.memory_space<vmem>>, vector<16xi32>,
    %get3A_103 = vector.shape_cast %get3A_102 : vector<16xi32> to vector<16xi32>
    %swap3A = arith.constant 0 : index
    %swap3A_104 = tpu.vector_load %arg12[%swap3A] {strides = array<i32>} : memref<80xi32, #tpu.memory_space<vmem>>, vector<16xi32>,
    %swap3A_105 = vector.shape_cast %swap3A_104 : vector<16xi32> to vector<16xi32>
    %swap3A_106 = vector.shape_cast %get3A_103 : vector<16xi32> to vector<16xi32>
    tpu.vector_store %arg12[%swap3A], %swap3A_106 {strides = array<i32>} : memref<80xi32, #tpu.memory_space<vmem>>, vector<16xi32>,
    %get3A_107 = arith.constant 16 : index
    %get3A_108 = tpu.vector_load %arg10[%get3A_107] {strides = array<i32>} : memref<80xi32, #tpu.memory_space<vmem>>, vector<16xi32>,
    %get3A_109 = vector.shape_cast %get3A_108 : vector<16xi32> to vector<16xi32>
    %swap3A_110 = arith.constant 16 : index
    %swap3A_111 = tpu.vector_load %arg12[%swap3A_110] {strides = array<i32>} : memref<80xi32, #tpu.memory_space<vmem>>, vector<16xi32>,
    %swap3A_112 = vector.shape_cast %swap3A_111 : vector<16xi32> to vector<16xi32>
    %swap3A_113 = vector.shape_cast %get3A_109 : vector<16xi32> to vector<16xi32>
    tpu.vector_store %arg12[%swap3A_110], %swap3A_113 {strides = array<i32>} : memref<80xi32, #tpu.memory_space<vmem>>, vector<16xi32>,
    %get3A_114 = arith.constant 32 : index
    %get3A_115 = tpu.vector_load %arg10[%get3A_114] {strides = array<i32>} : memref<80xi32, #tpu.memory_space<vmem>>, vector<16xi32>,
    %get3A_116 = vector.shape_cast %get3A_115 : vector<16xi32> to vector<16xi32>
    %swap3A_117 = arith.constant 32 : index
    %swap3A_118 = tpu.vector_load %arg12[%swap3A_117] {strides = array<i32>} : memref<80xi32, #tpu.memory_space<vmem>>, vector<16xi32>,
    %swap3A_119 = vector.shape_cast %swap3A_118 : vector<16xi32> to vector<16xi32>
    %swap3A_120 = vector.shape_cast %get3A_116 : vector<16xi32> to vector<16xi32>
    tpu.vector_store %arg12[%swap3A_117], %swap3A_120 {strides = array<i32>} : memref<80xi32, #tpu.memory_space<vmem>>, vector<16xi32>,
    %get3A_121 = arith.constant 48 : index
    %get3A_122 = tpu.vector_load %arg10[%get3A_121] {strides = array<i32>} : memref<80xi32, #tpu.memory_space<vmem>>, vector<16xi32>,
    %get3A_123 = vector.shape_cast %get3A_122 : vector<16xi32> to vector<16xi32>
    %swap3A_124 = arith.constant 48 : index
    %swap3A_125 = tpu.vector_load %arg12[%swap3A_124] {strides = array<i32>} : memref<80xi32, #tpu.memory_space<vmem>>, vector<16xi32>,
    %swap3A_126 = vector.shape_cast %swap3A_125 : vector<16xi32> to vector<16xi32>
    %swap3A_127 = vector.shape_cast %get3A_123 : vector<16xi32> to vector<16xi32>
    tpu.vector_store %arg12[%swap3A_124], %swap3A_127 {strides = array<i32>} : memref<80xi32, #tpu.memory_space<vmem>>, vector<16xi32>,
    %get3A_128 = arith.constant 64 : index
    %get3A_129 = tpu.vector_load %arg10[%get3A_128] {strides = array<i32>} : memref<80xi32, #tpu.memory_space<vmem>>, vector<16xi32>,
    %get3A_130 = vector.shape_cast %get3A_129 : vector<16xi32> to vector<16xi32>
    %swap3A_131 = arith.constant 64 : index
    %swap3A_132 = tpu.vector_load %arg12[%swap3A_131] {strides = array<i32>} : memref<80xi32, #tpu.memory_space<vmem>>, vector<16xi32>,
    %swap3A_133 = vector.shape_cast %swap3A_132 : vector<16xi32> to vector<16xi32>
    %swap3A_134 = vector.shape_cast %get3A_130 : vector<16xi32> to vector<16xi32>
    tpu.vector_store %arg12[%swap3A_131], %swap3A_134 {strides = array<i32>} : memref<80xi32, #tpu.memory_space<vmem>>, vector<16xi32>,
    %dma_start3A_135 = arith.constant 0 : i32
    %dma_start3A_136 = arith.constant 0 : i32
    %dma_start3A_137 = tpu.memref_slice %arg23[%dma_start3A_135, %dma_start3A_136] : memref<10000x128xf32, #tpu.memory_space<vmem_shared>> -> memref<10000x128xf32, #tpu.memory_space<vmem_shared>>
    tpu.enqueue_indirect_dma source(%arg20 : memref<80x128xf32, #tpu.memory_space<vmem>>) target(%dma_start3A_137 : memref<10000x128xf32, #tpu.memory_space<vmem_shared>>) offsets(%arg12 : memref<80xi32, #tpu.memory_space<vmem>>) semaphore(%arg28 : memref<!tpu.dma_semaphore, #tpu.memory_space<semaphore_mem>>) {add = true}
    %dma_wait3A_138 = arith.constant 0 : i32
    %dma_wait3A_139 = arith.constant 0 : i32
    %dma_wait3A_140 = tpu.memref_slice %arg23[%dma_wait3A_138, %dma_wait3A_139] : memref<10000x128xf32, #tpu.memory_space<vmem_shared>> -> memref<10000x128xf32, #tpu.memory_space<vmem_shared>>
    tpu.wait_indirect_dma semaphore(%arg28 : memref<!tpu.dma_semaphore, #tpu.memory_space<semaphore_mem>>) src(%arg20 : memref<80x128xf32, #tpu.memory_space<vmem>>) dst(%dma_wait3A_140 : memref<10000x128xf32, #tpu.memory_space<vmem_shared>>)
    %dma_wait3A_141 = arith.constant 0 : i32
    %dma_wait3A_142 = arith.constant 0 : i32
    %dma_wait3A_143 = tpu.memref_slice %arg23[%dma_wait3A_141, %dma_wait3A_142] : memref<10000x128xf32, #tpu.memory_space<vmem_shared>> -> memref<10000x128xf32, #tpu.memory_space<vmem_shared>>
    tpu.wait_indirect_dma semaphore(%arg29 : memref<!tpu.dma_semaphore, #tpu.memory_space<semaphore_mem>>) src(%arg21 : memref<80x128xf32, #tpu.memory_space<vmem>>) dst(%dma_wait3A_143 : memref<10000x128xf32, #tpu.memory_space<vmem_shared>>)
    %barrier3A_144 = arith.constant 0 : index
    tpu.barrier barrier_id(%barrier3A_144)
    %mul3A_145 = arith.constant 10000 : i32
    %mul3A_146 = arith.muli %arg0, %mul3A_145 : i32
    %add3A_147 = arith.addi %mul3A_146, %mul3A_6 : i32
    "tpu.region"() ({
      %run_scoped3A = tpu.sem_alloc : memref<!tpu.dma_semaphore, #tpu.memory_space<semaphore_mem>>
      %dma_start3A_276 = arith.constant 0 : i32
      %dma_start3A_277 = tpu.memref_slice %arg6[%add3A_147, %dma_start3A_276] : memref<20000x128xf32, #tpu.memory_space<hbm>> -> memref<624x128xf32, #tpu.memory_space<hbm>>
      %dma_start3A_278 = arith.constant 0 : i32
      %dma_start3A_279 = tpu.memref_slice %arg23[%mul3A_6, %dma_start3A_278] : memref<10000x128xf32, #tpu.memory_space<vmem_shared>> -> memref<624x128xf32, #tpu.memory_space<vmem_shared>>
      tpu.enqueue_dma source(%dma_start3A_279 : memref<624x128xf32, #tpu.memory_space<vmem_shared>>) target(%dma_start3A_277 : memref<624x128xf32, #tpu.memory_space<hbm>>) target_semaphore(%run_scoped3A : memref<!tpu.dma_semaphore, #tpu.memory_space<semaphore_mem>>)
      %dma_wait3A_280 = arith.constant 0 : i32
      %dma_wait3A_281 = tpu.memref_slice %arg6[%add3A_147, %dma_wait3A_280] : memref<20000x128xf32, #tpu.memory_space<hbm>> -> memref<624x128xf32, #tpu.memory_space<hbm>>
      %dma_wait3A_282 = arith.constant 0 : i32
      %dma_wait3A_283 = tpu.memref_slice %arg23[%mul3A_6, %dma_wait3A_282] : memref<10000x128xf32, #tpu.memory_space<vmem_shared>> -> memref<624x128xf32, #tpu.memory_space<vmem_shared>>
      tpu.wait_dma2 semaphore(%run_scoped3A : memref<!tpu.dma_semaphore, #tpu.memory_space<semaphore_mem>>) src(%dma_wait3A_283 : memref<624x128xf32, #tpu.memory_space<vmem_shared>>) dst(%dma_wait3A_281 : memref<624x128xf32, #tpu.memory_space<hbm>>)
      tpu.yield
    }) : () -> ()
    %eq3A_148 = arith.constant 15 : i32
    %eq3A_149 = arith.cmpi eq, %arg1, %eq3A_148 : i32
    %convert_element_type3A_150 = arith.extui %eq3A_149 : i1 to i32
    %cond3A_151 = arith.constant 0 : i32
    %cond3A_152 = arith.cmpi ne, %convert_element_type3A_150, %cond3A_151 : i32
    scf.if %cond3A_152 {
      %mul3A_276 = arith.constant 10000 : i32
      %mul3A_277 = arith.muli %arg0, %mul3A_276 : i32
      %add3A_278 = arith.constant 9984 : i32
      %add3A_279 = arith.addi %mul3A_277, %add3A_278 : i32
      "tpu.region"() ({
        %run_scoped3A = tpu.sem_alloc : memref<!tpu.dma_semaphore, #tpu.memory_space<semaphore_mem>>
        %dma_start3A_280 = arith.constant 0 : i32
        %dma_start3A_281 = tpu.memref_slice %arg6[%add3A_279, %dma_start3A_280] : memref<20000x128xf32, #tpu.memory_space<hbm>> -> memref<16x128xf32, #tpu.memory_space<hbm>>
        %dma_start3A_282 = arith.constant 9984 : i32
        %dma_start3A_283 = arith.constant 0 : i32
        %dma_start3A_284 = tpu.memref_slice %arg23[%dma_start3A_282, %dma_start3A_283] : memref<10000x128xf32, #tpu.memory_space<vmem_shared>> -> memref<16x128xf32, #tpu.memory_space<vmem_shared>>
        tpu.enqueue_dma source(%dma_start3A_284 : memref<16x128xf32, #tpu.memory_space<vmem_shared>>) target(%dma_start3A_281 : memref<16x128xf32, #tpu.memory_space<hbm>>) target_semaphore(%run_scoped3A : memref<!tpu.dma_semaphore, #tpu.memory_space<semaphore_mem>>)
        %dma_wait3A_285 = arith.constant 0 : i32
        %dma_wait3A_286 = tpu.memref_slice %arg6[%add3A_279, %dma_wait3A_285] : memref<20000x128xf32, #tpu.memory_space<hbm>> -> memref<16x128xf32, #tpu.memory_space<hbm>>
        %dma_wait3A_287 = arith.constant 9984 : i32
        %dma_wait3A_288 = arith.constant 0 : i32
        %dma_wait3A_289 = tpu.memref_slice %arg23[%dma_wait3A_287, %dma_wait3A_288] : memref<10000x128xf32, #tpu.memory_space<vmem_shared>> -> memref<16x128xf32, #tpu.memory_space<vmem_shared>>
        tpu.wait_dma2 semaphore(%run_scoped3A : memref<!tpu.dma_semaphore, #tpu.memory_space<semaphore_mem>>) src(%dma_wait3A_289 : memref<16x128xf32, #tpu.memory_space<vmem_shared>>) dst(%dma_wait3A_286 : memref<16x128xf32, #tpu.memory_space<hbm>>)
        tpu.yield
      }) : () -> ()
    } else {
    }
    %barrier3A_153 = arith.constant 0 : index
    tpu.barrier barrier_id(%barrier3A_153)
    %add3A_154 = arith.constant 0 : i32
    %add3A_155 = arith.addi %mul3A_6, %add3A_154 : i32
    "tpu.region"() ({
      %run_scoped3A = tpu.sem_alloc : memref<!tpu.dma_semaphore, #tpu.memory_space<semaphore_mem>>
      %dma_start3A_276 = arith.constant 0 : i32
      %dma_start3A_277 = tpu.memref_slice %arg23[%add3A_155, %dma_start3A_276] : memref<10000x128xf32, #tpu.memory_space<vmem_shared>> -> memref<48x128xf32, #tpu.memory_space<vmem_shared>>
      %dma_start3A_278 = arith.constant 0 : i32
      %dma_start3A_279 = tpu.memref_slice %arg23[%add3A_155, %dma_start3A_278] : memref<10000x128xf32, #tpu.memory_space<vmem_shared>> -> memref<48x128xf32, #tpu.memory_space<vmem_shared>>
      tpu.enqueue_dma source(%arg22 : memref<48x128xf32, #tpu.memory_space<vmem>>) target(%dma_start3A_279 : memref<48x128xf32, #tpu.memory_space<vmem_shared>>) target_semaphore(%run_scoped3A : memref<!tpu.dma_semaphore, #tpu.memory_space<semaphore_mem>>)
      %dma_wait3A_280 = arith.constant 0 : i32
      %dma_wait3A_281 = tpu.memref_slice %arg23[%add3A_155, %dma_wait3A_280] : memref<10000x128xf32, #tpu.memory_space<vmem_shared>> -> memref<48x128xf32, #tpu.memory_space<vmem_shared>>
      %dma_wait3A_282 = arith.constant 0 : i32
      %dma_wait3A_283 = tpu.memref_slice %arg23[%add3A_155, %dma_wait3A_282] : memref<10000x128xf32, #tpu.memory_space<vmem_shared>> -> memref<48x128xf32, #tpu.memory_space<vmem_shared>>
      tpu.wait_dma2 semaphore(%run_scoped3A : memref<!tpu.dma_semaphore, #tpu.memory_space<semaphore_mem>>) src(%arg22 : memref<48x128xf32, #tpu.memory_space<vmem>>) dst(%dma_wait3A_283 : memref<48x128xf32, #tpu.memory_space<vmem_shared>>)
      tpu.yield
    }) : () -> ()
    %add3A_156 = arith.constant 48 : i32
    %add3A_157 = arith.addi %mul3A_6, %add3A_156 : i32
    "tpu.region"() ({
      %run_scoped3A = tpu.sem_alloc : memref<!tpu.dma_semaphore, #tpu.memory_space<semaphore_mem>>
      %dma_start3A_276 = arith.constant 0 : i32
      %dma_start3A_277 = tpu.memref_slice %arg23[%add3A_157, %dma_start3A_276] : memref<10000x128xf32, #tpu.memory_space<vmem_shared>> -> memref<48x128xf32, #tpu.memory_space<vmem_shared>>
      %dma_start3A_278 = arith.constant 0 : i32
      %dma_start3A_279 = tpu.memref_slice %arg23[%add3A_157, %dma_start3A_278] : memref<10000x128xf32, #tpu.memory_space<vmem_shared>> -> memref<48x128xf32, #tpu.memory_space<vmem_shared>>
      tpu.enqueue_dma source(%arg22 : memref<48x128xf32, #tpu.memory_space<vmem>>) target(%dma_start3A_279 : memref<48x128xf32, #tpu.memory_space<vmem_shared>>) target_semaphore(%run_scoped3A : memref<!tpu.dma_semaphore, #tpu.memory_space<semaphore_mem>>)
      %dma_wait3A_280 = arith.constant 0 : i32
      %dma_wait3A_281 = tpu.memref_slice %arg23[%add3A_157, %dma_wait3A_280] : memref<10000x128xf32, #tpu.memory_space<vmem_shared>> -> memref<48x128xf32, #tpu.memory_space<vmem_shared>>
      %dma_wait3A_282 = arith.constant 0 : i32
      %dma_wait3A_283 = tpu.memref_slice %arg23[%add3A_157, %dma_wait3A_282] : memref<10000x128xf32, #tpu.memory_space<vmem_shared>> -> memref<48x128xf32, #tpu.memory_space<vmem_shared>>
      tpu.wait_dma2 semaphore(%run_scoped3A : memref<!tpu.dma_semaphore, #tpu.memory_space<semaphore_mem>>) src(%arg22 : memref<48x128xf32, #tpu.memory_space<vmem>>) dst(%dma_wait3A_283 : memref<48x128xf32, #tpu.memory_space<vmem_shared>>)
      tpu.yield
    }) : () -> ()
    %add3A_158 = arith.constant 96 : i32
    %add3A_159 = arith.addi %mul3A_6, %add3A_158 : i32
    "tpu.region"() ({
      %run_scoped3A = tpu.sem_alloc : memref<!tpu.dma_semaphore, #tpu.memory_space<semaphore_mem>>
      %dma_start3A_276 = arith.constant 0 : i32
      %dma_start3A_277 = tpu.memref_slice %arg23[%add3A_159, %dma_start3A_276] : memref<10000x128xf32, #tpu.memory_space<vmem_shared>> -> memref<48x128xf32, #tpu.memory_space<vmem_shared>>
      %dma_start3A_278 = arith.constant 0 : i32
      %dma_start3A_279 = tpu.memref_slice %arg23[%add3A_159, %dma_start3A_278] : memref<10000x128xf32, #tpu.memory_space<vmem_shared>> -> memref<48x128xf32, #tpu.memory_space<vmem_shared>>
      tpu.enqueue_dma source(%arg22 : memref<48x128xf32, #tpu.memory_space<vmem>>) target(%dma_start3A_279 : memref<48x128xf32, #tpu.memory_space<vmem_shared>>) target_semaphore(%run_scoped3A : memref<!tpu.dma_semaphore, #tpu.memory_space<semaphore_mem>>)
      %dma_wait3A_280 = arith.constant 0 : i32
      %dma_wait3A_281 = tpu.memref_slice %arg23[%add3A_159, %dma_wait3A_280] : memref<10000x128xf32, #tpu.memory_space<vmem_shared>> -> memref<48x128xf32, #tpu.memory_space<vmem_shared>>
      %dma_wait3A_282 = arith.constant 0 : i32
      %dma_wait3A_283 = tpu.memref_slice %arg23[%add3A_159, %dma_wait3A_282] : memref<10000x128xf32, #tpu.memory_space<vmem_shared>> -> memref<48x128xf32, #tpu.memory_space<vmem_shared>>
      tpu.wait_dma2 semaphore(%run_scoped3A : memref<!tpu.dma_semaphore, #tpu.memory_space<semaphore_mem>>) src(%arg22 : memref<48x128xf32, #tpu.memory_space<vmem>>) dst(%dma_wait3A_283 : memref<48x128xf32, #tpu.memory_space<vmem_shared>>)
      tpu.yield
    }) : () -> ()
    %add3A_160 = arith.constant 144 : i32
    %add3A_161 = arith.addi %mul3A_6, %add3A_160 : i32
    "tpu.region"() ({
      %run_scoped3A = tpu.sem_alloc : memref<!tpu.dma_semaphore, #tpu.memory_space<semaphore_mem>>
      %dma_start3A_276 = arith.constant 0 : i32
      %dma_start3A_277 = tpu.memref_slice %arg23[%add3A_161, %dma_start3A_276] : memref<10000x128xf32, #tpu.memory_space<vmem_shared>> -> memref<48x128xf32, #tpu.memory_space<vmem_shared>>
      %dma_start3A_278 = arith.constant 0 : i32
      %dma_start3A_279 = tpu.memref_slice %arg23[%add3A_161, %dma_start3A_278] : memref<10000x128xf32, #tpu.memory_space<vmem_shared>> -> memref<48x128xf32, #tpu.memory_space<vmem_shared>>
      tpu.enqueue_dma source(%arg22 : memref<48x128xf32, #tpu.memory_space<vmem>>) target(%dma_start3A_279 : memref<48x128xf32, #tpu.memory_space<vmem_shared>>) target_semaphore(%run_scoped3A : memref<!tpu.dma_semaphore, #tpu.memory_space<semaphore_mem>>)
      %dma_wait3A_280 = arith.constant 0 : i32
      %dma_wait3A_281 = tpu.memref_slice %arg23[%add3A_161, %dma_wait3A_280] : memref<10000x128xf32, #tpu.memory_space<vmem_shared>> -> memref<48x128xf32, #tpu.memory_space<vmem_shared>>
      %dma_wait3A_282 = arith.constant 0 : i32
      %dma_wait3A_283 = tpu.memref_slice %arg23[%add3A_161, %dma_wait3A_282] : memref<10000x128xf32, #tpu.memory_space<vmem_shared>> -> memref<48x128xf32, #tpu.memory_space<vmem_shared>>
      tpu.wait_dma2 semaphore(%run_scoped3A : memref<!tpu.dma_semaphore, #tpu.memory_space<semaphore_mem>>) src(%arg22 : memref<48x128xf32, #tpu.memory_space<vmem>>) dst(%dma_wait3A_283 : memref<48x128xf32, #tpu.memory_space<vmem_shared>>)
      tpu.yield
    }) : () -> ()
    %add3A_162 = arith.constant 192 : i32
    %add3A_163 = arith.addi %mul3A_6, %add3A_162 : i32
    "tpu.region"() ({
      %run_scoped3A = tpu.sem_alloc : memref<!tpu.dma_semaphore, #tpu.memory_space<semaphore_mem>>
      %dma_start3A_276 = arith.constant 0 : i32
      %dma_start3A_277 = tpu.memref_slice %arg23[%add3A_163, %dma_start3A_276] : memref<10000x128xf32, #tpu.memory_space<vmem_shared>> -> memref<48x128xf32, #tpu.memory_space<vmem_shared>>
      %dma_start3A_278 = arith.constant 0 : i32
      %dma_start3A_279 = tpu.memref_slice %arg23[%add3A_163, %dma_start3A_278] : memref<10000x128xf32, #tpu.memory_space<vmem_shared>> -> memref<48x128xf32, #tpu.memory_space<vmem_shared>>
      tpu.enqueue_dma source(%arg22 : memref<48x128xf32, #tpu.memory_space<vmem>>) target(%dma_start3A_279 : memref<48x128xf32, #tpu.memory_space<vmem_shared>>) target_semaphore(%run_scoped3A : memref<!tpu.dma_semaphore, #tpu.memory_space<semaphore_mem>>)
      %dma_wait3A_280 = arith.constant 0 : i32
      %dma_wait3A_281 = tpu.memref_slice %arg23[%add3A_163, %dma_wait3A_280] : memref<10000x128xf32, #tpu.memory_space<vmem_shared>> -> memref<48x128xf32, #tpu.memory_space<vmem_shared>>
      %dma_wait3A_282 = arith.constant 0 : i32
      %dma_wait3A_283 = tpu.memref_slice %arg23[%add3A_163, %dma_wait3A_282] : memref<10000x128xf32, #tpu.memory_space<vmem_shared>> -> memref<48x128xf32, #tpu.memory_space<vmem_shared>>
      tpu.wait_dma2 semaphore(%run_scoped3A : memref<!tpu.dma_semaphore, #tpu.memory_space<semaphore_mem>>) src(%arg22 : memref<48x128xf32, #tpu.memory_space<vmem>>) dst(%dma_wait3A_283 : memref<48x128xf32, #tpu.memory_space<vmem_shared>>)
      tpu.yield
    }) : () -> ()
    %add3A_164 = arith.constant 240 : i32
    %add3A_165 = arith.addi %mul3A_6, %add3A_164 : i32
    "tpu.region"() ({
      %run_scoped3A = tpu.sem_alloc : memref<!tpu.dma_semaphore, #tpu.memory_space<semaphore_mem>>
      %dma_start3A_276 = arith.constant 0 : i32
      %dma_start3A_277 = tpu.memref_slice %arg23[%add3A_165, %dma_start3A_276] : memref<10000x128xf32, #tpu.memory_space<vmem_shared>> -> memref<48x128xf32, #tpu.memory_space<vmem_shared>>
      %dma_start3A_278 = arith.constant 0 : i32
      %dma_start3A_279 = tpu.memref_slice %arg23[%add3A_165, %dma_start3A_278] : memref<10000x128xf32, #tpu.memory_space<vmem_shared>> -> memref<48x128xf32, #tpu.memory_space<vmem_shared>>
      tpu.enqueue_dma source(%arg22 : memref<48x128xf32, #tpu.memory_space<vmem>>) target(%dma_start3A_279 : memref<48x128xf32, #tpu.memory_space<vmem_shared>>) target_semaphore(%run_scoped3A : memref<!tpu.dma_semaphore, #tpu.memory_space<semaphore_mem>>)
      %dma_wait3A_280 = arith.constant 0 : i32
      %dma_wait3A_281 = tpu.memref_slice %arg23[%add3A_165, %dma_wait3A_280] : memref<10000x128xf32, #tpu.memory_space<vmem_shared>> -> memref<48x128xf32, #tpu.memory_space<vmem_shared>>
      %dma_wait3A_282 = arith.constant 0 : i32
      %dma_wait3A_283 = tpu.memref_slice %arg23[%add3A_165, %dma_wait3A_282] : memref<10000x128xf32, #tpu.memory_space<vmem_shared>> -> memref<48x128xf32, #tpu.memory_space<vmem_shared>>
      tpu.wait_dma2 semaphore(%run_scoped3A : memref<!tpu.dma_semaphore, #tpu.memory_space<semaphore_mem>>) src(%arg22 : memref<48x128xf32, #tpu.memory_space<vmem>>) dst(%dma_wait3A_283 : memref<48x128xf32, #tpu.memory_space<vmem_shared>>)
      tpu.yield
    }) : () -> ()
    %add3A_166 = arith.constant 288 : i32
    %add3A_167 = arith.addi %mul3A_6, %add3A_166 : i32
    "tpu.region"() ({
      %run_scoped3A = tpu.sem_alloc : memref<!tpu.dma_semaphore, #tpu.memory_space<semaphore_mem>>
      %dma_start3A_276 = arith.constant 0 : i32
      %dma_start3A_277 = tpu.memref_slice %arg23[%add3A_167, %dma_start3A_276] : memref<10000x128xf32, #tpu.memory_space<vmem_shared>> -> memref<48x128xf32, #tpu.memory_space<vmem_shared>>
      %dma_start3A_278 = arith.constant 0 : i32
      %dma_start3A_279 = tpu.memref_slice %arg23[%add3A_167, %dma_start3A_278] : memref<10000x128xf32, #tpu.memory_space<vmem_shared>> -> memref<48x128xf32, #tpu.memory_space<vmem_shared>>
      tpu.enqueue_dma source(%arg22 : memref<48x128xf32, #tpu.memory_space<vmem>>) target(%dma_start3A_279 : memref<48x128xf32, #tpu.memory_space<vmem_shared>>) target_semaphore(%run_scoped3A : memref<!tpu.dma_semaphore, #tpu.memory_space<semaphore_mem>>)
      %dma_wait3A_280 = arith.constant 0 : i32
      %dma_wait3A_281 = tpu.memref_slice %arg23[%add3A_167, %dma_wait3A_280] : memref<10000x128xf32, #tpu.memory_space<vmem_shared>> -> memref<48x128xf32, #tpu.memory_space<vmem_shared>>
      %dma_wait3A_282 = arith.constant 0 : i32
      %dma_wait3A_283 = tpu.memref_slice %arg23[%add3A_167, %dma_wait3A_282] : memref<10000x128xf32, #tpu.memory_space<vmem_shared>> -> memref<48x128xf32, #tpu.memory_space<vmem_shared>>
      tpu.wait_dma2 semaphore(%run_scoped3A : memref<!tpu.dma_semaphore, #tpu.memory_space<semaphore_mem>>) src(%arg22 : memref<48x128xf32, #tpu.memory_space<vmem>>) dst(%dma_wait3A_283 : memref<48x128xf32, #tpu.memory_space<vmem_shared>>)
      tpu.yield
    }) : () -> ()
    %add3A_168 = arith.constant 336 : i32
    %add3A_169 = arith.addi %mul3A_6, %add3A_168 : i32
    "tpu.region"() ({
      %run_scoped3A = tpu.sem_alloc : memref<!tpu.dma_semaphore, #tpu.memory_space<semaphore_mem>>
      %dma_start3A_276 = arith.constant 0 : i32
      %dma_start3A_277 = tpu.memref_slice %arg23[%add3A_169, %dma_start3A_276] : memref<10000x128xf32, #tpu.memory_space<vmem_shared>> -> memref<48x128xf32, #tpu.memory_space<vmem_shared>>
      %dma_start3A_278 = arith.constant 0 : i32
      %dma_start3A_279 = tpu.memref_slice %arg23[%add3A_169, %dma_start3A_278] : memref<10000x128xf32, #tpu.memory_space<vmem_shared>> -> memref<48x128xf32, #tpu.memory_space<vmem_shared>>
      tpu.enqueue_dma source(%arg22 : memref<48x128xf32, #tpu.memory_space<vmem>>) target(%dma_start3A_279 : memref<48x128xf32, #tpu.memory_space<vmem_shared>>) target_semaphore(%run_scoped3A : memref<!tpu.dma_semaphore, #tpu.memory_space<semaphore_mem>>)
      %dma_wait3A_280 = arith.constant 0 : i32
      %dma_wait3A_281 = tpu.memref_slice %arg23[%add3A_169, %dma_wait3A_280] : memref<10000x128xf32, #tpu.memory_space<vmem_shared>> -> memref<48x128xf32, #tpu.memory_space<vmem_shared>>
      %dma_wait3A_282 = arith.constant 0 : i32
      %dma_wait3A_283 = tpu.memref_slice %arg23[%add3A_169, %dma_wait3A_282] : memref<10000x128xf32, #tpu.memory_space<vmem_shared>> -> memref<48x128xf32, #tpu.memory_space<vmem_shared>>
      tpu.wait_dma2 semaphore(%run_scoped3A : memref<!tpu.dma_semaphore, #tpu.memory_space<semaphore_mem>>) src(%arg22 : memref<48x128xf32, #tpu.memory_space<vmem>>) dst(%dma_wait3A_283 : memref<48x128xf32, #tpu.memory_space<vmem_shared>>)
      tpu.yield
    }) : () -> ()
    %add3A_170 = arith.constant 384 : i32
    %add3A_171 = arith.addi %mul3A_6, %add3A_170 : i32
    "tpu.region"() ({
      %run_scoped3A = tpu.sem_alloc : memref<!tpu.dma_semaphore, #tpu.memory_space<semaphore_mem>>
      %dma_start3A_276 = arith.constant 0 : i32
      %dma_start3A_277 = tpu.memref_slice %arg23[%add3A_171, %dma_start3A_276] : memref<10000x128xf32, #tpu.memory_space<vmem_shared>> -> memref<48x128xf32, #tpu.memory_space<vmem_shared>>
      %dma_start3A_278 = arith.constant 0 : i32
      %dma_start3A_279 = tpu.memref_slice %arg23[%add3A_171, %dma_start3A_278] : memref<10000x128xf32, #tpu.memory_space<vmem_shared>> -> memref<48x128xf32, #tpu.memory_space<vmem_shared>>
      tpu.enqueue_dma source(%arg22 : memref<48x128xf32, #tpu.memory_space<vmem>>) target(%dma_start3A_279 : memref<48x128xf32, #tpu.memory_space<vmem_shared>>) target_semaphore(%run_scoped3A : memref<!tpu.dma_semaphore, #tpu.memory_space<semaphore_mem>>)
      %dma_wait3A_280 = arith.constant 0 : i32
      %dma_wait3A_281 = tpu.memref_slice %arg23[%add3A_171, %dma_wait3A_280] : memref<10000x128xf32, #tpu.memory_space<vmem_shared>> -> memref<48x128xf32, #tpu.memory_space<vmem_shared>>
      %dma_wait3A_282 = arith.constant 0 : i32
      %dma_wait3A_283 = tpu.memref_slice %arg23[%add3A_171, %dma_wait3A_282] : memref<10000x128xf32, #tpu.memory_space<vmem_shared>> -> memref<48x128xf32, #tpu.memory_space<vmem_shared>>
      tpu.wait_dma2 semaphore(%run_scoped3A : memref<!tpu.dma_semaphore, #tpu.memory_space<semaphore_mem>>) src(%arg22 : memref<48x128xf32, #tpu.memory_space<vmem>>) dst(%dma_wait3A_283 : memref<48x128xf32, #tpu.memory_space<vmem_shared>>)
      tpu.yield
    }) : () -> ()
    %add3A_172 = arith.constant 432 : i32
    %add3A_173 = arith.addi %mul3A_6, %add3A_172 : i32
    "tpu.region"() ({
      %run_scoped3A = tpu.sem_alloc : memref<!tpu.dma_semaphore, #tpu.memory_space<semaphore_mem>>
      %dma_start3A_276 = arith.constant 0 : i32
      %dma_start3A_277 = tpu.memref_slice %arg23[%add3A_173, %dma_start3A_276] : memref<10000x128xf32, #tpu.memory_space<vmem_shared>> -> memref<48x128xf32, #tpu.memory_space<vmem_shared>>
      %dma_start3A_278 = arith.constant 0 : i32
      %dma_start3A_279 = tpu.memref_slice %arg23[%add3A_173, %dma_start3A_278] : memref<10000x128xf32, #tpu.memory_space<vmem_shared>> -> memref<48x128xf32, #tpu.memory_space<vmem_shared>>
      tpu.enqueue_dma source(%arg22 : memref<48x128xf32, #tpu.memory_space<vmem>>) target(%dma_start3A_279 : memref<48x128xf32, #tpu.memory_space<vmem_shared>>) target_semaphore(%run_scoped3A : memref<!tpu.dma_semaphore, #tpu.memory_space<semaphore_mem>>)
      %dma_wait3A_280 = arith.constant 0 : i32
      %dma_wait3A_281 = tpu.memref_slice %arg23[%add3A_173, %dma_wait3A_280] : memref<10000x128xf32, #tpu.memory_space<vmem_shared>> -> memref<48x128xf32, #tpu.memory_space<vmem_shared>>
      %dma_wait3A_282 = arith.constant 0 : i32
      %dma_wait3A_283 = tpu.memref_slice %arg23[%add3A_173, %dma_wait3A_282] : memref<10000x128xf32, #tpu.memory_space<vmem_shared>> -> memref<48x128xf32, #tpu.memory_space<vmem_shared>>
      tpu.wait_dma2 semaphore(%run_scoped3A : memref<!tpu.dma_semaphore, #tpu.memory_space<semaphore_mem>>) src(%arg22 : memref<48x128xf32, #tpu.memory_space<vmem>>) dst(%dma_wait3A_283 : memref<48x128xf32, #tpu.memory_space<vmem_shared>>)
      tpu.yield
    }) : () -> ()
    %add3A_174 = arith.constant 480 : i32
    %add3A_175 = arith.addi %mul3A_6, %add3A_174 : i32
    "tpu.region"() ({
      %run_scoped3A = tpu.sem_alloc : memref<!tpu.dma_semaphore, #tpu.memory_space<semaphore_mem>>
      %dma_start3A_276 = arith.constant 0 : i32
      %dma_start3A_277 = tpu.memref_slice %arg23[%add3A_175, %dma_start3A_276] : memref<10000x128xf32, #tpu.memory_space<vmem_shared>> -> memref<48x128xf32, #tpu.memory_space<vmem_shared>>
      %dma_start3A_278 = arith.constant 0 : i32
      %dma_start3A_279 = tpu.memref_slice %arg23[%add3A_175, %dma_start3A_278] : memref<10000x128xf32, #tpu.memory_space<vmem_shared>> -> memref<48x128xf32, #tpu.memory_space<vmem_shared>>
      tpu.enqueue_dma source(%arg22 : memref<48x128xf32, #tpu.memory_space<vmem>>) target(%dma_start3A_279 : memref<48x128xf32, #tpu.memory_space<vmem_shared>>) target_semaphore(%run_scoped3A : memref<!tpu.dma_semaphore, #tpu.memory_space<semaphore_mem>>)
      %dma_wait3A_280 = arith.constant 0 : i32
      %dma_wait3A_281 = tpu.memref_slice %arg23[%add3A_175, %dma_wait3A_280] : memref<10000x128xf32, #tpu.memory_space<vmem_shared>> -> memref<48x128xf32, #tpu.memory_space<vmem_shared>>
      %dma_wait3A_282 = arith.constant 0 : i32
      %dma_wait3A_283 = tpu.memref_slice %arg23[%add3A_175, %dma_wait3A_282] : memref<10000x128xf32, #tpu.memory_space<vmem_shared>> -> memref<48x128xf32, #tpu.memory_space<vmem_shared>>
      tpu.wait_dma2 semaphore(%run_scoped3A : memref<!tpu.dma_semaphore, #tpu.memory_space<semaphore_mem>>) src(%arg22 : memref<48x128xf32, #tpu.memory_space<vmem>>) dst(%dma_wait3A_283 : memref<48x128xf32, #tpu.memory_space<vmem_shared>>)
      tpu.yield
    }) : () -> ()
    %add3A_176 = arith.constant 528 : i32
    %add3A_177 = arith.addi %mul3A_6, %add3A_176 : i32
    "tpu.region"() ({
      %run_scoped3A = tpu.sem_alloc : memref<!tpu.dma_semaphore, #tpu.memory_space<semaphore_mem>>
      %dma_start3A_276 = arith.constant 0 : i32
      %dma_start3A_277 = tpu.memref_slice %arg23[%add3A_177, %dma_start3A_276] : memref<10000x128xf32, #tpu.memory_space<vmem_shared>> -> memref<48x128xf32, #tpu.memory_space<vmem_shared>>
      %dma_start3A_278 = arith.constant 0 : i32
      %dma_start3A_279 = tpu.memref_slice %arg23[%add3A_177, %dma_start3A_278] : memref<10000x128xf32, #tpu.memory_space<vmem_shared>> -> memref<48x128xf32, #tpu.memory_space<vmem_shared>>
      tpu.enqueue_dma source(%arg22 : memref<48x128xf32, #tpu.memory_space<vmem>>) target(%dma_start3A_279 : memref<48x128xf32, #tpu.memory_space<vmem_shared>>) target_semaphore(%run_scoped3A : memref<!tpu.dma_semaphore, #tpu.memory_space<semaphore_mem>>)
      %dma_wait3A_280 = arith.constant 0 : i32
      %dma_wait3A_281 = tpu.memref_slice %arg23[%add3A_177, %dma_wait3A_280] : memref<10000x128xf32, #tpu.memory_space<vmem_shared>> -> memref<48x128xf32, #tpu.memory_space<vmem_shared>>
      %dma_wait3A_282 = arith.constant 0 : i32
      %dma_wait3A_283 = tpu.memref_slice %arg23[%add3A_177, %dma_wait3A_282] : memref<10000x128xf32, #tpu.memory_space<vmem_shared>> -> memref<48x128xf32, #tpu.memory_space<vmem_shared>>
      tpu.wait_dma2 semaphore(%run_scoped3A : memref<!tpu.dma_semaphore, #tpu.memory_space<semaphore_mem>>) src(%arg22 : memref<48x128xf32, #tpu.memory_space<vmem>>) dst(%dma_wait3A_283 : memref<48x128xf32, #tpu.memory_space<vmem_shared>>)
      tpu.yield
    }) : () -> ()
    %add3A_178 = arith.constant 576 : i32
    %add3A_179 = arith.addi %mul3A_6, %add3A_178 : i32
    "tpu.region"() ({
      %run_scoped3A = tpu.sem_alloc : memref<!tpu.dma_semaphore, #tpu.memory_space<semaphore_mem>>
      %dma_start3A_276 = arith.constant 0 : i32
      %dma_start3A_277 = tpu.memref_slice %arg23[%add3A_179, %dma_start3A_276] : memref<10000x128xf32, #tpu.memory_space<vmem_shared>> -> memref<48x128xf32, #tpu.memory_space<vmem_shared>>
      %dma_start3A_278 = arith.constant 0 : i32
      %dma_start3A_279 = tpu.memref_slice %arg23[%add3A_179, %dma_start3A_278] : memref<10000x128xf32, #tpu.memory_space<vmem_shared>> -> memref<48x128xf32, #tpu.memory_space<vmem_shared>>
      tpu.enqueue_dma source(%arg22 : memref<48x128xf32, #tpu.memory_space<vmem>>) target(%dma_start3A_279 : memref<48x128xf32, #tpu.memory_space<vmem_shared>>) target_semaphore(%run_scoped3A : memref<!tpu.dma_semaphore, #tpu.memory_space<semaphore_mem>>)
      %dma_wait3A_280 = arith.constant 0 : i32
      %dma_wait3A_281 = tpu.memref_slice %arg23[%add3A_179, %dma_wait3A_280] : memref<10000x128xf32, #tpu.memory_space<vmem_shared>> -> memref<48x128xf32, #tpu.memory_space<vmem_shared>>
      %dma_wait3A_282 = arith.constant 0 : i32
      %dma_wait3A_283 = tpu.memref_slice %arg23[%add3A_179, %dma_wait3A_282] : memref<10000x128xf32, #tpu.memory_space<vmem_shared>> -> memref<48x128xf32, #tpu.memory_space<vmem_shared>>
      tpu.wait_dma2 semaphore(%run_scoped3A : memref<!tpu.dma_semaphore, #tpu.memory_space<semaphore_mem>>) src(%arg22 : memref<48x128xf32, #tpu.memory_space<vmem>>) dst(%dma_wait3A_283 : memref<48x128xf32, #tpu.memory_space<vmem_shared>>)
      tpu.yield
    }) : () -> ()
    %eq3A_180 = arith.constant 15 : i32
    %eq3A_181 = arith.cmpi eq, %arg1, %eq3A_180 : i32
    %convert_element_type3A_182 = arith.extui %eq3A_181 : i1 to i32
    %cond3A_183 = arith.constant 0 : i32
    %cond3A_184 = arith.cmpi ne, %convert_element_type3A_182, %cond3A_183 : i32
    scf.if %cond3A_184 {
      "tpu.region"() ({
        %run_scoped3A = tpu.sem_alloc : memref<!tpu.dma_semaphore, #tpu.memory_space<semaphore_mem>>
        %dma_start3A_276 = arith.constant 0 : i32
        %dma_start3A_277 = arith.constant 0 : i32
        %dma_start3A_278 = tpu.memref_slice %arg22[%dma_start3A_276, %dma_start3A_277] : memref<48x128xf32, #tpu.memory_space<vmem>> -> memref<16x128xf32, #tpu.memory_space<vmem>>
        %dma_start3A_279 = arith.constant 9984 : i32
        %dma_start3A_280 = arith.constant 0 : i32
        %dma_start3A_281 = tpu.memref_slice %arg23[%dma_start3A_279, %dma_start3A_280] : memref<10000x128xf32, #tpu.memory_space<vmem_shared>> -> memref<16x128xf32, #tpu.memory_space<vmem_shared>>
        %dma_start3A_282 = arith.constant 9984 : i32
        %dma_start3A_283 = arith.constant 0 : i32
        %dma_start3A_284 = tpu.memref_slice %arg23[%dma_start3A_282, %dma_start3A_283] : memref<10000x128xf32, #tpu.memory_space<vmem_shared>> -> memref<16x128xf32, #tpu.memory_space<vmem_shared>>
        %dma_start3A_285 = arith.constant 0 : i32
        %dma_start3A_286 = arith.constant 0 : i32
        %dma_start3A_287 = tpu.memref_slice %arg22[%dma_start3A_285, %dma_start3A_286] : memref<48x128xf32, #tpu.memory_space<vmem>> -> memref<16x128xf32, #tpu.memory_space<vmem>>
        tpu.enqueue_dma source(%dma_start3A_287 : memref<16x128xf32, #tpu.memory_space<vmem>>) target(%dma_start3A_284 : memref<16x128xf32, #tpu.memory_space<vmem_shared>>) target_semaphore(%run_scoped3A : memref<!tpu.dma_semaphore, #tpu.memory_space<semaphore_mem>>)
        %dma_wait3A_288 = arith.constant 0 : i32
        %dma_wait3A_289 = arith.constant 0 : i32
        %dma_wait3A_290 = tpu.memref_slice %arg22[%dma_wait3A_288, %dma_wait3A_289] : memref<48x128xf32, #tpu.memory_space<vmem>> -> memref<16x128xf32, #tpu.memory_space<vmem>>
        %dma_wait3A_291 = arith.constant 9984 : i32
        %dma_wait3A_292 = arith.constant 0 : i32
        %dma_wait3A_293 = tpu.memref_slice %arg23[%dma_wait3A_291, %dma_wait3A_292] : memref<10000x128xf32, #tpu.memory_space<vmem_shared>> -> memref<16x128xf32, #tpu.memory_space<vmem_shared>>
        %dma_wait3A_294 = arith.constant 9984 : i32
        %dma_wait3A_295 = arith.constant 0 : i32
        %dma_wait3A_296 = tpu.memref_slice %arg23[%dma_wait3A_294, %dma_wait3A_295] : memref<10000x128xf32, #tpu.memory_space<vmem_shared>> -> memref<16x128xf32, #tpu.memory_space<vmem_shared>>
        %dma_wait3A_297 = arith.constant 0 : i32
        %dma_wait3A_298 = arith.constant 0 : i32
        %dma_wait3A_299 = tpu.memref_slice %arg22[%dma_wait3A_297, %dma_wait3A_298] : memref<48x128xf32, #tpu.memory_space<vmem>> -> memref<16x128xf32, #tpu.memory_space<vmem>>
        tpu.wait_dma2 semaphore(%run_scoped3A : memref<!tpu.dma_semaphore, #tpu.memory_space<semaphore_mem>>) src(%dma_wait3A_299 : memref<16x128xf32, #tpu.memory_space<vmem>>) dst(%dma_wait3A_296 : memref<16x128xf32, #tpu.memory_space<vmem_shared>>)
        tpu.yield
      }) : () -> ()
    } else {
    }
    %scan3A_185 = arith.constant 0 : i32
    %scan3A_186 = arith.constant 0 : i32
    %scan3A_187 = arith.constant 320 : i32
    %scan3A_188 = arith.addi %scan3A_186, %scan3A_187 : i32
    %scan3A_189 = arith.constant 1 : i32
    %scan3A_190 = scf.for %scan3A_276 = %scan3A_186 to %scan3A_188 step %scan3A_189 iter_args(%scan3A_277 = %scan3A_185) -> (i32)  : i32 {
      %jit3A = arith.constant 8 : i32
      %div3A = arith.divsi %scan3A_276, %jit3A : i32
      %sign3A = arith.constant 0 : i32
      %sign3A_278 = arith.cmpi sgt, %scan3A_276, %sign3A : i32
      %sign3A_279 = arith.extui %sign3A_278 : i1 to i32
      %sign3A_280 = arith.constant 0 : i32
      %sign3A_281 = arith.cmpi slt, %scan3A_276, %sign3A_280 : i32
      %sign3A_282 = arith.extui %sign3A_281 : i1 to i32
      %sign3A_283 = arith.subi %sign3A_279, %sign3A_282 : i32
      %sign3A_284 = arith.constant 0 : i32
      %sign3A_285 = arith.cmpi sgt, %jit3A, %sign3A_284 : i32
      %sign3A_286 = arith.extui %sign3A_285 : i1 to i32
      %sign3A_287 = arith.constant 0 : i32
      %sign3A_288 = arith.cmpi slt, %jit3A, %sign3A_287 : i32
      %sign3A_289 = arith.extui %sign3A_288 : i1 to i32
      %sign3A_290 = arith.subi %sign3A_286, %sign3A_289 : i32
      %ne3A = arith.cmpi ne, %sign3A_283, %sign3A_290 : i32
      %rem3A = arith.remsi %scan3A_276, %jit3A : i32
      %ne3A_291 = arith.constant 0 : i32
      %ne3A_292 = arith.cmpi ne, %rem3A, %ne3A_291 : i32
      %and3A = arith.andi %ne3A, %ne3A_292 : i1
      %sub3A = arith.constant 1 : i32
      %sub3A_293 = arith.subi %div3A, %sub3A : i32
      %select_n3A = arith.select %and3A, %sub3A_293, %div3A : i32
      %jit3A_294 = arith.constant 8 : i32
      %eq3A_295 = arith.constant 0 : i32
      %eq3A_296 = arith.cmpi eq, %jit3A_294, %eq3A_295 : i32
      %jit3A_297 = arith.constant 1 : i32
      %select_n3A_298 = arith.select %eq3A_296, %jit3A_297, %jit3A_294 : i32
      %rem3A_299 = arith.remsi %scan3A_276, %select_n3A_298 : i32
      %ne3A_300 = arith.constant 0 : i32
      %ne3A_301 = arith.cmpi ne, %rem3A_299, %ne3A_300 : i32
      %lt3A = arith.constant 0 : i32
      %lt3A_302 = arith.cmpi slt, %rem3A_299, %lt3A : i32
      %lt3A_303 = arith.constant 0 : i32
      %lt3A_304 = arith.cmpi slt, %select_n3A_298, %lt3A_303 : i32
      %ne3A_305 = arith.xori %lt3A_302, %lt3A_304 : i1
      %and3A_306 = arith.andi %ne3A_305, %ne3A_301 : i1
      %add3A_307 = arith.addi %rem3A_299, %select_n3A_298 : i32
      %select_n3A_308 = arith.select %and3A_306, %add3A_307, %rem3A_299 : i32
      %broadcast_in_dim3A = arith.constant 1.000000e+00 : f32
      %broadcast_in_dim3A_309 = vector.broadcast %broadcast_in_dim3A : f32 to vector<16xf32>
      %mul3A_310 = arith.constant 16 : i32
      %mul3A_311 = arith.muli %select_n3A_308, %mul3A_310 : i32
      %swap3A_312 = arith.index_cast %select_n3A : i32 to index
      %swap3A_313 = arith.index_cast %mul3A_311 : i32 to index
      %swap3A_314 = tpu.vector_load %arg20[%swap3A_312, %swap3A_313] {strides = array<i32>} : memref<80x128xf32, #tpu.memory_space<vmem>>, vector<1x16xf32>,
      %swap3A_315 = vector.shape_cast %swap3A_314 : vector<1x16xf32> to vector<16xf32>
      %swap3A_316 = vector.shape_cast %broadcast_in_dim3A_309 : vector<16xf32> to vector<1x16xf32>
      tpu.vector_store %arg20[%swap3A_312, %swap3A_313], %swap3A_316 {strides = array<i32>} : memref<80x128xf32, #tpu.memory_space<vmem>>, vector<1x16xf32>,
      %scan3A_317 = arith.constant 0 : i32
      scf.yield %scan3A_317 : i32
    }
    %scan3A_191 = arith.constant 320 : i32
    %barrier3A_192 = arith.constant 0 : index
    tpu.barrier barrier_id(%barrier3A_192)
    %mul3A_193 = arith.constant 16 : i32
    %mul3A_194 = arith.muli %arg0, %mul3A_193 : i32
    %add3A_195 = arith.addi %mul3A_194, %arg1 : i32
    %mul3A_196 = arith.constant 5000 : i32
    %mul3A_197 = arith.muli %add3A_195, %mul3A_196 : i32
    %add3A_198 = arith.constant 0 : i32
    %add3A_199 = arith.addi %mul3A_197, %add3A_198 : i32
    %dma_start3A_200 = tpu.memref_slice %arg5[%add3A_199] : memref<160000xi32, #tpu.memory_space<hbm>> -> memref<40xi32, #tpu.memory_space<hbm>>
    %dma_start3A_201 = tpu.memref_slice %arg5[%add3A_199] : memref<160000xi32, #tpu.memory_space<hbm>> -> memref<40xi32, #tpu.memory_space<hbm>>
    tpu.enqueue_dma source(%dma_start3A_201 : memref<40xi32, #tpu.memory_space<hbm>>) target(%arg14 : memref<40xi32, #tpu.memory_space<vmem>>) target_semaphore(%arg24 : memref<!tpu.dma_semaphore, #tpu.memory_space<semaphore_mem>>)
    %mul3A_202 = arith.constant 16 : i32
    %mul3A_203 = arith.muli %arg0, %mul3A_202 : i32
    %add3A_204 = arith.addi %mul3A_203, %arg1 : i32
    %mul3A_205 = arith.constant 5000 : i32
    %mul3A_206 = arith.muli %add3A_204, %mul3A_205 : i32
    %add3A_207 = arith.constant 40 : i32
    %add3A_208 = arith.addi %mul3A_206, %add3A_207 : i32
    %dma_start3A_209 = tpu.memref_slice %arg5[%add3A_208] : memref<160000xi32, #tpu.memory_space<hbm>> -> memref<40xi32, #tpu.memory_space<hbm>>
    %dma_start3A_210 = tpu.memref_slice %arg5[%add3A_208] : memref<160000xi32, #tpu.memory_space<hbm>> -> memref<40xi32, #tpu.memory_space<hbm>>
    tpu.enqueue_dma source(%dma_start3A_210 : memref<40xi32, #tpu.memory_space<hbm>>) target(%arg15 : memref<40xi32, #tpu.memory_space<vmem>>) target_semaphore(%arg25 : memref<!tpu.dma_semaphore, #tpu.memory_space<semaphore_mem>>)
    %scan3A_211 = arith.constant 0 : i32
    %scan3A_212 = arith.constant 0 : i32
    %scan3A_213 = arith.constant 62 : i32
    %scan3A_214 = arith.addi %scan3A_212, %scan3A_213 : i32
    %scan3A_215 = arith.constant 1 : i32
    %scan3A_216 = scf.for %scan3A_276 = %scan3A_212 to %scan3A_214 step %scan3A_215 iter_args(%scan3A_277 = %scan3A_211) -> (i32)  : i32 {
      %mul3A_278 = arith.constant 2 : i32
      %mul3A_279 = arith.muli %mul3A_278, %scan3A_276 : i32
      %add3A_280 = arith.constant 0 : i32
      %add3A_281 = arith.addi %mul3A_279, %add3A_280 : i32
      %dma_wait3A_282 = arith.constant 0 : i32
      %dma_wait3A_283 = tpu.memref_slice %arg5[%dma_wait3A_282] : memref<160000xi32, #tpu.memory_space<hbm>> -> memref<40xi32, #tpu.memory_space<hbm>>
      %dma_wait3A_284 = arith.constant 0 : i32
      %dma_wait3A_285 = tpu.memref_slice %arg5[%dma_wait3A_284] : memref<160000xi32, #tpu.memory_space<hbm>> -> memref<40xi32, #tpu.memory_space<hbm>>
      tpu.wait_dma2 semaphore(%arg24 : memref<!tpu.dma_semaphore, #tpu.memory_space<semaphore_mem>>) src(%dma_wait3A_285 : memref<40xi32, #tpu.memory_space<hbm>>) dst(%arg14 : memref<40xi32, #tpu.memory_space<vmem>>)
      %ge3A = arith.constant 1 : i32
      %ge3A_286 = arith.cmpi sge, %scan3A_276, %ge3A : i32
      %convert_element_type3A_287 = arith.extui %ge3A_286 : i1 to i32
      %cond3A_288 = arith.constant 0 : i32
      %cond3A_289 = arith.cmpi ne, %convert_element_type3A_287, %cond3A_288 : i32
      scf.if %cond3A_289 {
        %dma_wait3A_374 = arith.constant 0 : i32
        %dma_wait3A_375 = arith.constant 0 : i32
        %dma_wait3A_376 = tpu.memref_slice %arg20[%dma_wait3A_374, %dma_wait3A_375] : memref<80x128xf32, #tpu.memory_space<vmem>> -> memref<40x128xf32, #tpu.memory_space<vmem>>
        %dma_wait3A_377 = arith.constant 0 : i32
        %dma_wait3A_378 = arith.constant 0 : i32
        %dma_wait3A_379 = tpu.memref_slice %arg23[%dma_wait3A_377, %dma_wait3A_378] : memref<10000x128xf32, #tpu.memory_space<vmem_shared>> -> memref<10000x128xf32, #tpu.memory_space<vmem_shared>>
        tpu.wait_indirect_dma semaphore(%arg28 : memref<!tpu.dma_semaphore, #tpu.memory_space<semaphore_mem>>) src(%dma_wait3A_376 : memref<40x128xf32, #tpu.memory_space<vmem>>) dst(%dma_wait3A_379 : memref<10000x128xf32, #tpu.memory_space<vmem_shared>>)
      } else {
      }
      %get3A_290 = arith.constant 0 : index
      %get3A_291 = tpu.vector_load %arg14[%get3A_290] {strides = array<i32>} : memref<40xi32, #tpu.memory_space<vmem>>, vector<16xi32>,
      %get3A_292 = vector.shape_cast %get3A_291 : vector<16xi32> to vector<16xi32>
      %swap3A_293 = arith.constant 0 : index
      %swap3A_294 = tpu.vector_load %arg16[%swap3A_293] {strides = array<i32>} : memref<40xi32, #tpu.memory_space<vmem>>, vector<16xi32>,
      %swap3A_295 = vector.shape_cast %swap3A_294 : vector<16xi32> to vector<16xi32>
      %swap3A_296 = vector.shape_cast %get3A_292 : vector<16xi32> to vector<16xi32>
      tpu.vector_store %arg16[%swap3A_293], %swap3A_296 {strides = array<i32>} : memref<40xi32, #tpu.memory_space<vmem>>, vector<16xi32>,
      %get3A_297 = arith.constant 16 : index
      %get3A_298 = tpu.vector_load %arg14[%get3A_297] {strides = array<i32>} : memref<40xi32, #tpu.memory_space<vmem>>, vector<16xi32>,
      %get3A_299 = vector.shape_cast %get3A_298 : vector<16xi32> to vector<16xi32>
      %swap3A_300 = arith.constant 16 : index
      %swap3A_301 = tpu.vector_load %arg16[%swap3A_300] {strides = array<i32>} : memref<40xi32, #tpu.memory_space<vmem>>, vector<16xi32>,
      %swap3A_302 = vector.shape_cast %swap3A_301 : vector<16xi32> to vector<16xi32>
      %swap3A_303 = vector.shape_cast %get3A_299 : vector<16xi32> to vector<16xi32>
      tpu.vector_store %arg16[%swap3A_300], %swap3A_303 {strides = array<i32>} : memref<40xi32, #tpu.memory_space<vmem>>, vector<16xi32>,
      %get3A_304 = arith.constant 24 : index
      %get3A_305 = tpu.vector_load %arg14[%get3A_304] {strides = array<i32>} : memref<40xi32, #tpu.memory_space<vmem>>, vector<16xi32>,
      %get3A_306 = vector.shape_cast %get3A_305 : vector<16xi32> to vector<16xi32>
      %swap3A_307 = arith.constant 24 : index
      %swap3A_308 = tpu.vector_load %arg16[%swap3A_307] {strides = array<i32>} : memref<40xi32, #tpu.memory_space<vmem>>, vector<16xi32>,
      %swap3A_309 = vector.shape_cast %swap3A_308 : vector<16xi32> to vector<16xi32>
      %swap3A_310 = vector.shape_cast %get3A_306 : vector<16xi32> to vector<16xi32>
      tpu.vector_store %arg16[%swap3A_307], %swap3A_310 {strides = array<i32>} : memref<40xi32, #tpu.memory_space<vmem>>, vector<16xi32>,
      %dma_start3A_311 = arith.constant 0 : i32
      %dma_start3A_312 = arith.constant 0 : i32
      %dma_start3A_313 = tpu.memref_slice %arg20[%dma_start3A_311, %dma_start3A_312] : memref<80x128xf32, #tpu.memory_space<vmem>> -> memref<40x128xf32, #tpu.memory_space<vmem>>
      %dma_start3A_314 = arith.constant 0 : i32
      %dma_start3A_315 = arith.constant 0 : i32
      %dma_start3A_316 = tpu.memref_slice %arg23[%dma_start3A_314, %dma_start3A_315] : memref<10000x128xf32, #tpu.memory_space<vmem_shared>> -> memref<10000x128xf32, #tpu.memory_space<vmem_shared>>
      tpu.enqueue_indirect_dma source(%dma_start3A_313 : memref<40x128xf32, #tpu.memory_space<vmem>>) target(%dma_start3A_316 : memref<10000x128xf32, #tpu.memory_space<vmem_shared>>) offsets(%arg16 : memref<40xi32, #tpu.memory_space<vmem>>) semaphore(%arg28 : memref<!tpu.dma_semaphore, #tpu.memory_space<semaphore_mem>>) {add = true}
      %add3A_317 = arith.constant 2 : i32
      %add3A_318 = arith.addi %add3A_281, %add3A_317 : i32
      %mul3A_319 = arith.constant 16 : i32
      %mul3A_320 = arith.muli %arg0, %mul3A_319 : i32
      %add3A_321 = arith.addi %mul3A_320, %arg1 : i32
      %mul3A_322 = arith.constant 5000 : i32
      %mul3A_323 = arith.muli %add3A_321, %mul3A_322 : i32
      %mul3A_324 = arith.constant 40 : i32
      %mul3A_325 = arith.muli %add3A_318, %mul3A_324 : i32
      %add3A_326 = arith.addi %mul3A_323, %mul3A_325 : i32
      %dma_start3A_327 = tpu.memref_slice %arg5[%add3A_326] : memref<160000xi32, #tpu.memory_space<hbm>> -> memref<40xi32, #tpu.memory_space<hbm>>
      %dma_start3A_328 = tpu.memref_slice %arg5[%add3A_326] : memref<160000xi32, #tpu.memory_space<hbm>> -> memref<40xi32, #tpu.memory_space<hbm>>
      tpu.enqueue_dma source(%dma_start3A_328 : memref<40xi32, #tpu.memory_space<hbm>>) target(%arg14 : memref<40xi32, #tpu.memory_space<vmem>>) target_semaphore(%arg24 : memref<!tpu.dma_semaphore, #tpu.memory_space<semaphore_mem>>)
      %mul3A_329 = arith.constant 2 : i32
      %mul3A_330 = arith.muli %mul3A_329, %scan3A_276 : i32
      %add3A_331 = arith.constant 1 : i32
      %add3A_332 = arith.addi %mul3A_330, %add3A_331 : i32
      %dma_wait3A_333 = arith.constant 0 : i32
      %dma_wait3A_334 = tpu.memref_slice %arg5[%dma_wait3A_333] : memref<160000xi32, #tpu.memory_space<hbm>> -> memref<40xi32, #tpu.memory_space<hbm>>
      %dma_wait3A_335 = arith.constant 0 : i32
      %dma_wait3A_336 = tpu.memref_slice %arg5[%dma_wait3A_335] : memref<160000xi32, #tpu.memory_space<hbm>> -> memref<40xi32, #tpu.memory_space<hbm>>
      tpu.wait_dma2 semaphore(%arg25 : memref<!tpu.dma_semaphore, #tpu.memory_space<semaphore_mem>>) src(%dma_wait3A_336 : memref<40xi32, #tpu.memory_space<hbm>>) dst(%arg15 : memref<40xi32, #tpu.memory_space<vmem>>)
      %ge3A_337 = arith.constant 1 : i32
      %ge3A_338 = arith.cmpi sge, %scan3A_276, %ge3A_337 : i32
      %convert_element_type3A_339 = arith.extui %ge3A_338 : i1 to i32
      %cond3A_340 = arith.constant 0 : i32
      %cond3A_341 = arith.cmpi ne, %convert_element_type3A_339, %cond3A_340 : i32
      scf.if %cond3A_341 {
        %dma_wait3A_374 = arith.constant 0 : i32
        %dma_wait3A_375 = arith.constant 0 : i32
        %dma_wait3A_376 = tpu.memref_slice %arg20[%dma_wait3A_374, %dma_wait3A_375] : memref<80x128xf32, #tpu.memory_space<vmem>> -> memref<40x128xf32, #tpu.memory_space<vmem>>
        %dma_wait3A_377 = arith.constant 0 : i32
        %dma_wait3A_378 = arith.constant 0 : i32
        %dma_wait3A_379 = tpu.memref_slice %arg23[%dma_wait3A_377, %dma_wait3A_378] : memref<10000x128xf32, #tpu.memory_space<vmem_shared>> -> memref<10000x128xf32, #tpu.memory_space<vmem_shared>>
        tpu.wait_indirect_dma semaphore(%arg29 : memref<!tpu.dma_semaphore, #tpu.memory_space<semaphore_mem>>) src(%dma_wait3A_376 : memref<40x128xf32, #tpu.memory_space<vmem>>) dst(%dma_wait3A_379 : memref<10000x128xf32, #tpu.memory_space<vmem_shared>>)
      } else {
      }
      %get3A_342 = arith.constant 0 : index
      %get3A_343 = tpu.vector_load %arg15[%get3A_342] {strides = array<i32>} : memref<40xi32, #tpu.memory_space<vmem>>, vector<16xi32>,
      %get3A_344 = vector.shape_cast %get3A_343 : vector<16xi32> to vector<16xi32>
      %swap3A_345 = arith.constant 0 : index
      %swap3A_346 = tpu.vector_load %arg17[%swap3A_345] {strides = array<i32>} : memref<40xi32, #tpu.memory_space<vmem>>, vector<16xi32>,
      %swap3A_347 = vector.shape_cast %swap3A_346 : vector<16xi32> to vector<16xi32>
      %swap3A_348 = vector.shape_cast %get3A_344 : vector<16xi32> to vector<16xi32>
      tpu.vector_store %arg17[%swap3A_345], %swap3A_348 {strides = array<i32>} : memref<40xi32, #tpu.memory_space<vmem>>, vector<16xi32>,
      %get3A_349 = arith.constant 16 : index
      %get3A_350 = tpu.vector_load %arg15[%get3A_349] {strides = array<i32>} : memref<40xi32, #tpu.memory_space<vmem>>, vector<16xi32>,
      %get3A_351 = vector.shape_cast %get3A_350 : vector<16xi32> to vector<16xi32>
      %swap3A_352 = arith.constant 16 : index
      %swap3A_353 = tpu.vector_load %arg17[%swap3A_352] {strides = array<i32>} : memref<40xi32, #tpu.memory_space<vmem>>, vector<16xi32>,
      %swap3A_354 = vector.shape_cast %swap3A_353 : vector<16xi32> to vector<16xi32>
      %swap3A_355 = vector.shape_cast %get3A_351 : vector<16xi32> to vector<16xi32>
      tpu.vector_store %arg17[%swap3A_352], %swap3A_355 {strides = array<i32>} : memref<40xi32, #tpu.memory_space<vmem>>, vector<16xi32>,
      %get3A_356 = arith.constant 24 : index
      %get3A_357 = tpu.vector_load %arg15[%get3A_356] {strides = array<i32>} : memref<40xi32, #tpu.memory_space<vmem>>, vector<16xi32>,
      %get3A_358 = vector.shape_cast %get3A_357 : vector<16xi32> to vector<16xi32>
      %swap3A_359 = arith.constant 24 : index
      %swap3A_360 = tpu.vector_load %arg17[%swap3A_359] {strides = array<i32>} : memref<40xi32, #tpu.memory_space<vmem>>, vector<16xi32>,
      %swap3A_361 = vector.shape_cast %swap3A_360 : vector<16xi32> to vector<16xi32>
      %swap3A_362 = vector.shape_cast %get3A_358 : vector<16xi32> to vector<16xi32>
      tpu.vector_store %arg17[%swap3A_359], %swap3A_362 {strides = array<i32>} : memref<40xi32, #tpu.memory_space<vmem>>, vector<16xi32>,
      %dma_start3A_363 = arith.constant 0 : i32
      %dma_start3A_364 = arith.constant 0 : i32
      %dma_start3A_365 = tpu.memref_slice %arg20[%dma_start3A_363, %dma_start3A_364] : memref<80x128xf32, #tpu.memory_space<vmem>> -> memref<40x128xf32, #tpu.memory_space<vmem>>
      %dma_start3A_366 = arith.constant 0 : i32
      %dma_start3A_367 = arith.constant 0 : i32
      %dma_start3A_368 = tpu.memref_slice %arg23[%dma_start3A_366, %dma_start3A_367] : memref<10000x128xf32, #tpu.memory_space<vmem_shared>> -> memref<10000x128xf32, #tpu.memory_space<vmem_shared>>
      tpu.enqueue_indirect_dma source(%dma_start3A_365 : memref<40x128xf32, #tpu.memory_space<vmem>>) target(%dma_start3A_368 : memref<10000x128xf32, #tpu.memory_space<vmem_shared>>) offsets(%arg17 : memref<40xi32, #tpu.memory_space<vmem>>) semaphore(%arg29 : memref<!tpu.dma_semaphore, #tpu.memory_space<semaphore_mem>>) {add = true}
      %lt3A = arith.constant 61 : i32
      %lt3A_369 = arith.cmpi slt, %scan3A_276, %lt3A : i32
      %convert_element_type3A_370 = arith.extui %lt3A_369 : i1 to i32
      %cond3A_371 = arith.constant 0 : i32
      %cond3A_372 = arith.cmpi ne, %convert_element_type3A_370, %cond3A_371 : i32
      scf.if %cond3A_372 {
        %add3A_374 = arith.constant 2 : i32
        %add3A_375 = arith.addi %add3A_332, %add3A_374 : i32
        %mul3A_376 = arith.constant 16 : i32
        %mul3A_377 = arith.muli %arg0, %mul3A_376 : i32
        %add3A_378 = arith.addi %mul3A_377, %arg1 : i32
        %mul3A_379 = arith.constant 5000 : i32
        %mul3A_380 = arith.muli %add3A_378, %mul3A_379 : i32
        %mul3A_381 = arith.constant 40 : i32
        %mul3A_382 = arith.muli %add3A_375, %mul3A_381 : i32
        %add3A_383 = arith.addi %mul3A_380, %mul3A_382 : i32
        %dma_start3A_384 = tpu.memref_slice %arg5[%add3A_383] : memref<160000xi32, #tpu.memory_space<hbm>> -> memref<40xi32, #tpu.memory_space<hbm>>
        %dma_start3A_385 = tpu.memref_slice %arg5[%add3A_383] : memref<160000xi32, #tpu.memory_space<hbm>> -> memref<40xi32, #tpu.memory_space<hbm>>
        tpu.enqueue_dma source(%dma_start3A_385 : memref<40xi32, #tpu.memory_space<hbm>>) target(%arg15 : memref<40xi32, #tpu.memory_space<vmem>>) target_semaphore(%arg25 : memref<!tpu.dma_semaphore, #tpu.memory_space<semaphore_mem>>)
      } else {
      }
      %scan3A_373 = arith.constant 0 : i32
      scf.yield %scan3A_373 : i32
    }
    %scan3A_217 = arith.constant 62 : i32
    %dma_wait3A_218 = arith.constant 0 : i32
    %dma_wait3A_219 = tpu.memref_slice %arg5[%dma_wait3A_218] : memref<160000xi32, #tpu.memory_space<hbm>> -> memref<40xi32, #tpu.memory_space<hbm>>
    %dma_wait3A_220 = arith.constant 0 : i32
    %dma_wait3A_221 = tpu.memref_slice %arg5[%dma_wait3A_220] : memref<160000xi32, #tpu.memory_space<hbm>> -> memref<40xi32, #tpu.memory_space<hbm>>
    tpu.wait_dma2 semaphore(%arg24 : memref<!tpu.dma_semaphore, #tpu.memory_space<semaphore_mem>>) src(%dma_wait3A_221 : memref<40xi32, #tpu.memory_space<hbm>>) dst(%arg14 : memref<40xi32, #tpu.memory_space<vmem>>)
    %dma_wait3A_222 = arith.constant 0 : i32
    %dma_wait3A_223 = arith.constant 0 : i32
    %dma_wait3A_224 = tpu.memref_slice %arg20[%dma_wait3A_222, %dma_wait3A_223] : memref<80x128xf32, #tpu.memory_space<vmem>> -> memref<40x128xf32, #tpu.memory_space<vmem>>
    %dma_wait3A_225 = arith.constant 0 : i32
    %dma_wait3A_226 = arith.constant 0 : i32
    %dma_wait3A_227 = tpu.memref_slice %arg23[%dma_wait3A_225, %dma_wait3A_226] : memref<10000x128xf32, #tpu.memory_space<vmem_shared>> -> memref<10000x128xf32, #tpu.memory_space<vmem_shared>>
    tpu.wait_indirect_dma semaphore(%arg28 : memref<!tpu.dma_semaphore, #tpu.memory_space<semaphore_mem>>) src(%dma_wait3A_224 : memref<40x128xf32, #tpu.memory_space<vmem>>) dst(%dma_wait3A_227 : memref<10000x128xf32, #tpu.memory_space<vmem_shared>>)
    %get3A_228 = arith.constant 0 : index
    %get3A_229 = tpu.vector_load %arg14[%get3A_228] {strides = array<i32>} : memref<40xi32, #tpu.memory_space<vmem>>, vector<16xi32>,
    %get3A_230 = vector.shape_cast %get3A_229 : vector<16xi32> to vector<16xi32>
    %swap3A_231 = arith.constant 0 : index
    %swap3A_232 = tpu.vector_load %arg16[%swap3A_231] {strides = array<i32>} : memref<40xi32, #tpu.memory_space<vmem>>, vector<16xi32>,
    %swap3A_233 = vector.shape_cast %swap3A_232 : vector<16xi32> to vector<16xi32>
    %swap3A_234 = vector.shape_cast %get3A_230 : vector<16xi32> to vector<16xi32>
    tpu.vector_store %arg16[%swap3A_231], %swap3A_234 {strides = array<i32>} : memref<40xi32, #tpu.memory_space<vmem>>, vector<16xi32>,
    %get3A_235 = arith.constant 16 : index
    %get3A_236 = tpu.vector_load %arg14[%get3A_235] {strides = array<i32>} : memref<40xi32, #tpu.memory_space<vmem>>, vector<16xi32>,
    %get3A_237 = vector.shape_cast %get3A_236 : vector<16xi32> to vector<16xi32>
    %swap3A_238 = arith.constant 16 : index
    %swap3A_239 = tpu.vector_load %arg16[%swap3A_238] {strides = array<i32>} : memref<40xi32, #tpu.memory_space<vmem>>, vector<16xi32>,
    %swap3A_240 = vector.shape_cast %swap3A_239 : vector<16xi32> to vector<16xi32>
    %swap3A_241 = vector.shape_cast %get3A_237 : vector<16xi32> to vector<16xi32>
    tpu.vector_store %arg16[%swap3A_238], %swap3A_241 {strides = array<i32>} : memref<40xi32, #tpu.memory_space<vmem>>, vector<16xi32>,
    %get3A_242 = arith.constant 24 : index
    %get3A_243 = tpu.vector_load %arg14[%get3A_242] {strides = array<i32>} : memref<40xi32, #tpu.memory_space<vmem>>, vector<16xi32>,
    %get3A_244 = vector.shape_cast %get3A_243 : vector<16xi32> to vector<16xi32>
    %swap3A_245 = arith.constant 24 : index
    %swap3A_246 = tpu.vector_load %arg16[%swap3A_245] {strides = array<i32>} : memref<40xi32, #tpu.memory_space<vmem>>, vector<16xi32>,
    %swap3A_247 = vector.shape_cast %swap3A_246 : vector<16xi32> to vector<16xi32>
    %swap3A_248 = vector.shape_cast %get3A_244 : vector<16xi32> to vector<16xi32>
    tpu.vector_store %arg16[%swap3A_245], %swap3A_248 {strides = array<i32>} : memref<40xi32, #tpu.memory_space<vmem>>, vector<16xi32>,
    %dma_start3A_249 = arith.constant 0 : i32
    %dma_start3A_250 = arith.constant 0 : i32
    %dma_start3A_251 = tpu.memref_slice %arg20[%dma_start3A_249, %dma_start3A_250] : memref<80x128xf32, #tpu.memory_space<vmem>> -> memref<40x128xf32, #tpu.memory_space<vmem>>
    %dma_start3A_252 = arith.constant 0 : i32
    %dma_start3A_253 = arith.constant 0 : i32
    %dma_start3A_254 = tpu.memref_slice %arg23[%dma_start3A_252, %dma_start3A_253] : memref<10000x128xf32, #tpu.memory_space<vmem_shared>> -> memref<10000x128xf32, #tpu.memory_space<vmem_shared>>
    tpu.enqueue_indirect_dma source(%dma_start3A_251 : memref<40x128xf32, #tpu.memory_space<vmem>>) target(%dma_start3A_254 : memref<10000x128xf32, #tpu.memory_space<vmem_shared>>) offsets(%arg16 : memref<40xi32, #tpu.memory_space<vmem>>) semaphore(%arg28 : memref<!tpu.dma_semaphore, #tpu.memory_space<semaphore_mem>>) {add = true}
    %dma_wait3A_255 = arith.constant 0 : i32
    %dma_wait3A_256 = arith.constant 0 : i32
    %dma_wait3A_257 = tpu.memref_slice %arg20[%dma_wait3A_255, %dma_wait3A_256] : memref<80x128xf32, #tpu.memory_space<vmem>> -> memref<40x128xf32, #tpu.memory_space<vmem>>
    %dma_wait3A_258 = arith.constant 0 : i32
    %dma_wait3A_259 = arith.constant 0 : i32
    %dma_wait3A_260 = tpu.memref_slice %arg23[%dma_wait3A_258, %dma_wait3A_259] : memref<10000x128xf32, #tpu.memory_space<vmem_shared>> -> memref<10000x128xf32, #tpu.memory_space<vmem_shared>>
    tpu.wait_indirect_dma semaphore(%arg28 : memref<!tpu.dma_semaphore, #tpu.memory_space<semaphore_mem>>) src(%dma_wait3A_257 : memref<40x128xf32, #tpu.memory_space<vmem>>) dst(%dma_wait3A_260 : memref<10000x128xf32, #tpu.memory_space<vmem_shared>>)
    %dma_wait3A_261 = arith.constant 0 : i32
    %dma_wait3A_262 = arith.constant 0 : i32
    %dma_wait3A_263 = tpu.memref_slice %arg20[%dma_wait3A_261, %dma_wait3A_262] : memref<80x128xf32, #tpu.memory_space<vmem>> -> memref<40x128xf32, #tpu.memory_space<vmem>>
    %dma_wait3A_264 = arith.constant 0 : i32
    %dma_wait3A_265 = arith.constant 0 : i32
    %dma_wait3A_266 = tpu.memref_slice %arg23[%dma_wait3A_264, %dma_wait3A_265] : memref<10000x128xf32, #tpu.memory_space<vmem_shared>> -> memref<10000x128xf32, #tpu.memory_space<vmem_shared>>
    tpu.wait_indirect_dma semaphore(%arg29 : memref<!tpu.dma_semaphore, #tpu.memory_space<semaphore_mem>>) src(%dma_wait3A_263 : memref<40x128xf32, #tpu.memory_space<vmem>>) dst(%dma_wait3A_266 : memref<10000x128xf32, #tpu.memory_space<vmem_shared>>)
    %barrier3A_267 = arith.constant 0 : index
    tpu.barrier barrier_id(%barrier3A_267)
    %mul3A_268 = arith.constant 10000 : i32
    %mul3A_269 = arith.muli %arg0, %mul3A_268 : i32
    %add3A_270 = arith.addi %mul3A_269, %mul3A_6 : i32
    "tpu.region"() ({
      %run_scoped3A = tpu.sem_alloc : memref<!tpu.dma_semaphore, #tpu.memory_space<semaphore_mem>>
      %dma_start3A_276 = arith.constant 0 : i32
      %dma_start3A_277 = tpu.memref_slice %arg7[%add3A_270, %dma_start3A_276] : memref<20000x128xf32, #tpu.memory_space<hbm>> -> memref<624x128xf32, #tpu.memory_space<hbm>>
      %dma_start3A_278 = arith.constant 0 : i32
      %dma_start3A_279 = tpu.memref_slice %arg23[%mul3A_6, %dma_start3A_278] : memref<10000x128xf32, #tpu.memory_space<vmem_shared>> -> memref<624x128xf32, #tpu.memory_space<vmem_shared>>
      tpu.enqueue_dma source(%dma_start3A_279 : memref<624x128xf32, #tpu.memory_space<vmem_shared>>) target(%dma_start3A_277 : memref<624x128xf32, #tpu.memory_space<hbm>>) target_semaphore(%run_scoped3A : memref<!tpu.dma_semaphore, #tpu.memory_space<semaphore_mem>>)
      %dma_wait3A_280 = arith.constant 0 : i32
      %dma_wait3A_281 = tpu.memref_slice %arg7[%add3A_270, %dma_wait3A_280] : memref<20000x128xf32, #tpu.memory_space<hbm>> -> memref<624x128xf32, #tpu.memory_space<hbm>>
      %dma_wait3A_282 = arith.constant 0 : i32
      %dma_wait3A_283 = tpu.memref_slice %arg23[%mul3A_6, %dma_wait3A_282] : memref<10000x128xf32, #tpu.memory_space<vmem_shared>> -> memref<624x128xf32, #tpu.memory_space<vmem_shared>>
      tpu.wait_dma2 semaphore(%run_scoped3A : memref<!tpu.dma_semaphore, #tpu.memory_space<semaphore_mem>>) src(%dma_wait3A_283 : memref<624x128xf32, #tpu.memory_space<vmem_shared>>) dst(%dma_wait3A_281 : memref<624x128xf32, #tpu.memory_space<hbm>>)
      tpu.yield
    }) : () -> ()
    %eq3A_271 = arith.constant 15 : i32
    %eq3A_272 = arith.cmpi eq, %arg1, %eq3A_271 : i32
    %convert_element_type3A_273 = arith.extui %eq3A_272 : i1 to i32
    %cond3A_274 = arith.constant 0 : i32
    %cond3A_275 = arith.cmpi ne, %convert_element_type3A_273, %cond3A_274 : i32
    scf.if %cond3A_275 {
      %mul3A_276 = arith.constant 10000 : i32
      %mul3A_277 = arith.muli %arg0, %mul3A_276 : i32
      %add3A_278 = arith.constant 9984 : i32
      %add3A_279 = arith.addi %mul3A_277, %add3A_278 : i32
      "tpu.region"() ({
        %run_scoped3A = tpu.sem_alloc : memref<!tpu.dma_semaphore, #tpu.memory_space<semaphore_mem>>
        %dma_start3A_280 = arith.constant 0 : i32
        %dma_start3A_281 = tpu.memref_slice %arg7[%add3A_279, %dma_start3A_280] : memref<20000x128xf32, #tpu.memory_space<hbm>> -> memref<16x128xf32, #tpu.memory_space<hbm>>
        %dma_start3A_282 = arith.constant 9984 : i32
        %dma_start3A_283 = arith.constant 0 : i32
        %dma_start3A_284 = tpu.memref_slice %arg23[%dma_start3A_282, %dma_start3A_283] : memref<10000x128xf32, #tpu.memory_space<vmem_shared>> -> memref<16x128xf32, #tpu.memory_space<vmem_shared>>
        tpu.enqueue_dma source(%dma_start3A_284 : memref<16x128xf32, #tpu.memory_space<vmem_shared>>) target(%dma_start3A_281 : memref<16x128xf32, #tpu.memory_space<hbm>>) target_semaphore(%run_scoped3A : memref<!tpu.dma_semaphore, #tpu.memory_space<semaphore_mem>>)
        %dma_wait3A_285 = arith.constant 0 : i32
        %dma_wait3A_286 = tpu.memref_slice %arg7[%add3A_279, %dma_wait3A_285] : memref<20000x128xf32, #tpu.memory_space<hbm>> -> memref<16x128xf32, #tpu.memory_space<hbm>>
        %dma_wait3A_287 = arith.constant 9984 : i32
        %dma_wait3A_288 = arith.constant 0 : i32
        %dma_wait3A_289 = tpu.memref_slice %arg23[%dma_wait3A_287, %dma_wait3A_288] : memref<10000x128xf32, #tpu.memory_space<vmem_shared>> -> memref<16x128xf32, #tpu.memory_space<vmem_shared>>
        tpu.wait_dma2 semaphore(%run_scoped3A : memref<!tpu.dma_semaphore, #tpu.memory_space<semaphore_mem>>) src(%dma_wait3A_289 : memref<16x128xf32, #tpu.memory_space<vmem_shared>>) dst(%dma_wait3A_286 : memref<16x128xf32, #tpu.memory_space<hbm>>)
        tpu.yield
      }) : () -> ()
    } else {
    }
    return
  }
}

module attributes {stable_mosaic.version = 14 : i64} {
  func.func @_mm_split_body(%arg0: i32, %arg1: memref<2000x16xf32, #tpu.memory_space<vmem>>, %arg2: memref<16x256xf32, #tpu.memory_space<vmem>>, %arg3: memref<2x2000x128xf32, #tpu.memory_space<vmem>>) attributes {dimension_semantics = [#tpu.dimension_semantics<arbitrary>], iteration_bounds = array<i64: 80>, scalar_prefetch = 0 : i64, scratch_operands = 0 : i64, tpu.core_type = #tpu.core_type<tc>, window_params = [{transform_indices = @transform_0, window_bounds = array<i64: 2000, 16>}, {pipeline_mode = #tpu.pipeline_mode<synchronous>, transform_indices = @transform_1, window_bounds = array<i64: 16, 256>}, {transform_indices = @transform_2, window_bounds = array<i64: 2, 2000, 128>}]} {
    %get3A = arith.constant 0 : index
    %get3A_0 = arith.constant 0 : index
    %get3A_1 = vector.load %arg1[%get3A, %get3A_0] : memref<2000x16xf32, #tpu.memory_space<vmem>>, vector<2000x16xf32>
    %get3A_2 = arith.constant 0 : index
    %get3A_3 = arith.constant 0 : index
    %get3A_4 = vector.load %arg2[%get3A_2, %get3A_3] : memref<16x256xf32, #tpu.memory_space<vmem>>, vector<16x256xf32>
    %dot_general3A = arith.constant dense<0.000000e+00> : vector<2000x256xf32>
    %dot_general3A_5 = tpu.matmul %get3A_1, %get3A_4, %dot_general3A {dimension_numbers = #tpu.dot_dimension_numbers<[1], [0], [0], [1], [0, 0, 1, 1], [], []>, transpose_lhs_hint = false} : vector<2000x16xf32>, vector<16x256xf32>, vector<2000x256xf32> -> vector<2000x256xf32>
    %slice3A = vector.extract_strided_slice %dot_general3A_5 {offsets = [0, 0], sizes = [2000, 128], strides = [1, 1]} : vector<2000x256xf32> to vector<2000x128xf32>
    %swap3A = arith.constant 0 : index
    %swap3A_6 = arith.constant 0 : index
    %swap3A_7 = arith.constant 0 : index
    %swap3A_8 = vector.load %arg3[%swap3A, %swap3A_6, %swap3A_7] : memref<2x2000x128xf32, #tpu.memory_space<vmem>>, vector<1x2000x128xf32>
    %swap3A_9 = vector.shape_cast %swap3A_8 : vector<1x2000x128xf32> to vector<2000x128xf32>
    %swap3A_10 = vector.shape_cast %slice3A : vector<2000x128xf32> to vector<1x2000x128xf32>
    tpu.vector_store %arg3[%swap3A, %swap3A_6, %swap3A_7], %swap3A_10 {strides = array<i32>} : memref<2x2000x128xf32, #tpu.memory_space<vmem>>, vector<1x2000x128xf32>,
    %slice3A_11 = vector.extract_strided_slice %dot_general3A_5 {offsets = [0, 128], sizes = [2000, 128], strides = [1, 1]} : vector<2000x256xf32> to vector<2000x128xf32>
    %swap3A_12 = arith.constant 1 : index
    %swap3A_13 = arith.constant 0 : index
    %swap3A_14 = arith.constant 0 : index
    %swap3A_15 = vector.load %arg3[%swap3A_12, %swap3A_13, %swap3A_14] : memref<2x2000x128xf32, #tpu.memory_space<vmem>>, vector<1x2000x128xf32>
    %swap3A_16 = vector.shape_cast %swap3A_15 : vector<1x2000x128xf32> to vector<2000x128xf32>
    %swap3A_17 = vector.shape_cast %slice3A_11 : vector<2000x128xf32> to vector<1x2000x128xf32>
    tpu.vector_store %arg3[%swap3A_12, %swap3A_13, %swap3A_14], %swap3A_17 {strides = array<i32>} : memref<2x2000x128xf32, #tpu.memory_space<vmem>>, vector<1x2000x128xf32>,
    return
  }
  func.func @transform_0(%arg0: i32) -> (i32, i32) {
    %c0_i32 = arith.constant 0 : i32
    %c0_i32_0 = arith.constant 0 : i32
    return %arg0, %c0_i32 : i32, i32
  }
  func.func @transform_1(%arg0: i32) -> (i32, i32) {
    %c0_i32 = arith.constant 0 : i32
    %c0_i32_0 = arith.constant 0 : i32
    %c0_i32_1 = arith.constant 0 : i32
    return %c0_i32, %c0_i32_0 : i32, i32
  }
  func.func @transform_2(%arg0: i32) -> (i32, i32, i32) {
    %c0_i32 = arith.constant 0 : i32
    %c0_i32_0 = arith.constant 0 : i32
    %c0_i32_1 = arith.constant 0 : i32
    return %c0_i32, %arg0, %c0_i32_0 : i32, i32, i32
  }
}

module attributes {stable_mosaic.version = 14 : i64} {
  func.func @_mm_split_body(%arg0: i32, %arg1: memref<1000x256xf32, #tpu.memory_space<vmem>>, %arg2: memref<256x256xf32, #tpu.memory_space<vmem>>, %arg3: memref<2x1000x128xf32, #tpu.memory_space<vmem>>) attributes {dimension_semantics = [#tpu.dimension_semantics<arbitrary>], iteration_bounds = array<i64: 10>, scalar_prefetch = 0 : i64, scratch_operands = 0 : i64, tpu.core_type = #tpu.core_type<tc>, window_params = [{transform_indices = @transform_0, window_bounds = array<i64: 1000, 256>}, {pipeline_mode = #tpu.pipeline_mode<synchronous>, transform_indices = @transform_1, window_bounds = array<i64: 256, 256>}, {transform_indices = @transform_2, window_bounds = array<i64: 2, 1000, 128>}]} {
    %get3A = arith.constant 0 : index
    %get3A_0 = arith.constant 0 : index
    %get3A_1 = vector.load %arg1[%get3A, %get3A_0] : memref<1000x256xf32, #tpu.memory_space<vmem>>, vector<1000x256xf32>
    %get3A_2 = arith.constant 0 : index
    %get3A_3 = arith.constant 0 : index
    %get3A_4 = vector.load %arg2[%get3A_2, %get3A_3] : memref<256x256xf32, #tpu.memory_space<vmem>>, vector<256x256xf32>
    %dot_general3A = arith.constant dense<0.000000e+00> : vector<1000x256xf32>
    %dot_general3A_5 = tpu.matmul %get3A_1, %get3A_4, %dot_general3A {dimension_numbers = #tpu.dot_dimension_numbers<[1], [0], [0], [1], [0, 0, 1, 1], [], []>, transpose_lhs_hint = false} : vector<1000x256xf32>, vector<256x256xf32>, vector<1000x256xf32> -> vector<1000x256xf32>
    %slice3A = vector.extract_strided_slice %dot_general3A_5 {offsets = [0, 0], sizes = [1000, 128], strides = [1, 1]} : vector<1000x256xf32> to vector<1000x128xf32>
    %swap3A = arith.constant 0 : index
    %swap3A_6 = arith.constant 0 : index
    %swap3A_7 = arith.constant 0 : index
    %swap3A_8 = vector.load %arg3[%swap3A, %swap3A_6, %swap3A_7] : memref<2x1000x128xf32, #tpu.memory_space<vmem>>, vector<1x1000x128xf32>
    %swap3A_9 = vector.shape_cast %swap3A_8 : vector<1x1000x128xf32> to vector<1000x128xf32>
    %swap3A_10 = vector.shape_cast %slice3A : vector<1000x128xf32> to vector<1x1000x128xf32>
    tpu.vector_store %arg3[%swap3A, %swap3A_6, %swap3A_7], %swap3A_10 {strides = array<i32>} : memref<2x1000x128xf32, #tpu.memory_space<vmem>>, vector<1x1000x128xf32>,
    %slice3A_11 = vector.extract_strided_slice %dot_general3A_5 {offsets = [0, 128], sizes = [1000, 128], strides = [1, 1]} : vector<1000x256xf32> to vector<1000x128xf32>
    %swap3A_12 = arith.constant 1 : index
    %swap3A_13 = arith.constant 0 : index
    %swap3A_14 = arith.constant 0 : index
    %swap3A_15 = vector.load %arg3[%swap3A_12, %swap3A_13, %swap3A_14] : memref<2x1000x128xf32, #tpu.memory_space<vmem>>, vector<1x1000x128xf32>
    %swap3A_16 = vector.shape_cast %swap3A_15 : vector<1x1000x128xf32> to vector<1000x128xf32>
    %swap3A_17 = vector.shape_cast %slice3A_11 : vector<1000x128xf32> to vector<1x1000x128xf32>
    tpu.vector_store %arg3[%swap3A_12, %swap3A_13, %swap3A_14], %swap3A_17 {strides = array<i32>} : memref<2x1000x128xf32, #tpu.memory_space<vmem>>, vector<1x1000x128xf32>,
    return
  }
  func.func @transform_0(%arg0: i32) -> (i32, i32) {
    %c0_i32 = arith.constant 0 : i32
    %c0_i32_0 = arith.constant 0 : i32
    return %arg0, %c0_i32 : i32, i32
  }
  func.func @transform_1(%arg0: i32) -> (i32, i32) {
    %c0_i32 = arith.constant 0 : i32
    %c0_i32_0 = arith.constant 0 : i32
    %c0_i32_1 = arith.constant 0 : i32
    return %c0_i32, %c0_i32_0 : i32, i32
  }
  func.func @transform_2(%arg0: i32) -> (i32, i32, i32) {
    %c0_i32 = arith.constant 0 : i32
    %c0_i32_0 = arith.constant 0 : i32
    %c0_i32_1 = arith.constant 0 : i32
    return %c0_i32, %arg0, %c0_i32_0 : i32, i32, i32
  }
}

module attributes {stable_mosaic.version = 14 : i64} {
  func.func @_post_body(%arg0: i32, %arg1: memref<1000x256xf32, #tpu.memory_space<vmem>>, %arg2: memref<2x1000x128xf32, #tpu.memory_space<vmem>>, %arg3: memref<2x1000x128xf32, #tpu.memory_space<vmem>>, %arg4: memref<256x256xf32, #tpu.memory_space<vmem>>, %arg5: memref<256x256xf32, #tpu.memory_space<vmem>>, %arg6: memref<1000x256xf32, #tpu.memory_space<vmem>>) attributes {dimension_semantics = [#tpu.dimension_semantics<arbitrary>], iteration_bounds = array<i64: 10>, scalar_prefetch = 0 : i64, scratch_operands = 0 : i64, tpu.core_type = #tpu.core_type<tc>, window_params = [{transform_indices = @transform_0, window_bounds = array<i64: 1000, 256>}, {transform_indices = @transform_1, window_bounds = array<i64: 2, 1000, 128>}, {transform_indices = @transform_2, window_bounds = array<i64: 2, 1000, 128>}, {pipeline_mode = #tpu.pipeline_mode<synchronous>, transform_indices = @transform_3, window_bounds = array<i64: 256, 256>}, {pipeline_mode = #tpu.pipeline_mode<synchronous>, transform_indices = @transform_4, window_bounds = array<i64: 256, 256>}, {transform_indices = @transform_5, window_bounds = array<i64: 1000, 256>}]} {
    %get3A = arith.constant 0 : index
    %get3A_0 = arith.constant 0 : index
    %get3A_1 = arith.constant 0 : index
    %get3A_2 = vector.load %arg3[%get3A, %get3A_0, %get3A_1] : memref<2x1000x128xf32, #tpu.memory_space<vmem>>, vector<1x1000x1xf32>
    %get3A_3 = vector.shape_cast %get3A_2 : vector<1x1000x1xf32> to vector<1000x1xf32>
    %get3A_4 = arith.constant 1 : index
    %get3A_5 = arith.constant 0 : index
    %get3A_6 = arith.constant 0 : index
    %get3A_7 = vector.load %arg3[%get3A_4, %get3A_5, %get3A_6] : memref<2x1000x128xf32, #tpu.memory_space<vmem>>, vector<1x1000x1xf32>
    %get3A_8 = vector.shape_cast %get3A_7 : vector<1x1000x1xf32> to vector<1000x1xf32>
    %add3A = arith.addf %get3A_3, %get3A_8 : vector<1000x1xf32>
    %max3A = arith.constant 1.000000e+00 : f32
    %max3A_9 = vector.broadcast %max3A : f32 to vector<1000x1xf32>
    %max3A_10 = arith.maximumf %add3A, %max3A_9 : vector<1000x1xf32>
    %div3A = arith.constant 1.000000e+00 : f32
    %div3A_11 = vector.broadcast %div3A : f32 to vector<1000x1xf32>
    %div3A_12 = arith.divf %div3A_11, %max3A_10 : vector<1000x1xf32>
    %get3A_13 = arith.constant 0 : index
    %get3A_14 = arith.constant 0 : index
    %get3A_15 = arith.constant 0 : index
    %get3A_16 = vector.load %arg2[%get3A_13, %get3A_14, %get3A_15] : memref<2x1000x128xf32, #tpu.memory_space<vmem>>, vector<1x1000x128xf32>
    %get3A_17 = vector.shape_cast %get3A_16 : vector<1x1000x128xf32> to vector<1000x128xf32>
    %get3A_18 = arith.constant 1 : index
    %get3A_19 = arith.constant 0 : index
    %get3A_20 = arith.constant 0 : index
    %get3A_21 = vector.load %arg2[%get3A_18, %get3A_19, %get3A_20] : memref<2x1000x128xf32, #tpu.memory_space<vmem>>, vector<1x1000x128xf32>
    %get3A_22 = vector.shape_cast %get3A_21 : vector<1x1000x128xf32> to vector<1000x128xf32>
    %concatenate3A = tpu.concatenate %get3A_17, %get3A_22 in 1 : vector<1000x128xf32>, vector<1000x128xf32> -> vector<1000x256xf32>
    %mul3A = vector.broadcast %div3A_12 : vector<1000x1xf32> to vector<1000x256xf32>
    %mul3A_23 = arith.mulf %concatenate3A, %mul3A : vector<1000x256xf32>
    %get3A_24 = arith.constant 0 : index
    %get3A_25 = arith.constant 0 : index
    %get3A_26 = vector.load %arg1[%get3A_24, %get3A_25] : memref<1000x256xf32, #tpu.memory_space<vmem>>, vector<1000x256xf32>
    %get3A_27 = arith.constant 0 : index
    %get3A_28 = arith.constant 0 : index
    %get3A_29 = vector.load %arg4[%get3A_27, %get3A_28] : memref<256x256xf32, #tpu.memory_space<vmem>>, vector<256x256xf32>
    %dot_general3A = arith.constant dense<0.000000e+00> : vector<1000x256xf32>
    %dot_general3A_30 = tpu.matmul %get3A_26, %get3A_29, %dot_general3A {dimension_numbers = #tpu.dot_dimension_numbers<[1], [0], [0], [1], [0, 0, 1, 1], [], []>, transpose_lhs_hint = false} : vector<1000x256xf32>, vector<256x256xf32>, vector<1000x256xf32> -> vector<1000x256xf32>
    %get3A_31 = arith.constant 0 : index
    %get3A_32 = arith.constant 0 : index
    %get3A_33 = vector.load %arg5[%get3A_31, %get3A_32] : memref<256x256xf32, #tpu.memory_space<vmem>>, vector<256x256xf32>
    %dot_general3A_34 = arith.constant dense<0.000000e+00> : vector<1000x256xf32>
    %dot_general3A_35 = tpu.matmul %mul3A_23, %get3A_33, %dot_general3A_34 {dimension_numbers = #tpu.dot_dimension_numbers<[1], [0], [0], [1], [0, 0, 1, 1], [], []>, transpose_lhs_hint = false} : vector<1000x256xf32>, vector<256x256xf32>, vector<1000x256xf32> -> vector<1000x256xf32>
    %add3A_36 = arith.addf %dot_general3A_30, %dot_general3A_35 : vector<1000x256xf32>
    %max3A_37 = arith.constant 0.000000e+00 : f32
    %max3A_38 = vector.broadcast %max3A_37 : f32 to vector<1000x256xf32>
    %max3A_39 = arith.maximumf %add3A_36, %max3A_38 : vector<1000x256xf32>
    %swap3A = arith.constant 0 : index
    %swap3A_40 = arith.constant 0 : index
    %swap3A_41 = vector.load %arg6[%swap3A, %swap3A_40] : memref<1000x256xf32, #tpu.memory_space<vmem>>, vector<1000x256xf32>
    tpu.vector_store %arg6[%swap3A, %swap3A_40], %max3A_39 {strides = array<i32>} : memref<1000x256xf32, #tpu.memory_space<vmem>>, vector<1000x256xf32>,
    return
  }
  func.func @transform_0(%arg0: i32) -> (i32, i32) {
    %c0_i32 = arith.constant 0 : i32
    %c0_i32_0 = arith.constant 0 : i32
    return %arg0, %c0_i32 : i32, i32
  }
  func.func @transform_1(%arg0: i32) -> (i32, i32, i32) {
    %c0_i32 = arith.constant 0 : i32
    %c0_i32_0 = arith.constant 0 : i32
    %c0_i32_1 = arith.constant 0 : i32
    return %c0_i32, %arg0, %c0_i32_0 : i32, i32, i32
  }
  func.func @transform_2(%arg0: i32) -> (i32, i32, i32) {
    %c0_i32 = arith.constant 0 : i32
    %c0_i32_0 = arith.constant 0 : i32
    %c0_i32_1 = arith.constant 0 : i32
    return %c0_i32, %arg0, %c0_i32_0 : i32, i32, i32
  }
  func.func @transform_3(%arg0: i32) -> (i32, i32) {
    %c0_i32 = arith.constant 0 : i32
    %c0_i32_0 = arith.constant 0 : i32
    %c0_i32_1 = arith.constant 0 : i32
    return %c0_i32, %c0_i32_0 : i32, i32
  }
  func.func @transform_4(%arg0: i32) -> (i32, i32) {
    %c0_i32 = arith.constant 0 : i32
    %c0_i32_0 = arith.constant 0 : i32
    %c0_i32_1 = arith.constant 0 : i32
    return %c0_i32, %c0_i32_0 : i32, i32
  }
  func.func @transform_5(%arg0: i32) -> (i32, i32) {
    %c0_i32 = arith.constant 0 : i32
    %c0_i32_0 = arith.constant 0 : i32
    return %arg0, %c0_i32 : i32, i32
  }
}

module attributes {stable_mosaic.version = 14 : i64} {
  func.func @_mm_body(%arg0: i32, %arg1: memref<1000x256xf32, #tpu.memory_space<vmem>>, %arg2: memref<256x256xf32, #tpu.memory_space<vmem>>, %arg3: memref<1000x256xf32, #tpu.memory_space<vmem>>) attributes {dimension_semantics = [#tpu.dimension_semantics<arbitrary>], iteration_bounds = array<i64: 10>, scalar_prefetch = 0 : i64, scratch_operands = 0 : i64, tpu.core_type = #tpu.core_type<tc>, window_params = [{transform_indices = @transform_0, window_bounds = array<i64: 1000, 256>}, {pipeline_mode = #tpu.pipeline_mode<synchronous>, transform_indices = @transform_1, window_bounds = array<i64: 256, 256>}, {transform_indices = @transform_2, window_bounds = array<i64: 1000, 256>}]} {
    %get3A = arith.constant 0 : index
    %get3A_0 = arith.constant 0 : index
    %get3A_1 = vector.load %arg1[%get3A, %get3A_0] : memref<1000x256xf32, #tpu.memory_space<vmem>>, vector<1000x256xf32>
    %get3A_2 = arith.constant 0 : index
    %get3A_3 = arith.constant 0 : index
    %get3A_4 = vector.load %arg2[%get3A_2, %get3A_3] : memref<256x256xf32, #tpu.memory_space<vmem>>, vector<256x256xf32>
    %dot_general3A = arith.constant dense<0.000000e+00> : vector<1000x256xf32>
    %dot_general3A_5 = tpu.matmul %get3A_1, %get3A_4, %dot_general3A {dimension_numbers = #tpu.dot_dimension_numbers<[1], [0], [0], [1], [0, 0, 1, 1], [], []>, transpose_lhs_hint = false} : vector<1000x256xf32>, vector<256x256xf32>, vector<1000x256xf32> -> vector<1000x256xf32>
    %swap3A = arith.constant 0 : index
    %swap3A_6 = arith.constant 0 : index
    %swap3A_7 = vector.load %arg3[%swap3A, %swap3A_6] : memref<1000x256xf32, #tpu.memory_space<vmem>>, vector<1000x256xf32>
    tpu.vector_store %arg3[%swap3A, %swap3A_6], %dot_general3A_5 {strides = array<i32>} : memref<1000x256xf32, #tpu.memory_space<vmem>>, vector<1000x256xf32>,
    return
  }
  func.func @transform_0(%arg0: i32) -> (i32, i32) {
    %c0_i32 = arith.constant 0 : i32
    %c0_i32_0 = arith.constant 0 : i32
    return %arg0, %c0_i32 : i32, i32
  }
  func.func @transform_1(%arg0: i32) -> (i32, i32) {
    %c0_i32 = arith.constant 0 : i32
    %c0_i32_0 = arith.constant 0 : i32
    %c0_i32_1 = arith.constant 0 : i32
    return %c0_i32, %c0_i32_0 : i32, i32
  }
  func.func @transform_2(%arg0: i32) -> (i32, i32) {
    %c0_i32 = arith.constant 0 : i32
    %c0_i32_0 = arith.constant 0 : i32
    return %arg0, %c0_i32 : i32, i32
  }
}

</mosaic_0001>

<sc_bundles>
// kernel: closed_call.15.cloned.1.call-start
scs
__scs_entry_jumppad:
0x0: {  	(pc) =	sbr.rel $0x88, $3  }
0x1: {  	(tag) =	ssettag $0x0;
	lr =	simm.s32 $0x1  }
0x2: {  	[smem:$0x3F95] =	sst lr;
	_ =	strace $0xD0000000  }
0x3: {  	_ = 	snop  }
0x4: {  	_ = 	snop  }
0x5: {  	_ = 	snop  }
0x6: {  	_ = 	snop  }
0x7: {  	_ = 	snop  }
__scs_overlays_trampoline_lowered:
0x8: {  	[smem:$0x3FA4] =	sst s0  }
0x9: {  	[smem:$0x3FA5] =	sst s1  }
0xa: {  	[smem:$0x3FA6] =	sst s2  }
0xb: {  	[smem:$0x3FA7] =	sst s3  }
0xc: {  	[smem:$0x3FA8] =	sst s4  }
0xd: {  	[smem:$0x3FA9] =	sst s5  }
0xe: {  	[smem:$0x3FAA] =	sst s6  }
0xf: {  	[smem:$0x3FAB] =	sst s7  }
0x10: {  	[smem:$0x3FAC] =	sst s8  }
0x11: {  	[smem:$0x3FAD] =	sst s9;
	s0 =	simm.s32 @!p0 $0x0  }
0x12: {  	s1 =	sld [smem:$0x3F93];
	s0 =	simm.s32 @p0 $0x1  }
0x13: {  	[smem:$0x3FAE] =	sst s0;
	s0 =	simm.s32 @!p1 $0x0  }
0x14: {  	s2 =	sld [smem:$0x3F92];
	s0 =	simm.s32 @p1 $0x1  }
0x15: {  	[smem:$0x3FAF] =	sst s0;
	s0 =	simm.s32 @!p2 $0x0  }
0x16: {  	s3 =	sld [smem:$0x3FDB];
	s0 =	simm.s32 @p2 $0x1  }
0x17: {  	s4 =	simm.s32 $0x1BF5;
	[smem:$0x3FB1] =	sst s0  }
0x18: {  	s0 =	sld [smem:$0x3F94];
	_ =	swait.ge [sflag:s4], $0x0  }
0x19: {  	s7 =	sld [smem:$0x3F95]  }
0x1a: {  	s8 =	sadd.s32 $0xFFFFE003, lr  }
0x1b: {  	s9 =	sadd.s32 $0xFFFFFEF7, lr;
	s5 =	simm.s32 $0xFFFFFFFF;
	p2 =	slt.u32 s8, $0xFFFFF086  }
0x1c: {  	p1 =	slt.u32 s9, $0xF7A;
	s5 =	simm.s32 @!p2 $0x0  }
0x1d: {  	s5 =	simm.s32 @p1 $0x1;
	p0 =	seq.s32 s7, s2  }
0x1e: {  	s7 =	smul.u32 @!p0 $0xF7A, s2;
	p2 =	seq.s32 @!p0 s5, $0x0  }
0x1f: {  	s9 =	smul.u32 $0xF7A, s1;
	s8 =	simm.s32 @!p0 $0x1BF5;
	p2 =	por !p2, p0  }
0x20: {  	[sflag:s8] =	ssyncset.s32 @!p0 $0xFFFFF086;
	s6 =	sadd.s32 @!p0 s3, s7;
	s7 =	simm.s32 @!p0 $0x108  }
0x21: {  	s3 =	sadd.s32 s3, s9;
	s6 =	sadd.s32 @!p0 $0x88, s6;
	s7 =	simm.s32 @p2 $0x1082  }
0x22: {  	[simem:s7], [sflag:s8] =	dma.local @!p0 [hbm:s6], $0xF7A  }
0x23: {  	s9 =	sor.u32 $0xD0000000, s2;
	s6 =	simm.s32 $0x108;
	_ =	swait.ge @!p0 [sflag:s8], $0x0  }
0x24: {  	s3 =	sadd.s32 $0x88, s3;
	s6 =	simm.s32 @!p1 $0x1082;
	[sflag:s4] =	ssyncset.s32 $0xFFFFF086  }
0x25: {  	[simem:s6], [sflag:s4] =	dma.local [hbm:s3], $0xF7A  }
0x26: {  	[smem:$0x3F95] =	sst s1;
	(tag) =	ssettag s2;
	_ =	strace s9  }
0x27: {  	s1 =	sld [smem:$0x3FA5]  }
0x28: {  	s2 =	sld [smem:$0x3FA6]  }
0x29: {  	s4 =	sld [smem:$0x3FA8]  }
0x2a: {  	p0 =	seq.s32 s5, $0x0;
	s5 =	sld [smem:$0x3FA9]  }
0x2b: {  	s6 =	sld [smem:$0x3FAA]  }
0x2c: {  	s7 =	sld [smem:$0x3FAB]  }
0x2d: {  	s3 =	simm.s32 $0x108;
	s8 =	sld [smem:$0x3FAC]  }
0x2e: {  	s3 =	simm.s32 @!p0 $0x1082;
	s9 =	sld [smem:$0x3FAD]  }
0x2f: {  	lr =	sadd.s32 s0, s3;
	s0 =	sld [smem:$0x3FA4]  }
0x30: {  	s3 =	sld [smem:$0x3FA7]  }
0x31: {  	[smem:$0x3FB0] =	sst s10  }
0x32: {  	s10 =	sld [smem:$0x3FAE];
	_ =	sdelay $0x3  }
0x33: {  	p0 =	seq.s32 s10, $0x1;
	s10 =	sld [smem:$0x3FB0];
	_ =	sdelay $0x3  }
0x34: {  	[smem:$0x3FB0] =	sst s10  }
0x35: {  	s10 =	sld [smem:$0x3FAF];
	_ =	sdelay $0x3  }
0x36: {  	p1 =	seq.s32 s10, $0x1;
	s10 =	sld [smem:$0x3FB0];
	_ =	sdelay $0x3  }
0x37: {  	[smem:$0x3FB0] =	sst s10  }
0x38: {  	s10 =	sld [smem:$0x3FB1]  }
0x39: {  	_ = 	snop;
	(pc) =	sbr.ind lr, $3  }
0x3a: {  	_ = 	snop  }
0x3b: {  	_ = 	snop  }
0x3c: {  	p2 =	seq.s32 s10, $0x1;
	s10 =	sld [smem:$0x3FB0]  }
0x3d: {  	_ =	shalt  }
0x3e: {  	_ =	shalt  }
0x3f: {  	_ =	shalt  }
0x40: {  	_ =	shalt  }
0x41: {  	_ =	shalt  }
0x42: {  	_ =	shalt  }
0x43: {  	_ =	shalt  }
0x44: {  	_ =	shalt  }
0x45: {  	_ =	shalt  }
0x46: {  	_ =	shalt  }
0x47: {  	_ =	shalt  }
0x48: {  	_ =	shalt  }
0x49: {  	_ =	shalt  }
0x4a: {  	_ =	shalt  }
0x4b: {  	_ =	shalt  }
0x4c: {  	_ =	shalt  }
0x4d: {  	_ =	shalt  }
0x4e: {  	_ =	shalt  }
0x4f: {  	_ =	shalt  }
0x50: {  	_ =	shalt  }
0x51: {  	_ =	shalt  }
0x52: {  	_ =	shalt  }
0x53: {  	_ =	shalt  }
0x54: {  	_ =	shalt  }
0x55: {  	_ =	shalt  }
0x56: {  	_ =	shalt  }
0x57: {  	_ =	shalt  }
0x58: {  	_ =	shalt  }
0x59: {  	_ =	shalt  }
0x5a: {  	_ =	shalt  }
0x5b: {  	_ =	shalt  }
0x5c: {  	_ =	shalt  }
0x5d: {  	_ =	shalt  }
0x5e: {  	_ =	shalt  }
0x5f: {  	_ =	shalt  }
0x60: {  	_ =	shalt  }
0x61: {  	_ =	shalt  }
0x62: {  	_ =	shalt  }
0x63: {  	_ =	shalt  }
0x64: {  	_ =	shalt  }
0x65: {  	_ =	shalt  }
0x66: {  	_ =	shalt  }
0x67: {  	_ =	shalt  }
0x68: {  	_ =	shalt  }
0x69: {  	_ =	shalt  }
0x6a: {  	_ =	shalt  }
0x6b: {  	_ =	shalt  }
0x6c: {  	_ =	shalt  }
0x6d: {  	_ =	shalt  }
0x6e: {  	_ =	shalt  }
0x6f: {  	_ =	shalt  }
0x70: {  	_ =	shalt  }
0x71: {  	_ =	shalt  }
0x72: {  	_ =	shalt  }
0x73: {  	_ =	shalt  }
0x74: {  	_ =	shalt  }
0x75: {  	_ =	shalt  }
0x76: {  	_ =	shalt  }
0x77: {  	_ =	shalt  }
0x78: {  	_ =	shalt  }
0x79: {  	_ =	shalt  }
0x7a: {  	_ =	shalt  }
0x7b: {  	_ =	shalt  }
0x7c: {  	_ =	shalt  }
0x7d: {  	_ =	shalt  }
0x7e: {  	_ =	shalt  }
0x7f: {  	_ =	shalt  }
0x80: {  	_ =	shalt  }
0x81: {  	_ =	shalt  }
0x82: {  	_ =	shalt  }
0x83: {  	_ =	shalt  }
0x84: {  	_ =	shalt  }
0x85: {  	_ =	shalt  }
0x86: {  	_ =	shalt  }
0x87: {  	_ =	shalt  }
.Lfunc_end0:
.L_simem_size_0:
called_computation_lowered:
.L_overlay_start_0:
0x88: {  	s2 =	sld [smem:$0x3FD9]  }
0x89: {  	s3 =	sld [smem:$0x3FFE];
	_ =	sdelay $0x1  }
0x8a: {  	s1 =	srdreg.scid  }
0x8b: {  	s0 =	sand.u32 $0x1, s1  }
0x8c: {  	s17 =	sshll.u32 s0, $0xA;
	s2 =	sadd.s32 s3, s2  }
0x8d: {  	s2 =	sadd.s32 s2, s17  }
0x8e: {  	[smem:$0x3FBC] =	sst s2  }
0x8f: {  	_ = 	snop  }
0x90: {  	s2 =	sld [smem:$0x3FD0];
	(tm) =	ssettm $0x1  }
0x91: {  	s18 =	sld [smem:$0x3FFB];
	_ =	sdelay $0x3  }
0x92: {  	_ =	strace s18  }
0x93: {  	s3 =	sld [smem:$0x3FFC];
	_ =	sdelay $0x3  }
0x94: {  	_ =	strace s3  }
0x95: {  	s3 =	sld [smem:$0x3FFD];
	_ =	sdelay $0x3  }
0x96: {  	_ =	strace s3  }
0x97: {  	_ =	strace $0x8FFFFFFF  }
0x98: {  	s19 =	sld [smem:$0x3FDB];
	_ =	sdelay $0x1  }
0x99: {  	s4 =	simm.s32 $_scs_section_size  }
0x9a: {  	s5 =	simm.s32 $_size__tile_overlayer_lowered;
	s6 =	simm.s32 $_tile_overlayer_lowered  }
0x9b: {  	s22 =	simm.s32 $0x1BFF;
	s21 =	sshll.u32 s6, $0x1;
	s3 =	sadd.s32 s4, s19  }
0x9c: {  	s7 =	simm.s32 $0x0;
	s20 =	sshll.u32 s5, $0x1;
	s5 =	sadd.s32 s21, s3  }
0x9d: {  	[timem:s7], [sflag:s22] =	dma.local [hbm:s5], s20  }
0x9e: {  	_ =	swait.ge [sflag:s22], s20  }
0x9f: {  	s4 =	ssub.s32 $0x0, s20;
	[sflag:s22] =	ssyncset.done $0x0  }
0xa0: {  	[sflag:s22] =	ssyncadd.s32 s4;
	_ =	sdelay $0x1  }
0xa1: {  	s23 =	simm.s32 $0x1B8B  }
0xa2: {  	_ =	swait.ge [sflag:s23], $0x1  }
0xa3: {  	[sflag:s23] =	ssyncset.done $0x0  }
0xa4: {  	s25 =	simm.s32 $0x1B8E;
	s24 =	sld [smem:$0x3FFE];
	[sflag:s23] =	ssyncadd.s32 $0xFFFFFFFF  }
0xa5: {  	s26 =	simm.s32 $execute0_lowered;
	[smem:$0x3FD2] =	sst s25  }
0xa6: {  	s5 =	sshll.u32 s26, $0x1;
	_ =	strace $0x80000046;
	[dreg:$0x1] =	wrdreg $0xFFFFFFFF  }
0xa7: {  	s28 =	simm.s32 $_size_execute0_lowered;
	s3 =	sadd.s32 s3, s5;
	[dreg:$0x0] =	wrdreg $0x0  }
0xa8: {  	s5 =	sshll.u32 s28, $0x1;
	[dreg:$0x2] =	wrdreg s3  }
0xa9: {  	[dreg:$0x3] =	wrdreg s5  }
0xaa: {  	[dreg:$0x4] =	wrdreg $0xC0  }
0xab: {  	_ =	task [dreg:s7], $0x5FFFF  }
0xac: {  	[dreg:$0x1] =	wrdreg $0xFFFFFFFF  }
0xad: {  	[dreg:$0x0] =	wrdreg $0x60  }
0xae: {  	[dreg:$0x2] =	wrdreg s2  }
0xaf: {  	[dreg:$0x3] =	wrdreg s24  }
0xb0: {  	[dreg:$0x4] =	wrdreg $0xBD000  }
0xb1: {  	[dreg:$0x5] =	wrdreg $0x9  }
0xb2: {  	_ =	task.clear_ibuf [dreg:s7], $0x6FFFF;
	_ =	strace $0x90000046  }
0xb3: {  	s29 =	simm.s32 $0x9;
	_ =	strace $0x80000048  }
0xb4: {  	_ =	swait.ge [sflag:s29], $0x1  }
0xb5: {  	[sflag:s29] =	ssyncadd.s32 $0xFFFFFFFF  }
0xb6: {  	_ =	strace $0x90000048  }
0xb7: {  	_ =	sfence  }
0xb8: {  	s30 =	sld [smem:$0x0];
	_ =	sdelay $0x2  }
0xb9: {  	s31 =	sshll.u32 s1, $0xD;
	s1 =	sshrl.u32 s1, $0x2  }
0xba: {  	s3 =	sand.u32 $0x4000, s31;
	s1 =	sadd.s32 s1, s30  }
0xbb: {  	s0 =	sor.u32 s3, s0;
	s1 =	sshll.u32 s1, $0x11  }
0xbc: {  	s0 =	sor.u32 s1, s0  }
0xbd: {  	s0 =	sadd.s32 $0x8F2B, s0  }
0xbe: {  	[sflag:s0] =	ssyncadd.remote.s32 $0x1  }
0xbf: {  	_ =	sfence.sel $0xFFFF  }
0xc0: {  	[dreg:$0x0] =	wrdreg $0xFFFFFFFF;
	(pc) =	sbr.abs _section_cstart, $3  }
0xc1: {  	[dreg:$0x1] =	wrdreg $0xFFFFFFFF  }
0xc2: {  	_ =	task.clear_ibuf [dreg:s7], $0x2FFFF;
	_ =	strace $0x9FFFFFFF  }
0xc3: {  	(tm) =	ssettm $0x7FFFFFFF  }
tec
execute0_lowered:
.L_overlay_start_1:
0x0: {  	(tag) =	ssettag $0x1  }
0x1: {  	s1 =	rddreg [dreg:$0x0]  }
0x2: {  	s0 =	rddreg [dreg:$0x1]  }
0x3: {  	s2 =	rddreg [dreg:$0x2];
	s4 =	simm.s32 $0x0;
	s3 =	srdreg.scid  }
0x4: {  	s17 =	stileid.u32;
	s29 =	simm.s32 $0x50;
	s30 =	simm.s32 $0x5500  }
0x5: {  	s31 =	simm.s32 $0x3;
	s5 =	sadd.s32 $0x2DD600, s0;
	s9 =	smul.u32 $0x4E000, s17  }
0x6: {  	[smem:$0x7FF] =	sst s4;
	s6 =	sadd.s32 $0x2CA800, s0;
	s11 =	smul.u32 $0x2710, s17  }
0x7: {  	s3 =	sand.u32 $0x1, s3;
	s7 =	sadd.s32 $0x2D4600, s0;
	s13 =	sadd.s32 $0x7BF600, s0  }
0x8: {  	s0 =	sadd.s32 $0x80D800, s0;
	p0 =	sne.s32 s17, $0xF;
	s8 =	smul.u32 $0x27100, s3  }
0x9: {  	_ =	strace $0x80000047;
	s10 =	ssub.s32 $0x2, s3;
	s20 =	smul.u32 $0x2710, s3  }
0xa: {  	s21 =	sshll.u32 s3, $0x4;
	s12 =	sshrl.u32 s10, $0x1;
	s9 =	sshrl.u32 s9, $0x2  }
0xb: {  	s15 =	sadd.s32 $0x50, s11;
	s24 =	sshrl.u32 s11, $0x3;
	s10 =	ssub.s32 s10, s12  }
0xc: {  	s12 =	smul.u32 $0x270, s17;
	s14 =	sadd.s32 s11, s8;
	s18 =	sadd.s32 s9, s2  }
0xd: {  	s16 =	sadd.s32 s8, s15;
	s19 =	sshrl.u32 s15, $0x3;
	s23 =	sshrl.u32 s14, $0x3  }
0xe: {  	s25 =	sshll.u32 s14, $0x4;
	s26 =	sshrl.u32 s16, $0x3;
	s22 =	sshll.u32 s16, $0x4  }
0xf: {  	s16 =	smul.u32 $0x1388, s17;
	[dreg:$0x4] =	wrdreg s18;
	s9 =	sadd.s32 s6, s23  }
0x10: {  	s14 =	sadd.s32 s6, s26;
	s23 =	smul.u32 $0x138800, s3;
	[dreg:$0x5] =	wrdreg s9  }
0x11: {  	s15 =	sadd.s32 s5, s22;
	s3 =	smul.u32 $0x13880, s3;
	[dreg:$0x8] =	wrdreg s14  }
0x12: {  	s9 =	sadd.s32 s7, s24;
	s14 =	sor.u32 s17, s21;
	[dreg:$0xa] =	wrdreg s15  }
0x13: {  	s21 =	sadd.s32 $0xF0, s11;
	s15 =	sadd.s32 $0xA800, s18;
	[dreg:$0x6] =	wrdreg s9  }
0x14: {  	s17 =	sadd.s32 $0xD800, s18;
	s9 =	sadd.s32 s5, s25;
	[dreg:$0x19] =	wrdreg s15  }
0x15: {  	s24 =	smul.u32 $0x1388, s14;
	s25 =	sshrl.u32 s23, $0x3;
	[dreg:$0x1b] =	wrdreg s17  }
0x16: {  	s15 =	simm.s32 $0x300;
	s17 =	simm.s32 $0x28;
	[dreg:$0x7] =	wrdreg s9  }
0x17: {  	s9 =	sadd.s32 s7, s19;
	s14 =	sadd.s32 $0x27000, s25;
	s19 =	sadd.s32 s16, s3  }
0x18: {  	s25 =	smax.u32 s10, $0x1;
	s10 =	sadd.s32 $0x4800, s18;
	[dreg:$0x9] =	wrdreg s9  }
0x19: {  	s16 =	sadd.s32 $0xC000, s18;
	s9 =	sadd.s32 s12, s20;
	[dreg:$0x11] =	wrdreg s25  }
0x1a: {  	s20 =	sadd.s32 $0xA0, s11;
	s22 =	sadd.s32 $0x28, s24;
	[dreg:$0x15] =	wrdreg s10  }
0x1b: {  	s23 =	sshrl.u32 s24, $0x3;
	s12 =	sadd.s32 $0x6000, s18;
	[dreg:$0x1a] =	wrdreg s16  }
0x1c: {  	s3 =	sshrl.u32 s22, $0x3;
	[dreg:$0x16] =	wrdreg s12;
	s22 =	sadd.s32 $0x10800, s18  }
0x1d: {  	s11 =	sadd.s32 s7, s23;
	s23 =	sadd.s32 $0x12000, s18;
	[dreg:$0x1d] =	wrdreg s22  }
0x1e: {  	s24 =	sadd.s32 $0x78, s24;
	s9 =	sshll.u32 s9, $0x4;
	[dreg:$0x1e] =	wrdreg s23  }
0x1f: {  	s10 =	simm.s32 $0x7D00;
	s26 =	sadd.s32 s13, s9;
	[dreg:$0xf] =	wrdreg s11  }
0x20: {  	s16 =	simm.s32 $0x0;
	s13 =	sadd.s32 s13, s14;
	[dreg:$0xb] =	wrdreg s26  }
0x21: {  	s9 =	sadd.s32 s0, s9;
	s0 =	sadd.s32 s0, s14;
	[dreg:$0xc] =	wrdreg s13  }
0x22: {  	s3 =	sadd.s32 s7, s3;
	s14 =	sadd.s32 $0x9000, s18;
	[dreg:$0xd] =	wrdreg s9  }
0x23: {  	s25 =	sadd.s32 $0xA, s11;
	s23 =	simm.s32 $0x7;
	[dreg:$0xe] =	wrdreg s0  }
0x24: {  	s11 =	simm.s32 $0x4;
	[dreg:$0x10] =	wrdreg s3;
	s26 =	sadd.s32 $0xC8, s19  }
0x25: {  	s0 =	sadd.s32 $0xA0, s19;
	s3 =	sshrl.u32 s24, $0x3;
	[dreg:$0x18] =	wrdreg s14  }
0x26: {  	s13 =	sadd.s32 $0x7800, s18;
	s19 =	sadd.s32 $0xF000, s18;
	[smem:$0x7FD] =	sst s25  }
0x27: {  	s24 =	sadd.s32 $0x138000, s2;
	s14 =	simm.s32 $0x6;
	[dreg:$0x17] =	wrdreg s13  }
0x28: {  	s9 =	sshrl.u32 s26, $0x3;
	s0 =	sshrl.u32 s0, $0x3;
	[dreg:$0x1c] =	wrdreg s19  }
.Ltmp0:
0x29: {  	s3 =	sadd.s32 s7, s3;
	[dreg:$0x1f] =	wrdreg s24;
	(pc) =	sbr.rel .LBB2_1-.Ltmp0, $4  }
0x2a: {  	s13 =	simm.s32 $0x5;
	s19 =	simm.s32 $0x480;
	[dreg:$0x12] =	wrdreg s3  }
0x2b: {  	s26 =	sadd.s32 s9, s7;
	s28 =	sadd.s32 s0, s7;
	s3 =	sadd.s32 $0x1800, s18  }
0x2c: {  	s9 =	sadd.s32 $0x3000, s18;
	s18 =	simm.s32 $0x1;
	[dreg:$0x13] =	wrdreg s3  }
0x2d: {  	v0 =	vimm.f32 $0.0e+00;
	v1 =	vimm.f32 $1.000000000e+00;
	[dreg:$0x14] =	wrdreg s9;
	s3 =	simm.s32 $0x2;
	s9 =	simm.s32 $0x400  }
.LBB2_16:
0x2e: {  	_ =	swait.ge [sflag:s18], $0x28  }
0x2f: {  	[sflag:s18] =	ssyncset.done $0x0  }
0x30: {  	[sflag:s18] =	ssyncadd.s32 $0xFFFFFFD8  }
0x31: {  	_ =	swait.ge [sflag:s13], $0x1400  }
0x32: {  	[sflag:s13] =	ssyncset.done $0x0  }
0x33: {  	[sflag:s13] =	ssyncadd.s32 $0xFFFFEC00  }
0x34: {  	v2 =	vld [tilespmem:$0x300]  }
0x35: {  	v3 =	vld [tilespmem:$0x310]  }
0x36: {  	v4 =	vld [tilespmem:$0x318];
	_ =	sdelay $0x2  }
0x37: {  	[tilespmem:$0x400] =	vst v2  }
0x38: {  	[tilespmem:$0x410] =	vst v3  }
0x39: {  	[tilespmem:$0x418] =	vst v4  }
0x3a: {  	[spmem:s2] =	stream.indirect.scatter.add.f32 [tilespmem:s30], [sflag:$0x5], $0x80, s9, s17, $0xb8;
	[tilespmem:$0x1F580] =	vst v63  }
0x3b: {  	_ =	swait.ge [sflag:s13], $0x1400  }
0x3c: {  	[sflag:s13] =	ssyncset.done $0x0  }
0x3d: {  	[sflag:s13] =	ssyncadd.s32 $0xFFFFEC00  }
0x3e: {  	_ =	swait.ge [sflag:s14], $0x1400  }
0x3f: {  	[sflag:s14] =	ssyncset.done $0x0  }
0x40: {  	[sflag:s14] =	ssyncadd.s32 $0xFFFFEC00  }
0x41: {  	[bflag:$0x0] =	sbarrier.arrive $0xFFFF  }
0x42: {  	s16 =	sld [smem:$0x7FA];
	_ =	sdelay $0x1  }
0x43: {  	s0 =	rddreg [dreg:$0xd]  }
0x44: {  	[hbm:s0], [sflag:s12] =	dma.local [spmem:s16], $0x2700  }
0x45: {  	_ =	swait.ge [sflag:s23], $0x2700  }
0x46: {  	s16 =	sld [smem:$0x7FB]  }
0x47: {  	[sflag:s23] =	ssyncset.done $0x0  }
0x48: {  	s0 =	rddreg [dreg:$0xe];
	[sflag:s23] =	ssyncadd.s32 $0xFFFFD900  }
0x49: {  	[hbm:s0], [sflag:s12] =	dma.local @!p0 [spmem:s16], $0x100  }
0x4a: {  	s0 =	simm.s32 @!p0 $0x7  }
0x4b: {  	_ =	swait.ge @!p0 [sflag:s0], $0x100  }
0x4c: {  	s24 =	sld [smem:$0x7FC];
	_ =	sdelay $0x2  }
0x4d: {  	s25 =	rddreg [dreg:$0x11];
	s16 =	sadd.s32 $0x1, s24  }
0x4e: {  	p1 =	sne.s32 s16, s25  }
.Ltmp1:
0x4f: {  	_ = 	snop;
	(pc) =	sbr.rel @!p1 .LBB2_17-.Ltmp1, $3  }
0x50: {  	_ =	sdelay $0x1  }
0x51: {  	[sflag:s0] =	ssyncset.done @!p0 $0x0  }
0x52: {  	[sflag:s0] =	ssyncadd.s32 @!p0 $0xFFFFFF00  }
.LBB2_1:
0x53: {  	s12 =	sand.u32 $0x7E00, s4  }
0x54: {  	[smem:$0x7FC] =	sst s16;
	s22 =	sand.u32 $0x70, s4;
	s24 =	sshrl.u32 s12, $0x2  }
0x55: {  	s12 =	simm.s32 $0x40;
	s24 =	sor.u32 s22, s24;
	s22 =	simm.s32 $0x0  }
.LBB2_2:
0x56: {  	p1 =	sne.s32 s12, $0x5FC0  }
0x57: {  	[tilespmem:s24+$0xA500] =	vst v0;
	s22 =	sadd.s32 $0x10, s22;
	s24 =	smov.u32 s12;
	s12 =	sadd.s32 $0x40, s12  }
.Ltmp2:
0x58: {  	(pc) =	sbr.rel @p1 .LBB2_2-.Ltmp2, $4  }
0x59: {  	_ = 	snop  }
0x5a: {  	s24 =	sand.u32 $0x7E00, s24  }
0x5b: {  	s25 =	sand.u32 $0x70, s22;
	s24 =	sshrl.u32 s24, $0x2  }
0x5c: {  	s24 =	sor.u32 s25, s24  }
0x5d: {  	[tilespmem:s24+$0xA500] =	vst v0;
	s0 =	rddreg [dreg:$0x4];
	s12 =	simm.s32 $0xA500  }
0x5e: {  	[spmem:s0] =	stream.linear.scatter [tilespmem:s12], [sflag:$0x7], $0x1800, $0x38;
	[tilespmem:$0x1F580] =	vst v63  }
0x5f: {  	_ =	swait.ge [sflag:s23], $0x1800  }
0x60: {  	[sflag:s23] =	ssyncset.done $0x0  }
0x61: {  	s24 =	rddreg [dreg:$0x13];
	[sflag:s23] =	ssyncadd.s32 $0xFFFFE800  }
0x62: {  	[spmem:s24] =	stream.linear.scatter [tilespmem:s12], [sflag:$0x7], $0x1800, $0x38;
	[tilespmem:$0x1F580] =	vst v63  }
0x63: {  	_ =	swait.ge [sflag:s23], $0x1800  }
0x64: {  	[sflag:s23] =	ssyncset.done $0x0  }
0x65: {  	s25 =	rddreg [dreg:$0x14];
	[sflag:s23] =	ssyncadd.s32 $0xFFFFE800  }
0x66: {  	[spmem:s25] =	stream.linear.scatter [tilespmem:s12], [sflag:$0x7], $0x1800, $0x38;
	[tilespmem:$0x1F580] =	vst v63  }
0x67: {  	_ =	swait.ge [sflag:s23], $0x1800  }
0x68: {  	[sflag:s23] =	ssyncset.done $0x0  }
0x69: {  	s16 =	rddreg [dreg:$0x15];
	[sflag:s23] =	ssyncadd.s32 $0xFFFFE800  }
0x6a: {  	[spmem:s16] =	stream.linear.scatter [tilespmem:s12], [sflag:$0x7], $0x1800, $0x38;
	[tilespmem:$0x1F580] =	vst v63  }
0x6b: {  	_ =	swait.ge [sflag:s23], $0x1800  }
0x6c: {  	[sflag:s23] =	ssyncset.done $0x0  }
0x6d: {  	s22 =	rddreg [dreg:$0x16];
	[sflag:s23] =	ssyncadd.s32 $0xFFFFE800  }
0x6e: {  	[spmem:s22] =	stream.linear.scatter [tilespmem:s12], [sflag:$0x7], $0x1800, $0x38;
	[tilespmem:$0x1F580] =	vst v63  }
0x6f: {  	_ =	swait.ge [sflag:s23], $0x1800  }
0x70: {  	[sflag:s23] =	ssyncset.done $0x0  }
0x71: {  	s24 =	rddreg [dreg:$0x17];
	[sflag:s23] =	ssyncadd.s32 $0xFFFFE800  }
0x72: {  	[spmem:s24] =	stream.linear.scatter [tilespmem:s12], [sflag:$0x7], $0x1800, $0x38;
	[tilespmem:$0x1F580] =	vst v63  }
0x73: {  	_ =	swait.ge [sflag:s23], $0x1800  }
0x74: {  	[sflag:s23] =	ssyncset.done $0x0  }
0x75: {  	s25 =	rddreg [dreg:$0x18];
	[sflag:s23] =	ssyncadd.s32 $0xFFFFE800  }
0x76: {  	[spmem:s25] =	stream.linear.scatter [tilespmem:s12], [sflag:$0x7], $0x1800, $0x38;
	[tilespmem:$0x1F580] =	vst v63  }
0x77: {  	_ =	swait.ge [sflag:s23], $0x1800  }
0x78: {  	[sflag:s23] =	ssyncset.done $0x0  }
0x79: {  	s16 =	rddreg [dreg:$0x19];
	[sflag:s23] =	ssyncadd.s32 $0xFFFFE800  }
0x7a: {  	[spmem:s16] =	stream.linear.scatter [tilespmem:s12], [sflag:$0x7], $0x1800, $0x38;
	[tilespmem:$0x1F580] =	vst v63  }
0x7b: {  	_ =	swait.ge [sflag:s23], $0x1800  }
0x7c: {  	[sflag:s23] =	ssyncset.done $0x0  }
0x7d: {  	s22 =	rddreg [dreg:$0x1a];
	[sflag:s23] =	ssyncadd.s32 $0xFFFFE800  }
0x7e: {  	[spmem:s22] =	stream.linear.scatter [tilespmem:s12], [sflag:$0x7], $0x1800, $0x38;
	[tilespmem:$0x1F580] =	vst v63  }
0x7f: {  	_ =	swait.ge [sflag:s23], $0x1800  }
0x80: {  	[sflag:s23] =	ssyncset.done $0x0  }
0x81: {  	s24 =	rddreg [dreg:$0x1b];
	[sflag:s23] =	ssyncadd.s32 $0xFFFFE800  }
0x82: {  	[spmem:s24] =	stream.linear.scatter [tilespmem:s12], [sflag:$0x7], $0x1800, $0x38;
	[tilespmem:$0x1F580] =	vst v63  }
0x83: {  	_ =	swait.ge [sflag:s23], $0x1800  }
0x84: {  	[sflag:s23] =	ssyncset.done $0x0  }
0x85: {  	s25 =	rddreg [dreg:$0x1c];
	[sflag:s23] =	ssyncadd.s32 $0xFFFFE800  }
0x86: {  	[spmem:s25] =	stream.linear.scatter [tilespmem:s12], [sflag:$0x7], $0x1800, $0x38;
	[tilespmem:$0x1F580] =	vst v63  }
0x87: {  	_ =	swait.ge [sflag:s23], $0x1800  }
0x88: {  	[sflag:s23] =	ssyncset.done $0x0  }
0x89: {  	s16 =	rddreg [dreg:$0x1d];
	[sflag:s23] =	ssyncadd.s32 $0xFFFFE800  }
0x8a: {  	[spmem:s16] =	stream.linear.scatter [tilespmem:s12], [sflag:$0x7], $0x1800, $0x38;
	[tilespmem:$0x1F580] =	vst v63  }
0x8b: {  	_ =	swait.ge [sflag:s23], $0x1800  }
0x8c: {  	[sflag:s23] =	ssyncset.done $0x0  }
0x8d: {  	s22 =	rddreg [dreg:$0x1e];
	[sflag:s23] =	ssyncadd.s32 $0xFFFFE800  }
0x8e: {  	[spmem:s22] =	stream.linear.scatter [tilespmem:s12], [sflag:$0x7], $0x1800, $0x38;
	[tilespmem:$0x1F580] =	vst v63  }
0x8f: {  	_ =	swait.ge [sflag:s23], $0x1800  }
0x90: {  	[sflag:s23] =	ssyncset.done $0x0  }
0x91: {  	s12 =	simm.s32 @!p0 $0xA500;
	s0 =	rddreg [dreg:$0x1f];
	[sflag:s23] =	ssyncadd.s32 $0xFFFFE800  }
0x92: {  	[spmem:s0] =	stream.linear.scatter @!p0 [tilespmem:s12], [sflag:$0x7], $0x800, $0x38;
	[tilespmem:$0x1F580] =	vst v63  }
0x93: {  	s12 =	simm.s32 @!p0 $0x7  }
0x94: {  	_ =	swait.ge @!p0 [sflag:s12], $0x800  }
0x95: {  	[sflag:s12] =	ssyncset.done @!p0 $0x0  }
0x96: {  	[sflag:s12] =	ssyncadd.s32 @!p0 $0xFFFFF800  }
0x97: {  	[bflag:$0x0] =	sbarrier.arrive $0xFFFF  }
0x98: {  	s12 =	simm.s32 $0x0;
	s24 =	rddreg [dreg:$0x5]  }
0x99: {  	[tilespmem:s12], [sflag:$0x1] =	stream.linear.gather [hbm4b:s24+s12], $0x50, $0x38;
	[tilespmem:$0x1F580] =	vst v63  }
0x9a: {  	s16 =	simm.s32 $0x100;
	s25 =	rddreg [dreg:$0x6]  }
0x9b: {  	[tilespmem:s16], [sflag:$0x1] =	stream.linear.gather [hbm4b:s25+s12], $0x50, $0x38;
	[tilespmem:$0x1F580] =	vst v63  }
0x9c: {  	s22 =	simm.s32 $0x500;
	s16 =	rddreg [dreg:$0x7]  }
0x9d: {  	[tilespmem:s22], [sflag:$0x1] =	stream.linear.gather [hbm4b:s16+s12], $0x2800, $0x38;
	[tilespmem:$0x1F580] =	vst v63  }
0x9e: {  	s24 =	rddreg [dreg:$0x8];
	s25 =	simm.s32 $0x80  }
0x9f: {  	[tilespmem:s25], [sflag:$0x2] =	stream.linear.gather [hbm4b:s24+s12], $0x50, $0x38;
	[tilespmem:$0x1F580] =	vst v63  }
0xa0: {  	s16 =	rddreg [dreg:$0x9];
	s22 =	simm.s32 $0x180  }
0xa1: {  	[tilespmem:s22], [sflag:$0x2] =	stream.linear.gather [hbm4b:s16+s12], $0x50, $0x38;
	[tilespmem:$0x1F580] =	vst v63  }
0xa2: {  	s24 =	rddreg [dreg:$0xa];
	s25 =	simm.s32 $0x2D00  }
0xa3: {  	[tilespmem:s25], [sflag:$0x2] =	stream.linear.gather [hbm4b:s24+s12], $0x2800, $0x38;
	[tilespmem:$0x1F580] =	vst v63  }
0xa4: {  	_ =	swait.ge [sflag:s18], $0x50  }
0xa5: {  	[sflag:s18] =	ssyncset.done $0x0  }
0xa6: {  	[sflag:s18] =	ssyncadd.s32 $0xFFFFFFB0  }
0xa7: {  	_ =	swait.ge [sflag:s18], $0x50  }
0xa8: {  	[sflag:s18] =	ssyncset.done $0x0  }
0xa9: {  	[sflag:s18] =	ssyncadd.s32 $0xFFFFFFB0  }
0xaa: {  	_ =	swait.ge [sflag:s18], $0x2800  }
0xab: {  	[sflag:s18] =	ssyncset.done $0x0  }
0xac: {  	[sflag:s18] =	ssyncadd.s32 $0xFFFFD800  }
0xad: {  	[tilespmem:s30], [sflag:$0x3] =	stream.indirect.gather [hbm4b:s1+s29], $0x80, s12, s29, $0xb8;
	[tilespmem:$0x1F580] =	vst v63  }
.LBB2_4:
0xae: {  	_ =	swait.ge [sflag:s31], $0x2800  }
0xaf: {  	[sflag:s31] =	ssyncset.done $0x0  }
0xb0: {  	s24 =	simm.s32 $0x0;
	[sflag:s31] =	ssyncadd.s32 $0xFFFFD800  }
0xb1: {  	v8 =	vld [tilespmem:s24+$0x500]  }
0xb2: {  	v13 =	vld [tilespmem:s24+$0x510]  }
0xb3: {  	v7 =	vld [tilespmem:s24+$0x520]  }
0xb4: {  	v6 =	vld [tilespmem:s24+$0x530]  }
0xb5: {  	v5 =	vld [tilespmem:s24+$0x540]  }
0xb6: {  	v4 =	vld [tilespmem:s24+$0x550]  }
0xb7: {  	v3 =	vld [tilespmem:s24+$0x560]  }
0xb8: {  	v2 =	vld [tilespmem:s24+$0x570]  }
0xb9: {  	v14 =	vld [tilespmem:s24+$0x5500]  }
0xba: {  	v15 =	vld [tilespmem:s24+$0x5510]  }
0xbb: {  	v12 =	vld [tilespmem:s24+$0x5520]  }
0xbc: {  	v11 =	vld [tilespmem:s24+$0x5530]  }
0xbd: {  	v10 =	vld [tilespmem:s24+$0x5540]  }
0xbe: {  	v9 =	vld [tilespmem:s24+$0x5550];
	v14 =	vadd.f32 v14, v8  }
0xbf: {  	s25 =	simm.s32 $0x200;
	v13 =	vadd.f32 v15, v13;
	v8 =	vld [tilespmem:s24+$0x5560]  }
.LBB2_5:
0xc0: {  	s22 =	sshra.s32 s25, $0x2;
	p1 =	sne.s32 s25, $0x9E00;
	v14 =	vmax.f32 v14, $0.0e+00;
	v7 =	vadd.f32 v12, v7;
	v12 =	vld [tilespmem:s24+$0x5570]  }
0xc1: {  	v15 =	vld [tilespmem:s22+$0x500];
	[tilespmem:s24+$0x5500] =	vst v14;
	v13 =	vmax.f32 v13, $0.0e+00;
	v6 =	vadd.f32 v11, v6  }
0xc2: {  	v16 =	vld [tilespmem:s22+$0x510];
	[tilespmem:s24+$0x5510] =	vst v13;
	v11 =	vmax.f32 v7, $0.0e+00;
	v5 =	vadd.f32 v10, v5  }
0xc3: {  	v7 =	vld [tilespmem:s22+$0x520];
	[tilespmem:s24+$0x5520] =	vst v11;
	v10 =	vmax.f32 v6, $0.0e+00;
	v4 =	vadd.f32 v9, v4  }
0xc4: {  	v6 =	vld [tilespmem:s22+$0x530];
	[tilespmem:s24+$0x5530] =	vst v10;
	v9 =	vmax.f32 v5, $0.0e+00;
	v3 =	vadd.f32 v8, v3  }
0xc5: {  	v5 =	vld [tilespmem:s22+$0x540];
	[tilespmem:s24+$0x5540] =	vst v9;
	v8 =	vmax.f32 v4, $0.0e+00;
	v2 =	vadd.f32 v12, v2  }
0xc6: {  	v4 =	vld [tilespmem:s22+$0x550];
	[tilespmem:s24+$0x5550] =	vst v8;
	v8 =	vmax.f32 v3, $0.0e+00  }
0xc7: {  	v3 =	vld [tilespmem:s22+$0x560];
	[tilespmem:s24+$0x5560] =	vst v8;
	v8 =	vmax.f32 v2, $0.0e+00  }
0xc8: {  	v2 =	vld [tilespmem:s22+$0x570];
	[tilespmem:s24+$0x5570] =	vst v8;
	s24 =	smov.u32 s22  }
0xc9: {  	v8 =	vld [tilespmem:s24+$0x5500]  }
0xca: {  	v13 =	vld [tilespmem:s24+$0x5510]  }
.Ltmp3:
0xcb: {  	v12 =	vld [tilespmem:s24+$0x5520];
	(pc) =	sbr.rel @p1 .LBB2_5-.Ltmp3, $4  }
0xcc: {  	v11 =	vld [tilespmem:s24+$0x5530]  }
0xcd: {  	v10 =	vld [tilespmem:s24+$0x5540]  }
0xce: {  	v14 =	vadd.f32 v8, v15;
	v9 =	vld [tilespmem:s24+$0x5550]  }
0xcf: {  	s25 =	sadd.s32 $0x200, s25;
	v13 =	vadd.f32 v13, v16;
	v8 =	vld [tilespmem:s24+$0x5560]  }
0xd0: {  	v14 =	vmax.f32 v14, $0.0e+00;
	v7 =	vadd.f32 v12, v7;
	v12 =	vld [tilespmem:s24+$0x5570]  }
0xd1: {  	[tilespmem:s24+$0x5500] =	vst v14;
	v13 =	vmax.f32 v13, $0.0e+00;
	v6 =	vadd.f32 v11, v6  }
0xd2: {  	[tilespmem:s24+$0x5510] =	vst v13;
	v7 =	vmax.f32 v7, $0.0e+00;
	v5 =	vadd.f32 v10, v5  }
0xd3: {  	[tilespmem:s24+$0x5520] =	vst v7;
	v6 =	vmax.f32 v6, $0.0e+00;
	v4 =	vadd.f32 v9, v4  }
0xd4: {  	[tilespmem:s24+$0x5530] =	vst v6;
	v5 =	vmax.f32 v5, $0.0e+00;
	v3 =	vadd.f32 v8, v3  }
0xd5: {  	[tilespmem:s24+$0x5540] =	vst v5;
	v4 =	vmax.f32 v4, $0.0e+00;
	v2 =	vadd.f32 v12, v2  }
0xd6: {  	[tilespmem:s24+$0x5550] =	vst v4;
	v3 =	vmax.f32 v3, $0.0e+00  }
0xd7: {  	[tilespmem:s24+$0x5560] =	vst v3;
	v2 =	vmax.f32 v2, $0.0e+00  }
0xd8: {  	[tilespmem:s24+$0x5570] =	vst v2  }
0xd9: {  	v2 =	vld [tilespmem:$0x100]  }
0xda: {  	v3 =	vld [tilespmem:$0x110]  }
0xdb: {  	v4 =	vld [tilespmem:$0x120]  }
0xdc: {  	v5 =	vld [tilespmem:$0x130]  }
0xdd: {  	v6 =	vld [tilespmem:$0x140]  }
0xde: {  	s24 =	smul.u32 $0xA0, s12;
	[tilespmem:$0x200] =	vst v2  }
0xdf: {  	[tilespmem:$0x210] =	vst v3  }
0xe0: {  	s22 =	sadd.s32 s24, s20;
	[tilespmem:$0x220] =	vst v4  }
0xe1: {  	s25 =	sadd.s32 s8, s22;
	[tilespmem:$0x230] =	vst v5  }
0xe2: {  	s0 =	simm.s32 $0x200;
	s16 =	sshrl.u32 s25, $0x3;
	[tilespmem:$0x240] =	vst v6  }
0xe3: {  	[spmem:s2] =	stream.indirect.scatter.add.f32 [tilespmem:s30], [sflag:$0x5], $0x80, s0, s29, $0xb8;
	[tilespmem:$0x1F580] =	vst v63  }
0xe4: {  	s22 =	sshrl.u32 s22, $0x3;
	s0 =	sadd.s32 s6, s16  }
0xe5: {  	[tilespmem:s4], [sflag:$0x1] =	stream.linear.gather [hbm4b:s0+s4], $0x50, $0x38;
	[tilespmem:$0x1F580] =	vst v63  }
0xe6: {  	s16 =	simm.s32 $0x100;
	s0 =	sadd.s32 s7, s22  }
0xe7: {  	[tilespmem:s16], [sflag:$0x1] =	stream.linear.gather [hbm4b:s0+s4], $0x50, $0x38;
	[tilespmem:$0x1F580] =	vst v63  }
0xe8: {  	s16 =	sshll.u32 s25, $0x4  }
0xe9: {  	s22 =	simm.s32 $0x500;
	s0 =	sadd.s32 s5, s16  }
0xea: {  	[tilespmem:s22], [sflag:$0x1] =	stream.linear.gather [hbm4b:s0+s4], $0x2800, $0x38;
	[tilespmem:$0x1F580] =	vst v63  }
0xeb: {  	_ =	swait.ge [sflag:s3], $0x50  }
0xec: {  	[sflag:s3] =	ssyncset.done $0x0  }
0xed: {  	[sflag:s3] =	ssyncadd.s32 $0xFFFFFFB0  }
0xee: {  	_ =	swait.ge [sflag:s3], $0x50  }
0xef: {  	[sflag:s3] =	ssyncset.done $0x0  }
0xf0: {  	[sflag:s3] =	ssyncadd.s32 $0xFFFFFFB0  }
0xf1: {  	_ =	swait.ge [sflag:s3], $0x2800  }
0xf2: {  	p1 =	seq.s32 s12, $0x0;
	[sflag:s3] =	ssyncset.done $0x0  }
0xf3: {  	s0 =	simm.s32 @!p1 $0x6;
	[sflag:s3] =	ssyncadd.s32 $0xFFFFD800  }
0xf4: {  	_ =	swait.ge @!p1 [sflag:s0], $0x2800  }
0xf5: {  	[sflag:s0] =	ssyncset.done @!p1 $0x0  }
0xf6: {  	s25 =	simm.s32 $0x80;
	[sflag:s0] =	ssyncadd.s32 @!p1 $0xFFFFD800  }
0xf7: {  	[tilespmem:s10], [sflag:$0x4] =	stream.indirect.gather [hbm4b:s1+s29], $0x80, s25, s29, $0xb8;
	[tilespmem:$0x1F580] =	vst v63  }
0xf8: {  	_ =	swait.ge [sflag:s11], $0x2800  }
0xf9: {  	[sflag:s11] =	ssyncset.done $0x0  }
0xfa: {  	s25 =	simm.s32 $0x0;
	[sflag:s11] =	ssyncadd.s32 $0xFFFFD800  }
0xfb: {  	v8 =	vld [tilespmem:s25+$0x2D00]  }
0xfc: {  	v13 =	vld [tilespmem:s25+$0x2D10]  }
0xfd: {  	v7 =	vld [tilespmem:s25+$0x2D20]  }
0xfe: {  	v6 =	vld [tilespmem:s25+$0x2D30]  }
0xff: {  	v5 =	vld [tilespmem:s25+$0x2D40]  }
0x100: {  	v4 =	vld [tilespmem:s25+$0x2D50]  }
0x101: {  	v3 =	vld [tilespmem:s25+$0x2D60]  }
0x102: {  	v2 =	vld [tilespmem:s25+$0x2D70]  }
0x103: {  	v14 =	vld [tilespmem:s25+$0x7D00]  }
0x104: {  	v15 =	vld [tilespmem:s25+$0x7D10]  }
0x105: {  	v12 =	vld [tilespmem:s25+$0x7D20]  }
0x106: {  	v11 =	vld [tilespmem:s25+$0x7D30]  }
0x107: {  	v10 =	vld [tilespmem:s25+$0x7D40]  }
0x108: {  	v9 =	vld [tilespmem:s25+$0x7D50];
	v14 =	vadd.f32 v14, v8  }
0x109: {  	s22 =	simm.s32 $0x200;
	v13 =	vadd.f32 v15, v13;
	v8 =	vld [tilespmem:s25+$0x7D60]  }
.LBB2_7:
0x10a: {  	s0 =	sshra.s32 s22, $0x2;
	p1 =	sne.s32 s22, $0x9E00;
	v14 =	vmax.f32 v14, $0.0e+00;
	v7 =	vadd.f32 v12, v7;
	v12 =	vld [tilespmem:s25+$0x7D70]  }
0x10b: {  	v15 =	vld [tilespmem:s0+$0x2D00];
	[tilespmem:s25+$0x7D00] =	vst v14;
	v13 =	vmax.f32 v13, $0.0e+00;
	v6 =	vadd.f32 v11, v6  }
0x10c: {  	v16 =	vld [tilespmem:s0+$0x2D10];
	[tilespmem:s25+$0x7D10] =	vst v13;
	v11 =	vmax.f32 v7, $0.0e+00;
	v5 =	vadd.f32 v10, v5  }
0x10d: {  	v7 =	vld [tilespmem:s0+$0x2D20];
	[tilespmem:s25+$0x7D20] =	vst v11;
	v10 =	vmax.f32 v6, $0.0e+00;
	v4 =	vadd.f32 v9, v4  }
0x10e: {  	v6 =	vld [tilespmem:s0+$0x2D30];
	[tilespmem:s25+$0x7D30] =	vst v10;
	v9 =	vmax.f32 v5, $0.0e+00;
	v3 =	vadd.f32 v8, v3  }
0x10f: {  	v5 =	vld [tilespmem:s0+$0x2D40];
	[tilespmem:s25+$0x7D40] =	vst v9;
	v8 =	vmax.f32 v4, $0.0e+00;
	v2 =	vadd.f32 v12, v2  }
0x110: {  	v4 =	vld [tilespmem:s0+$0x2D50];
	[tilespmem:s25+$0x7D50] =	vst v8;
	v8 =	vmax.f32 v3, $0.0e+00  }
0x111: {  	v3 =	vld [tilespmem:s0+$0x2D60];
	[tilespmem:s25+$0x7D60] =	vst v8;
	v8 =	vmax.f32 v2, $0.0e+00  }
0x112: {  	v2 =	vld [tilespmem:s0+$0x2D70];
	[tilespmem:s25+$0x7D70] =	vst v8;
	s25 =	smov.u32 s0  }
0x113: {  	v8 =	vld [tilespmem:s25+$0x7D00]  }
0x114: {  	v13 =	vld [tilespmem:s25+$0x7D10]  }
.Ltmp4:
0x115: {  	v12 =	vld [tilespmem:s25+$0x7D20];
	(pc) =	sbr.rel @p1 .LBB2_7-.Ltmp4, $4  }
0x116: {  	v11 =	vld [tilespmem:s25+$0x7D30]  }
0x117: {  	v10 =	vld [tilespmem:s25+$0x7D40]  }
0x118: {  	v14 =	vadd.f32 v8, v15;
	v9 =	vld [tilespmem:s25+$0x7D50]  }
0x119: {  	s22 =	sadd.s32 $0x200, s22;
	v13 =	vadd.f32 v13, v16;
	v8 =	vld [tilespmem:s25+$0x7D60]  }
0x11a: {  	v14 =	vmax.f32 v14, $0.0e+00;
	v7 =	vadd.f32 v12, v7;
	v63 =	vld [tilespmem:s25+$0x7D70]  }
0x11b: {  	[tilespmem:s25+$0x7D00] =	vst v14;
	v13 =	vmax.f32 v13, $0.0e+00;
	v6 =	vadd.f32 v11, v6  }
0x11c: {  	[tilespmem:s25+$0x7D10] =	vst v13;
	v7 =	vmax.f32 v7, $0.0e+00;
	v5 =	vadd.f32 v10, v5  }
0x11d: {  	[tilespmem:s25+$0x7D20] =	vst v7;
	v6 =	vmax.f32 v6, $0.0e+00;
	v4 =	vadd.f32 v9, v4  }
0x11e: {  	[tilespmem:s25+$0x7D30] =	vst v6;
	v5 =	vmax.f32 v5, $0.0e+00;
	v3 =	vadd.f32 v8, v3  }
0x11f: {  	[tilespmem:s25+$0x7D40] =	vst v5;
	v4 =	vmax.f32 v4, $0.0e+00;
	v2 =	vadd.f32 v63, v2  }
0x120: {  	[tilespmem:s25+$0x7D50] =	vst v4;
	v3 =	vmax.f32 v3, $0.0e+00  }
0x121: {  	[tilespmem:s25+$0x7D60] =	vst v3;
	v2 =	vmax.f32 v2, $0.0e+00  }
0x122: {  	[tilespmem:s25+$0x7D70] =	vst v2  }
0x123: {  	v2 =	vld [tilespmem:$0x180]  }
0x124: {  	v3 =	vld [tilespmem:$0x190]  }
0x125: {  	v4 =	vld [tilespmem:$0x1A0]  }
0x126: {  	v5 =	vld [tilespmem:$0x1B0]  }
0x127: {  	v6 =	vld [tilespmem:$0x1C0]  }
0x128: {  	[tilespmem:$0x280] =	vst v2  }
0x129: {  	[tilespmem:$0x290] =	vst v3  }
0x12a: {  	[tilespmem:$0x2A0] =	vst v4  }
0x12b: {  	[tilespmem:$0x2B0] =	vst v5  }
0x12c: {  	s0 =	simm.s32 $0x280;
	p1 =	seq.s32 s12, $0x3D;
	[tilespmem:$0x2C0] =	vst v6  }
0x12d: {  	[spmem:s2] =	stream.indirect.scatter.add.f32 [tilespmem:s10], [sflag:$0x6], $0x80, s0, s29, $0xb8;
	[tilespmem:$0x1F580] =	vst v63  }
0x12e: {  	s0 =	sadd.s32 @!p1 s24, s21  }
0x12f: {  	s22 =	sadd.s32 @!p1 s8, s0  }
0x130: {  	s16 =	simm.s32 @!p1 $0x80;
	s24 =	sshrl.u32 @!p1 s22, $0x3  }
0x131: {  	s25 =	simm.s32 @!p1 $0x0;
	s0 =	sshrl.u32 @!p1 s0, $0x3;
	s24 =	sadd.s32 @!p1 s6, s24  }
0x132: {  	[tilespmem:s16], [sflag:$0x2] =	stream.linear.gather @!p1 [hbm4b:s24+s25], $0x50, $0x38;
	[tilespmem:$0x1F580] =	vst v63  }
0x133: {  	s0 =	sadd.s32 @!p1 s7, s0;
	s16 =	simm.s32 @!p1 $0x180  }
0x134: {  	[tilespmem:s16], [sflag:$0x2] =	stream.linear.gather @!p1 [hbm4b:s0+s25], $0x50, $0x38;
	[tilespmem:$0x1F580] =	vst v63  }
0x135: {  	s0 =	sshll.u32 @!p1 s22, $0x4  }
0x136: {  	s16 =	simm.s32 @!p1 $0x2D00;
	s0 =	sadd.s32 @!p1 s5, s0  }
0x137: {  	[tilespmem:s16], [sflag:$0x2] =	stream.linear.gather @!p1 [hbm4b:s0+s25], $0x2800, $0x38;
	[tilespmem:$0x1F580] =	vst v63  }
0x138: {  	_ =	swait.ge [sflag:s18], $0x50  }
0x139: {  	[sflag:s18] =	ssyncset.done $0x0  }
0x13a: {  	[sflag:s18] =	ssyncadd.s32 $0xFFFFFFB0  }
0x13b: {  	_ =	swait.ge [sflag:s18], $0x50  }
0x13c: {  	[sflag:s18] =	ssyncset.done $0x0  }
0x13d: {  	[sflag:s18] =	ssyncadd.s32 $0xFFFFFFB0  }
0x13e: {  	s12 =	sadd.s32 $0x1, s12;
	_ =	swait.ge [sflag:s18], $0x2800  }
0x13f: {  	p1 =	sne.s32 s12, $0x3E;
	[sflag:s18] =	ssyncset.done $0x0  }
.Ltmp5:
0x140: {  	[sflag:s18] =	ssyncadd.s32 $0xFFFFD800;
	(pc) =	sbr.rel @p1 .LBB2_4-.Ltmp5, $4  }
0x141: {  	_ =	swait.ge [sflag:s13], $0x2800  }
0x142: {  	[sflag:s13] =	ssyncset.done $0x0  }
0x143: {  	[sflag:s13] =	ssyncadd.s32 $0xFFFFD800  }
0x144: {  	[tilespmem:s30], [sflag:$0x3] =	stream.indirect.gather [hbm4b:s1+s29], $0x80, s4, s29, $0xb8;
	[tilespmem:$0x1F580] =	vst v63  }
0x145: {  	_ =	swait.ge [sflag:s31], $0x2800  }
0x146: {  	[sflag:s31] =	ssyncset.done $0x0  }
0x147: {  	s12 =	simm.s32 $0x0;
	[sflag:s31] =	ssyncadd.s32 $0xFFFFD800  }
0x148: {  	v8 =	vld [tilespmem:s12+$0x500]  }
0x149: {  	v13 =	vld [tilespmem:s12+$0x510]  }
0x14a: {  	v7 =	vld [tilespmem:s12+$0x520]  }
0x14b: {  	v6 =	vld [tilespmem:s12+$0x530]  }
0x14c: {  	v5 =	vld [tilespmem:s12+$0x540]  }
0x14d: {  	v4 =	vld [tilespmem:s12+$0x550]  }
0x14e: {  	v3 =	vld [tilespmem:s12+$0x560]  }
0x14f: {  	v2 =	vld [tilespmem:s12+$0x570]  }
0x150: {  	v14 =	vld [tilespmem:s12+$0x5500]  }
0x151: {  	v15 =	vld [tilespmem:s12+$0x5510]  }
0x152: {  	v12 =	vld [tilespmem:s12+$0x5520]  }
0x153: {  	v11 =	vld [tilespmem:s12+$0x5530]  }
0x154: {  	v10 =	vld [tilespmem:s12+$0x5540]  }
0x155: {  	v9 =	vld [tilespmem:s12+$0x5550];
	v14 =	vadd.f32 v14, v8  }
0x156: {  	s22 =	simm.s32 $0x200;
	v13 =	vadd.f32 v15, v13;
	v8 =	vld [tilespmem:s12+$0x5560]  }
.LBB2_10:
0x157: {  	s0 =	sshra.s32 s22, $0x2;
	p1 =	sne.s32 s22, $0x9E00;
	v14 =	vmax.f32 v14, $0.0e+00;
	v7 =	vadd.f32 v12, v7;
	v12 =	vld [tilespmem:s12+$0x5570]  }
0x158: {  	v15 =	vld [tilespmem:s0+$0x500];
	[tilespmem:s12+$0x5500] =	vst v14;
	v13 =	vmax.f32 v13, $0.0e+00;
	v6 =	vadd.f32 v11, v6  }
0x159: {  	v16 =	vld [tilespmem:s0+$0x510];
	[tilespmem:s12+$0x5510] =	vst v13;
	v11 =	vmax.f32 v7, $0.0e+00;
	v5 =	vadd.f32 v10, v5  }
0x15a: {  	v7 =	vld [tilespmem:s0+$0x520];
	[tilespmem:s12+$0x5520] =	vst v11;
	v10 =	vmax.f32 v6, $0.0e+00;
	v4 =	vadd.f32 v9, v4  }
0x15b: {  	v6 =	vld [tilespmem:s0+$0x530];
	[tilespmem:s12+$0x5530] =	vst v10;
	v9 =	vmax.f32 v5, $0.0e+00;
	v3 =	vadd.f32 v8, v3  }
0x15c: {  	v5 =	vld [tilespmem:s0+$0x540];
	[tilespmem:s12+$0x5540] =	vst v9;
	v8 =	vmax.f32 v4, $0.0e+00;
	v2 =	vadd.f32 v12, v2  }
0x15d: {  	v4 =	vld [tilespmem:s0+$0x550];
	[tilespmem:s12+$0x5550] =	vst v8;
	v8 =	vmax.f32 v3, $0.0e+00  }
0x15e: {  	v3 =	vld [tilespmem:s0+$0x560];
	[tilespmem:s12+$0x5560] =	vst v8;
	v8 =	vmax.f32 v2, $0.0e+00  }
0x15f: {  	v2 =	vld [tilespmem:s0+$0x570];
	[tilespmem:s12+$0x5570] =	vst v8;
	s12 =	smov.u32 s0  }
0x160: {  	v8 =	vld [tilespmem:s12+$0x5500]  }
0x161: {  	v13 =	vld [tilespmem:s12+$0x5510]  }
.Ltmp6:
0x162: {  	v12 =	vld [tilespmem:s12+$0x5520];
	(pc) =	sbr.rel @p1 .LBB2_10-.Ltmp6, $4  }
0x163: {  	v11 =	vld [tilespmem:s12+$0x5530]  }
0x164: {  	v10 =	vld [tilespmem:s12+$0x5540]  }
0x165: {  	v14 =	vadd.f32 v8, v15;
	v9 =	vld [tilespmem:s12+$0x5550]  }
0x166: {  	s22 =	sadd.s32 $0x200, s22;
	v13 =	vadd.f32 v13, v16;
	v8 =	vld [tilespmem:s12+$0x5560]  }
0x167: {  	v14 =	vmax.f32 v14, $0.0e+00;
	v7 =	vadd.f32 v12, v7;
	v63 =	vld [tilespmem:s12+$0x5570]  }
0x168: {  	[tilespmem:s12+$0x5500] =	vst v14;
	v13 =	vmax.f32 v13, $0.0e+00;
	v6 =	vadd.f32 v11, v6  }
0x169: {  	[tilespmem:s12+$0x5510] =	vst v13;
	v7 =	vmax.f32 v7, $0.0e+00;
	v5 =	vadd.f32 v10, v5  }
0x16a: {  	[tilespmem:s12+$0x5520] =	vst v7;
	v6 =	vmax.f32 v6, $0.0e+00;
	v4 =	vadd.f32 v9, v4  }
0x16b: {  	[tilespmem:s12+$0x5530] =	vst v6;
	v5 =	vmax.f32 v5, $0.0e+00;
	v3 =	vadd.f32 v8, v3  }
0x16c: {  	[tilespmem:s12+$0x5540] =	vst v5;
	v4 =	vmax.f32 v4, $0.0e+00;
	v2 =	vadd.f32 v63, v2  }
0x16d: {  	[tilespmem:s12+$0x5550] =	vst v4;
	v3 =	vmax.f32 v3, $0.0e+00  }
0x16e: {  	[tilespmem:s12+$0x5560] =	vst v3;
	v2 =	vmax.f32 v2, $0.0e+00  }
0x16f: {  	[tilespmem:s12+$0x5570] =	vst v2  }
0x170: {  	v2 =	vld [tilespmem:$0x100]  }
0x171: {  	v3 =	vld [tilespmem:$0x110]  }
0x172: {  	v4 =	vld [tilespmem:$0x120]  }
0x173: {  	v5 =	vld [tilespmem:$0x130]  }
0x174: {  	v6 =	vld [tilespmem:$0x140]  }
0x175: {  	[tilespmem:$0x200] =	vst v2  }
0x176: {  	[tilespmem:$0x210] =	vst v3  }
0x177: {  	[tilespmem:$0x220] =	vst v4  }
0x178: {  	[tilespmem:$0x230] =	vst v5  }
0x179: {  	s0 =	simm.s32 $0x200;
	[tilespmem:$0x240] =	vst v6  }
0x17a: {  	[spmem:s2] =	stream.indirect.scatter.add.f32 [tilespmem:s30], [sflag:$0x5], $0x80, s0, s29, $0xb8;
	[tilespmem:$0x1F580] =	vst v63  }
0x17b: {  	_ =	swait.ge [sflag:s13], $0x2800  }
0x17c: {  	[sflag:s13] =	ssyncset.done $0x0  }
0x17d: {  	[sflag:s13] =	ssyncadd.s32 $0xFFFFD800  }
0x17e: {  	_ =	swait.ge [sflag:s14], $0x2800  }
0x17f: {  	[sflag:s14] =	ssyncset.done $0x0  }
0x180: {  	[sflag:s14] =	ssyncadd.s32 $0xFFFFD800  }
0x181: {  	[bflag:$0x0] =	sbarrier.arrive $0xFFFF  }
0x182: {  	s24 =	stileid.u32;
	s25 =	rddreg [dreg:$0x4]  }
0x183: {  	s0 =	sshll.u32 s24, $0x6;
	s16 =	rddreg [dreg:$0xb];
	s22 =	sshrl.u32 s25, $0x3  }
0x184: {  	s12 =	sor.u32 $0x1C07, s0;
	[smem:$0x7FA] =	sst s22  }
0x185: {  	[hbm:s16], [sflag:s12] =	dma.local [spmem:s22], $0x2700  }
0x186: {  	_ =	swait.ge [sflag:s23], $0x2700  }
0x187: {  	s22 =	rddreg [dreg:$0x1f]  }
0x188: {  	[sflag:s23] =	ssyncset.done $0x0;
	s16 =	rddreg [dreg:$0xc];
	s24 =	sshrl.u32 @!p0 s22, $0x3  }
0x189: {  	[sflag:s23] =	ssyncadd.s32 $0xFFFFD900;
	[smem:$0x7FB] =	sst s24  }
0x18a: {  	[hbm:s16], [sflag:s12] =	dma.local @!p0 [spmem:s24], $0x100  }
0x18b: {  	s24 =	simm.s32 @!p0 $0x7  }
0x18c: {  	_ =	swait.ge @!p0 [sflag:s24], $0x100  }
0x18d: {  	[sflag:s24] =	ssyncset.done @!p0 $0x0  }
0x18e: {  	[sflag:s24] =	ssyncadd.s32 @!p0 $0xFFFFFF00  }
0x18f: {  	s16 =	simm.s32 $0xA500;
	[bflag:$0x0] =	sbarrier.arrive $0xFFFF  }
0x190: {  	[spmem:s25] =	stream.linear.scatter [tilespmem:s16], [sflag:$0x7], $0x1800, $0x38;
	[tilespmem:$0x1F580] =	vst v63  }
0x191: {  	_ =	swait.ge [sflag:s23], $0x1800  }
0x192: {  	[sflag:s23] =	ssyncset.done $0x0  }
0x193: {  	s25 =	rddreg [dreg:$0x13];
	[sflag:s23] =	ssyncadd.s32 $0xFFFFE800  }
0x194: {  	[spmem:s25] =	stream.linear.scatter [tilespmem:s16], [sflag:$0x7], $0x1800, $0x38;
	[tilespmem:$0x1F580] =	vst v63  }
0x195: {  	_ =	swait.ge [sflag:s23], $0x1800  }
0x196: {  	[sflag:s23] =	ssyncset.done $0x0  }
0x197: {  	s25 =	rddreg [dreg:$0x14];
	[sflag:s23] =	ssyncadd.s32 $0xFFFFE800  }
0x198: {  	[spmem:s25] =	stream.linear.scatter [tilespmem:s16], [sflag:$0x7], $0x1800, $0x38;
	[tilespmem:$0x1F580] =	vst v63  }
0x199: {  	_ =	swait.ge [sflag:s23], $0x1800  }
0x19a: {  	[sflag:s23] =	ssyncset.done $0x0  }
0x19b: {  	s25 =	rddreg [dreg:$0x15];
	[sflag:s23] =	ssyncadd.s32 $0xFFFFE800  }
0x19c: {  	[spmem:s25] =	stream.linear.scatter [tilespmem:s16], [sflag:$0x7], $0x1800, $0x38;
	[tilespmem:$0x1F580] =	vst v63  }
0x19d: {  	_ =	swait.ge [sflag:s23], $0x1800  }
0x19e: {  	[sflag:s23] =	ssyncset.done $0x0  }
0x19f: {  	s25 =	rddreg [dreg:$0x16];
	[sflag:s23] =	ssyncadd.s32 $0xFFFFE800  }
0x1a0: {  	[spmem:s25] =	stream.linear.scatter [tilespmem:s16], [sflag:$0x7], $0x1800, $0x38;
	[tilespmem:$0x1F580] =	vst v63  }
0x1a1: {  	_ =	swait.ge [sflag:s23], $0x1800  }
0x1a2: {  	[sflag:s23] =	ssyncset.done $0x0  }
0x1a3: {  	s25 =	rddreg [dreg:$0x17];
	[sflag:s23] =	ssyncadd.s32 $0xFFFFE800  }
0x1a4: {  	[spmem:s25] =	stream.linear.scatter [tilespmem:s16], [sflag:$0x7], $0x1800, $0x38;
	[tilespmem:$0x1F580] =	vst v63  }
0x1a5: {  	_ =	swait.ge [sflag:s23], $0x1800  }
0x1a6: {  	[sflag:s23] =	ssyncset.done $0x0  }
0x1a7: {  	s25 =	rddreg [dreg:$0x18];
	[sflag:s23] =	ssyncadd.s32 $0xFFFFE800  }
0x1a8: {  	[spmem:s25] =	stream.linear.scatter [tilespmem:s16], [sflag:$0x7], $0x1800, $0x38;
	[tilespmem:$0x1F580] =	vst v63  }
0x1a9: {  	_ =	swait.ge [sflag:s23], $0x1800  }
0x1aa: {  	[sflag:s23] =	ssyncset.done $0x0  }
0x1ab: {  	s25 =	rddreg [dreg:$0x19];
	[sflag:s23] =	ssyncadd.s32 $0xFFFFE800  }
0x1ac: {  	[spmem:s25] =	stream.linear.scatter [tilespmem:s16], [sflag:$0x7], $0x1800, $0x38;
	[tilespmem:$0x1F580] =	vst v63  }
0x1ad: {  	_ =	swait.ge [sflag:s23], $0x1800  }
0x1ae: {  	[sflag:s23] =	ssyncset.done $0x0  }
0x1af: {  	s25 =	rddreg [dreg:$0x1a];
	[sflag:s23] =	ssyncadd.s32 $0xFFFFE800  }
0x1b0: {  	[spmem:s25] =	stream.linear.scatter [tilespmem:s16], [sflag:$0x7], $0x1800, $0x38;
	[tilespmem:$0x1F580] =	vst v63  }
0x1b1: {  	_ =	swait.ge [sflag:s23], $0x1800  }
0x1b2: {  	[sflag:s23] =	ssyncset.done $0x0  }
0x1b3: {  	s25 =	rddreg [dreg:$0x1b];
	[sflag:s23] =	ssyncadd.s32 $0xFFFFE800  }
0x1b4: {  	[spmem:s25] =	stream.linear.scatter [tilespmem:s16], [sflag:$0x7], $0x1800, $0x38;
	[tilespmem:$0x1F580] =	vst v63  }
0x1b5: {  	_ =	swait.ge [sflag:s23], $0x1800  }
0x1b6: {  	[sflag:s23] =	ssyncset.done $0x0  }
0x1b7: {  	s25 =	rddreg [dreg:$0x1c];
	[sflag:s23] =	ssyncadd.s32 $0xFFFFE800  }
0x1b8: {  	[spmem:s25] =	stream.linear.scatter [tilespmem:s16], [sflag:$0x7], $0x1800, $0x38;
	[tilespmem:$0x1F580] =	vst v63  }
0x1b9: {  	_ =	swait.ge [sflag:s23], $0x1800  }
0x1ba: {  	[sflag:s23] =	ssyncset.done $0x0  }
0x1bb: {  	s25 =	rddreg [dreg:$0x1d];
	[sflag:s23] =	ssyncadd.s32 $0xFFFFE800  }
0x1bc: {  	[spmem:s25] =	stream.linear.scatter [tilespmem:s16], [sflag:$0x7], $0x1800, $0x38;
	[tilespmem:$0x1F580] =	vst v63  }
0x1bd: {  	_ =	swait.ge [sflag:s23], $0x1800  }
0x1be: {  	[sflag:s23] =	ssyncset.done $0x0  }
0x1bf: {  	s25 =	rddreg [dreg:$0x1e];
	[sflag:s23] =	ssyncadd.s32 $0xFFFFE800  }
0x1c0: {  	[spmem:s25] =	stream.linear.scatter [tilespmem:s16], [sflag:$0x7], $0x1800, $0x38;
	[tilespmem:$0x1F580] =	vst v63  }
0x1c1: {  	_ =	swait.ge [sflag:s23], $0x1800  }
0x1c2: {  	[sflag:s23] =	ssyncset.done $0x0  }
0x1c3: {  	s0 =	simm.s32 @!p0 $0xA500;
	[sflag:s23] =	ssyncadd.s32 $0xFFFFE800  }
0x1c4: {  	[spmem:s22] =	stream.linear.scatter @!p0 [tilespmem:s0], [sflag:$0x7], $0x800, $0x38;
	[tilespmem:$0x1F580] =	vst v63  }
0x1c5: {  	s22 =	simm.s32 $0x0  }
0x1c6: {  	_ =	swait.ge @!p0 [sflag:s24], $0x800;
	s16 =	sand.u32 $0x7E00, s22  }
0x1c7: {  	s25 =	sand.u32 $0x70, s22;
	[sflag:s24] =	ssyncset.done @!p0 $0x0;
	s0 =	sshrl.u32 s16, $0x2  }
0x1c8: {  	[sflag:s24] =	ssyncadd.s32 @!p0 $0xFFFFF800;
	s25 =	sor.u32 s25, s0;
	s24 =	simm.s32 $0x40  }
.LBB2_12:
0x1c9: {  	p1 =	sne.s32 s24, $0x4FC0  }
0x1ca: {  	[tilespmem:s25+$0x5500] =	vst v1;
	s22 =	sadd.s32 $0x10, s22;
	s0 =	smov.u32 s24;
	s24 =	sadd.s32 $0x40, s24  }
.Ltmp7:
0x1cb: {  	(pc) =	sbr.rel @p1 .LBB2_12-.Ltmp7, $4  }
0x1cc: {  	_ = 	snop  }
0x1cd: {  	s0 =	sand.u32 $0x7E00, s0  }
0x1ce: {  	s16 =	sand.u32 $0x70, s22;
	s0 =	sshrl.u32 s0, $0x2  }
0x1cf: {  	s25 =	sor.u32 s16, s0  }
0x1d0: {  	[tilespmem:s25+$0x5500] =	vst v1  }
0x1d1: {  	[bflag:$0x0] =	sbarrier.arrive $0xFFFF  }
0x1d2: {  	s22 =	simm.s32 $0x0;
	s0 =	rddreg [dreg:$0xf]  }
0x1d3: {  	[tilespmem:s15], [sflag:$0x1] =	stream.linear.gather [hbm4b:s0+s22], $0x28, $0x38;
	[tilespmem:$0x1F580] =	vst v63  }
0x1d4: {  	s16 =	simm.s32 $0x380;
	s25 =	rddreg [dreg:$0x10]  }
0x1d5: {  	[tilespmem:s16], [sflag:$0x2] =	stream.linear.gather [hbm4b:s25+s22], $0x28, $0x38;
	[tilespmem:$0x1F580] =	vst v63  }
0x1d6: {  	_ =	swait.ge [sflag:s18], $0x28  }
0x1d7: {  	[sflag:s18] =	ssyncset.done $0x0  }
0x1d8: {  	[sflag:s18] =	ssyncadd.s32 $0xFFFFFFD8  }
0x1d9: {  	v2 =	vld [tilespmem:$0x300]  }
0x1da: {  	v3 =	vld [tilespmem:$0x310]  }
0x1db: {  	v4 =	vld [tilespmem:$0x318];
	_ =	sdelay $0x2  }
0x1dc: {  	[tilespmem:$0x400] =	vst v2  }
0x1dd: {  	[tilespmem:$0x410] =	vst v3  }
0x1de: {  	s24 =	sld [smem:$0x7FD];
	[tilespmem:$0x418] =	vst v4  }
0x1df: {  	[spmem:s2] =	stream.indirect.scatter.add.f32 [tilespmem:s30], [sflag:$0x5], $0x80, s9, s17, $0xb8;
	[tilespmem:$0x1F580] =	vst v63  }
0x1e0: {  	_ = 	snop  }
0x1e1: {  	[tilespmem:s15], [sflag:$0x1] =	stream.linear.gather [hbm4b:s24+s22], $0x28, $0x38;
	[tilespmem:$0x1F580] =	vst v63  }
0x1e2: {  	_ =	swait.ge [sflag:s3], $0x28  }
0x1e3: {  	[sflag:s3] =	ssyncset.done $0x0  }
0x1e4: {  	[sflag:s3] =	ssyncadd.s32 $0xFFFFFFD8  }
0x1e5: {  	v2 =	vld [tilespmem:$0x380]  }
0x1e6: {  	v3 =	vld [tilespmem:$0x390]  }
0x1e7: {  	v63 =	vld [tilespmem:$0x398];
	_ =	sdelay $0x2  }
0x1e8: {  	[tilespmem:$0x480] =	vst v2  }
0x1e9: {  	[tilespmem:$0x490] =	vst v3  }
0x1ea: {  	[tilespmem:$0x498] =	vst v63  }
0x1eb: {  	[spmem:s2] =	stream.indirect.scatter.add.f32 [tilespmem:s30], [sflag:$0x6], $0x80, s19, s17, $0xb8;
	[tilespmem:$0x1F580] =	vst v63  }
0x1ec: {  	s25 =	rddreg [dreg:$0x12]  }
0x1ed: {  	[tilespmem:s16], [sflag:$0x2] =	stream.linear.gather [hbm4b:s25+s22], $0x28, $0x38;
	[tilespmem:$0x1F580] =	vst v63  }
.LBB2_14:
0x1ee: {  	_ =	swait.ge [sflag:s18], $0x28  }
0x1ef: {  	[sflag:s18] =	ssyncset.done $0x0  }
0x1f0: {  	[sflag:s18] =	ssyncadd.s32 $0xFFFFFFD8  }
0x1f1: {  	_ =	swait.ge [sflag:s13], $0x1400  }
0x1f2: {  	[sflag:s13] =	ssyncset.done $0x0  }
0x1f3: {  	[sflag:s13] =	ssyncadd.s32 $0xFFFFEC00  }
0x1f4: {  	v2 =	vld [tilespmem:$0x300]  }
0x1f5: {  	v3 =	vld [tilespmem:$0x310]  }
0x1f6: {  	v4 =	vld [tilespmem:$0x318];
	_ =	sdelay $0x2  }
0x1f7: {  	[tilespmem:$0x400] =	vst v2  }
0x1f8: {  	[tilespmem:$0x410] =	vst v3  }
0x1f9: {  	[tilespmem:$0x418] =	vst v4  }
0x1fa: {  	[spmem:s2] =	stream.indirect.scatter.add.f32 [tilespmem:s30], [sflag:$0x5], $0x80, s9, s17, $0xb8;
	[tilespmem:$0x1F580] =	vst v63  }
0x1fb: {  	s0 =	sadd.s32 s22, s28  }
0x1fc: {  	[tilespmem:s15], [sflag:$0x1] =	stream.linear.gather [hbm4b:s0+s4], $0x28, $0x38;
	[tilespmem:$0x1F580] =	vst v63  }
0x1fd: {  	_ =	swait.ge [sflag:s3], $0x28  }
0x1fe: {  	[sflag:s3] =	ssyncset.done $0x0  }
0x1ff: {  	[sflag:s3] =	ssyncadd.s32 $0xFFFFFFD8  }
0x200: {  	_ =	swait.ge [sflag:s14], $0x1400  }
0x201: {  	[sflag:s14] =	ssyncset.done $0x0  }
0x202: {  	[sflag:s14] =	ssyncadd.s32 $0xFFFFEC00  }
0x203: {  	v2 =	vld [tilespmem:$0x380]  }
0x204: {  	v3 =	vld [tilespmem:$0x390]  }
0x205: {  	v63 =	vld [tilespmem:$0x398]  }
0x206: {  	p1 =	seq.s32 s22, $0x258  }
.Ltmp8:
0x207: {  	_ = 	snop;
	(pc) =	sbr.rel @p1 .LBB2_16-.Ltmp8, $4  }
0x208: {  	[tilespmem:$0x480] =	vst v2  }
0x209: {  	[tilespmem:$0x490] =	vst v3  }
0x20a: {  	[tilespmem:$0x498] =	vst v63  }
0x20b: {  	[spmem:s2] =	stream.indirect.scatter.add.f32 [tilespmem:s30], [sflag:$0x6], $0x80, s19, s17, $0xb8;
	[tilespmem:$0x1F580] =	vst v63  }
.Ltmp9:
0x20c: {  	(pc) =	sbr.rel .LBB2_14-.Ltmp9, $3  }
0x20d: {  	_ =	sdelay $0x1  }
0x20e: {  	s0 =	sadd.s32 s22, s26;
	s22 =	sadd.s32 $0xA, s22  }
0x20f: {  	[tilespmem:s16], [sflag:$0x2] =	stream.linear.gather [hbm4b:s0+s4], $0x28, $0x38;
	[tilespmem:$0x1F580] =	vst v63  }
.LBB2_17:
0x210: {  	_ =	sfence.sel $0x180000  }
0x211: {  	[bflag:$0x0] =	sbarrier.arrive $0xFFFF  }
0x212: {  	_ =	strace $0x90000047  }
0x213: {  	s0 =	stileid.u32;
	[bflag:$0x2] =	sbarrier.arrive $0xFFFF  }
0x214: {  	p0 =	sne.s32 s0, $0x0;
	s0 =	rddreg [dreg:$0x3]  }
0x215: {  	s0 =	sadd.s32 @!p0 $0x100000, s0  }
0x216: {  	[sflag:s0] =	ssyncadd.tile.s32 @!p0 $0x1;
	_ =	shalt  }
.Lfunc_end2:
_tile_overlayer_lowered:
.L_overlay_start_2:
0x217: {  	(tag) =	ssettag $0x2  }
0x218: {  	s0 =	rddreg [dreg:$0x0];
	s2 =	stileid.u32  }
0x219: {  	s1 =	rddreg [dreg:$0x1];
	p0 =	sne.s32 s2, $0x0  }
0x21a: {  	s3 =	rddreg [dreg:$0x2];
	[bflag:$0x3] =	sbarrier.arrive $0xFFFF;
	s2 =	simm.s32 @!p0 $0x1C07  }
0x21b: {  	[timem:s3], [sflag:s2] =	dma.local @!p0 [hbm:s0], s1  }
0x21c: {  	s0 =	simm.s32 @!p0 $0x7  }
0x21d: {  	_ =	swait.ge @!p0 [sflag:s0], s1  }
0x21e: {  	s1 =	ssub.s32 @!p0 $0x0, s1;
	[sflag:s0] =	ssyncset.done @!p0 $0x0  }
0x21f: {  	[sflag:s0] =	ssyncadd.s32 @!p0 s1  }
0x220: {  	[bflag:$0x3] =	sbarrier.arrive $0xFFFF  }
0x221: {  	_ =	shalt  }

</sc_bundles>
